<compile_context>
chip_gen: v7x
topology: tpu7x:2x2x1
jax: 0.10.2.dev20260603
libtpu: 0.0.44.dev20260713+nightly
codegen_flags: <defaults>
</compile_context>

<pallas_src>
import functools

import jax
import jax.numpy as jnp
from jax import lax
from jax.experimental import pallas as pl
from jax.experimental.pallas import tpu as pltpu
from jax.experimental.pallas import tpu_sc as plsc

N = 10000
D = 128
E = 320000
NPAD = 10240
WD = 144
NC = 2
NS = 16
NW = NC * NS
CH = 128
EPW = 10240
CHUNKS = EPW // CH
EPAD = EPW * NW
RPS = NPAD // NS
BLK = 1024
GRID = NPAD // BLK
NEG_SLOPE = 0.01
ZR = 40
NPH = 2



def _mm_max_body(x_ref, w_ref, b_ref, z_ref, m_ref):
    i = pl.program_id(0)
    z = jnp.dot(x_ref[...], w_ref[...], preferred_element_type=jnp.float32)
    z = z + b_ref[...]
    z_ref[...] = z
    blkmax = jnp.max(z[:, 128]).reshape(1, 1)

    @pl.when(i == 0)
    def _():
        m_ref[...] = blkmax

    @pl.when(i > 0)
    def _():
        m_ref[...] = jnp.maximum(m_ref[...], blkmax)


def _mm_max(xp, wfull, bfull):
    return pl.pallas_call(
        _mm_max_body,
        grid=(GRID,),
        in_specs=[
            pl.BlockSpec((BLK, D), lambda i: (i, 0)),
            pl.BlockSpec((D, WD), lambda i: (0, 0)),
            pl.BlockSpec((1, WD), lambda i: (0, 0)),
        ],
        out_specs=[
            pl.BlockSpec((BLK, WD), lambda i: (i, 0)),
            pl.BlockSpec((1, 1), lambda i: (0, 0)),
        ],
        out_shape=[
            jax.ShapeDtypeStruct((NPAD, WD), jnp.float32),
            jax.ShapeDtypeStruct((1, 1), jnp.float32),
        ],
    )(xp, wfull, bfull)


def _build_g_body(z_ref, m_ref, g_ref, p_ref):
    i = pl.program_id(0)
    z = z_ref[...]
    p = jnp.exp(z[:, 128:129] - m_ref[...])
    rows = lax.broadcasted_iota(jnp.int32, (BLK, 1), 0) + i * BLK
    p = jnp.where(rows < N, p, 0.0)
    g_ref[...] = z[:, :D] * p
    p_ref[...] = p


def _build_g(z, m):
    return pl.pallas_call(
        _build_g_body,
        grid=(GRID,),
        in_specs=[
            pl.BlockSpec((BLK, WD), lambda i: (i, 0)),
            pl.BlockSpec((1, 1), lambda i: (0, 0)),
        ],
        out_specs=[
            pl.BlockSpec((BLK, D), lambda i: (i, 0)),
            pl.BlockSpec((BLK, 1), lambda i: (i, 0)),
        ],
        out_shape=[
            jax.ShapeDtypeStruct((NPAD, D), jnp.float32),
            jax.ShapeDtypeStruct((NPAD, 1), jnp.float32),
        ],
    )(z, m)


def _hop_out(part, den):
    s = part[0] + part[1]
    d = den[0] + den[1]
    agg = jnp.where(d > 0.0, s / jnp.where(d > 0.0, d, 1.0), 0.0)
    return jnp.where(agg >= 0.0, agg, NEG_SLOPE * agg)


def _combine_mm_body(p_ref, d_ref, w_ref, b_ref, z_ref, m_ref):
    i = pl.program_id(0)
    agg = _hop_out(p_ref[...], d_ref[...])
    z = jnp.dot(agg, w_ref[...], preferred_element_type=jnp.float32)
    z = z + b_ref[...]
    z_ref[...] = z
    blkmax = jnp.max(z[:, 128]).reshape(1, 1)

    @pl.when(i == 0)
    def _():
        m_ref[...] = blkmax

    @pl.when(i > 0)
    def _():
        m_ref[...] = jnp.maximum(m_ref[...], blkmax)


def _combine_mm(part, den3, wfull, bfull):
    return pl.pallas_call(
        _combine_mm_body,
        grid=(GRID,),
        in_specs=[
            pl.BlockSpec((NC, BLK, D), lambda i: (0, i, 0)),
            pl.BlockSpec((NC, BLK, 1), lambda i: (0, i, 0)),
            pl.BlockSpec((D, WD), lambda i: (0, 0)),
            pl.BlockSpec((1, WD), lambda i: (0, 0)),
        ],
        out_specs=[
            pl.BlockSpec((BLK, WD), lambda i: (i, 0)),
            pl.BlockSpec((1, 1), lambda i: (0, 0)),
        ],
        out_shape=[
            jax.ShapeDtypeStruct((NPAD, WD), jnp.float32),
            jax.ShapeDtypeStruct((1, 1), jnp.float32),
        ],
    )(part, den3, wfull, bfull)


def _final_body(p_ref, d_ref, wga_ref, wgb_ref, gl_ref, bg_ref, out_ref, acc_ref):
    i = pl.program_id(0)
    agg = _hop_out(p_ref[...], d_ref[...])
    part = jnp.sum(agg, axis=0, keepdims=True)

    @pl.when(i == 0)
    def _():
        acc_ref[...] = part

    @pl.when(i > 0)
    def _():
        acc_ref[...] = acc_ref[...] + part

    @pl.when(i == pl.num_programs(0) - 1)
    def _():
        out_ref[...] = (
            jnp.dot(acc_ref[...], wga_ref[...], preferred_element_type=jnp.float32)
            + jnp.dot(gl_ref[...], wgb_ref[...], preferred_element_type=jnp.float32)
            + bg_ref[...]
        )


def _final(part, den3, wga, wgb, gl, bg):
    return pl.pallas_call(
        _final_body,
        grid=(GRID,),
        in_specs=[
            pl.BlockSpec((NC, BLK, D), lambda i: (0, i, 0)),
            pl.BlockSpec((NC, BLK, 1), lambda i: (0, i, 0)),
            pl.BlockSpec((D, D), lambda i: (0, 0)),
            pl.BlockSpec((D, D), lambda i: (0, 0)),
            pl.BlockSpec((1, D), lambda i: (0, 0)),
            pl.BlockSpec((1, D), lambda i: (0, 0)),
        ],
        out_specs=pl.BlockSpec((1, D), lambda i: (0, 0)),
        out_shape=jax.ShapeDtypeStruct((1, D), jnp.float32),
        scratch_shapes=[pltpu.VMEM((1, D), jnp.float32)],
    )(part, den3, wga, wgb, gl, bg)



def _edge_body(g_hbm, p_hbm, snd_hbm, rcv_hbm, zrow_hbm, zden_hbm,
               out_hbm, den_hbm,
               snd_v, rcv_v, rows0_v, rows1_v, pch0_v, pch1_v,
               acc, den, sg0, sg1):
    c = lax.axis_index("c")
    s = lax.axis_index("s")
    wid = c * NS + s
    rows_b = (rows0_v, rows1_v)
    pch_b = (pch0_v, pch1_v)
    sg = (sg0, sg1)

    half = CHUNKS // NPH

    for j in range(RPS // ZR):
        pltpu.sync_copy(zrow_hbm, acc.at[pl.ds(s * RPS + j * ZR, ZR)])
    pltpu.sync_copy(zden_hbm, den.at[pl.ds(s * RPS, RPS)])

    plsc.subcore_barrier()

    def issue_gather(chunk, b):
        pltpu.async_copy(g_hbm.at[snd_v.at[chunk]], rows_b[b], sg[b])
        pltpu.async_copy(p_hbm.at[snd_v.at[chunk]], pch_b[b], sg[b])

    for phase in range(NPH):
        pltpu.sync_copy(snd_hbm.at[wid, pl.ds(phase * half, half)], snd_v)
        pltpu.sync_copy(rcv_hbm.at[wid, pl.ds(phase * half, half)], rcv_v)
        issue_gather(0, 0)

        def outer(step, carry):
            for b in (0, 1):
                i = step * 2 + b

                @pl.when(i + 1 < half)
                def _():
                    issue_gather(i + 1, 1 - b)

                pltpu.make_async_copy(g_hbm.at[snd_v.at[i]], rows_b[b], sg[b]).wait()
                pltpu.make_async_copy(p_hbm.at[snd_v.at[i]], pch_b[b], sg[b]).wait()
                pltpu.sync_copy(rows_b[b], acc.at[rcv_v.at[i]], add=True)
                pltpu.sync_copy(pch_b[b], den.at[rcv_v.at[i]], add=True)
            return carry

        lax.fori_loop(0, half // 2, outer, 0)

    plsc.subcore_barrier()

    pltpu.sync_copy(acc.at[pl.ds(s * RPS, RPS)],
                    out_hbm.at[c, pl.ds(s * RPS, RPS)])
    pltpu.sync_copy(den.at[pl.ds(s * RPS, RPS)],
                    den_hbm.at[c, pl.ds(s * RPS, RPS)])


@functools.lru_cache(maxsize=None)
def _make_edge_pass():
    return pl.kernel(
        _edge_body,
        out_type=[
            jax.ShapeDtypeStruct((NC, NPAD, D), jnp.float32),
            jax.ShapeDtypeStruct((NC, NPAD), jnp.float32),
        ],
        mesh=plsc.VectorSubcoreMesh(core_axis_name="c", subcore_axis_name="s",
                                    num_cores=NC, num_subcores=NS),
        scratch_types=[
            pltpu.VMEM((CHUNKS // NPH, CH), jnp.int32),
            pltpu.VMEM((CHUNKS // NPH, CH), jnp.int32),
            pltpu.VMEM((CH, D), jnp.float32),
            pltpu.VMEM((CH, D), jnp.float32),
            pltpu.VMEM((CH,), jnp.float32),
            pltpu.VMEM((CH,), jnp.float32),
            pltpu.VMEM_SHARED((NPAD, D), jnp.float32),
            pltpu.VMEM_SHARED((NPAD,), jnp.float32),
            pltpu.SemaphoreType.DMA,
            pltpu.SemaphoreType.DMA,
        ],
    )



def _fold_weights(Wq, bq, Wl):
    wl_s = Wl[:D, :]
    wfull = jnp.concatenate(
        [Wq, Wq @ wl_s, jnp.zeros((D, WD - D - 1), jnp.float32)], axis=1)
    bfull = jnp.concatenate(
        [bq, bq @ wl_s, jnp.zeros((WD - D - 1,), jnp.float32)])
    return wfull, bfull[None, :]


def kernel(x, edge_index, globals_, W_q0, b_q0, W_l0, b_l0,
           W_q1, b_q1, W_l1, b_l1, W_g, b_g):
    wfull0, bfull0 = _fold_weights(W_q0, b_q0, W_l0)
    wfull1, bfull1 = _fold_weights(W_q1, b_q1, W_l1)

    xp = jnp.pad(x, ((0, NPAD - N), (0, 0)))
    snd = jnp.pad(edge_index[0], (0, EPAD - E), constant_values=N)
    rcv = jnp.pad(edge_index[1], (0, EPAD - E), constant_values=N)
    snd = snd.reshape(NW, CHUNKS, CH)
    rcv = rcv.reshape(NW, CHUNKS, CH)
    zrow = jnp.zeros((ZR, D), jnp.float32)
    zden = jnp.zeros((RPS,), jnp.float32)

    edge_pass = _make_edge_pass()

    z0, m0 = _mm_max(xp, wfull0, bfull0)
    g0, pcol0 = _build_g(z0, m0)
    p0 = jnp.reshape(pcol0, (NPAD,))
    acc0, den0 = edge_pass(g0, p0, snd, rcv, zrow, zden)
    den0c = jnp.reshape(den0, (NC, NPAD, 1))

    z1, m1 = _combine_mm(acc0, den0c, wfull1, bfull1)
    g1, pcol1 = _build_g(z1, m1)
    p1 = jnp.reshape(pcol1, (NPAD,))
    acc1, den1 = edge_pass(g1, p1, snd, rcv, zrow, zden)
    den1c = jnp.reshape(den1, (NC, NPAD, 1))

    return _final(acc1, den1c, W_g[:D], W_g[D:], globals_, b_g[None, :])

# --- scband reference (transcript-rebuilt; emitter-appended) ---
"""Pipeline reference for scband-gat-with-global-update-83468394431131 (READ-ONLY COPY).

The authoritative reference and input builder live on the scoring server;
editing this copy changes nothing except your own understanding.
"""

import jax, jax.numpy as jnp
import numpy as np

N_NODES = 10000
N_EDGES = 320000
D_FEAT = 128
ATTN = 128
D_GLOBAL = 128
GLOBAL_MLP = 128


def _glorot(k, shape):
    fi, fo = shape
    lim = (6.0 / (fi + fo)) ** 0.5
    return jax.random.uniform(k, shape, jnp.float32, -lim, lim)


def setup_inputs(seed: int = 0) -> dict:
    key = jax.random.key(seed)
    ks = jax.random.split(key, 12)
    inp = {}
    inp["x"] = jax.random.normal(ks[0], (N_NODES, D_FEAT), jnp.float32)
    inp["edge_index"] = jax.random.randint(ks[1], (2, N_EDGES), 0, N_NODES, dtype=jnp.int32)
    inp["globals_"] = jax.random.normal(ks[2], (1, D_GLOBAL), jnp.float32)
    # hop 0 params: attention_query Dense + attention_logit Dense(1)
    inp["W_q0"] = _glorot(ks[3], (D_FEAT, ATTN))
    inp["b_q0"] = jnp.zeros((ATTN,), jnp.float32)
    inp["W_l0"] = _glorot(ks[4], (2 * ATTN, 1))
    inp["b_l0"] = jnp.zeros((1,), jnp.float32)
    # hop 1 params
    inp["W_q1"] = _glorot(ks[5], (ATTN, ATTN))
    inp["b_q1"] = jnp.zeros((ATTN,), jnp.float32)
    inp["W_l1"] = _glorot(ks[6], (2 * ATTN, 1))
    inp["b_l1"] = jnp.zeros((1,), jnp.float32)
    # global update Dense(gat_global_update_mlp) on concat([agg_nodes, globals])
    inp["W_g"] = _glorot(ks[7], (ATTN + D_GLOBAL, GLOBAL_MLP))
    inp["b_g"] = jnp.zeros((GLOBAL_MLP,), jnp.float32)
    return inp


def _segment_softmax(logits, segment_ids, num_segments):
    maxs = jax.ops.segment_max(logits, segment_ids, num_segments)
    maxs = jnp.where(jnp.isfinite(maxs), maxs, 0.0)
    ex = jnp.exp(logits - maxs[segment_ids])
    denom = jax.ops.segment_sum(ex, segment_ids, num_segments)
    return ex / denom[segment_ids]


def _gat_hop(nodes, senders, receivers, Wq, bq, Wl, bl):
    # jraph.GAT semantics with default node_update_fn (leaky_relu + flatten heads)
    n = nodes.shape[0]
    q = nodes @ Wq + bq                       # attention_query_fn (Dense)
    sent = q[senders]                         # gather
    recv = q[receivers]                       # gather
    logits = jnp.concatenate([sent, recv], axis=1) @ Wl + bl  # attention_logit_fn Dense(1)
    w = _segment_softmax(logits, receivers, n)                # segment softmax over incoming edges
    msgs = sent * w
    agg = jax.ops.segment_sum(msgs, receivers, n)             # scatter-add
    agg = jax.nn.leaky_relu(agg)
    return jnp.reshape(agg, (agg.shape[0], -1))


def reference(x, edge_index, globals_, W_q0, b_q0, W_l0, b_l0, W_q1, b_q1, W_l1, b_l1, W_g, b_g):
    senders = edge_index[0]
    receivers = edge_index[1]
    nodes = _gat_hop(x, senders, receivers, W_q0, b_q0, W_l0, b_l0)
    nodes = _gat_hop(nodes, senders, receivers, W_q1, b_q1, W_l1, b_l1)
    # GraphNetwork global update: aggregate node features per graph (single graph)
    node_gr_idx = jnp.zeros((nodes.shape[0],), jnp.int32)
    agg_nodes = jax.ops.segment_sum(nodes, node_gr_idx, 1)
    new_globals = jnp.concatenate([agg_nodes, globals_], axis=1) @ W_g + b_g
    return new_globals

if __name__ == "__main__":
    import jax
    _d = setup_inputs()
    print(jax.jit(kernel)(*tuple(_d.values())))

</pallas_src>

<mosaic_0001>
#map = affine_map<(d0, d1) -> (0, 0)>
#map1 = affine_map<(d0, d1) -> (0)>
#map2 = affine_map<(d0, d1) -> (0, 0, 0)>
module attributes {stable_mosaic.version = 14 : i64} {
  func.func @_edge_body(%arg0: i32, %arg1: i32, %arg2: memref<10240x128xf32, #tpu.memory_space<hbm>>, %arg3: memref<10240xf32, #tpu.memory_space<hbm>>, %arg4: memref<32x80x128xi32, #tpu.memory_space<hbm>>, %arg5: memref<32x80x128xi32, #tpu.memory_space<hbm>>, %arg6: memref<40x128xf32, #tpu.memory_space<hbm>>, %arg7: memref<640xf32, #tpu.memory_space<hbm>>, %arg8: memref<2x10240x128xf32, #tpu.memory_space<hbm>>, %arg9: memref<2x10240xf32, #tpu.memory_space<hbm>>, %arg10: memref<40x128xi32, #tpu.memory_space<vmem>>, %arg11: memref<40x128xi32, #tpu.memory_space<vmem>>, %arg12: memref<128x128xf32, #tpu.memory_space<vmem>>, %arg13: memref<128x128xf32, #tpu.memory_space<vmem>>, %arg14: memref<128xf32, #tpu.memory_space<vmem>>, %arg15: memref<128xf32, #tpu.memory_space<vmem>>, %arg16: memref<10240x128xf32, #tpu.memory_space<vmem_shared>>, %arg17: memref<10240xf32, #tpu.memory_space<vmem_shared>>, %arg18: memref<!tpu.dma_semaphore, #tpu.memory_space<semaphore_mem>>, %arg19: memref<!tpu.dma_semaphore, #tpu.memory_space<semaphore_mem>>) attributes {dimension_semantics = [#tpu.dimension_semantics<core_parallel>, #tpu.dimension_semantics<subcore_parallel>], iteration_bounds = array<i64: 2, 16>, scalar_prefetch = 0 : i64, scratch_operands = 10 : i64, tpu.core_type = #tpu.core_type<sc_vector_subcore>, window_params = [{transform_indices = #map}, {transform_indices = #map1}, {transform_indices = #map2}, {transform_indices = #map2}, {transform_indices = #map}, {transform_indices = #map1}, {transform_indices = #map2}, {transform_indices = #map}]} {
    %mul3A = arith.constant 16 : i32
    %mul3A_0 = arith.muli %arg0, %mul3A : i32
    %add3A = arith.addi %mul3A_0, %arg1 : i32
    %mul3A_1 = arith.constant 640 : i32
    %mul3A_2 = arith.muli %arg1, %mul3A_1 : i32
    %add3A_3 = arith.constant 0 : i32
    %add3A_4 = arith.addi %mul3A_2, %add3A_3 : i32
    "tpu.region"() ({
      %run_scoped3A = tpu.sem_alloc : memref<!tpu.dma_semaphore, #tpu.memory_space<semaphore_mem>>
      %dma_start3A_112 = arith.constant 0 : i32
      %dma_start3A_113 = tpu.memref_slice %arg16[%add3A_4, %dma_start3A_112] : memref<10240x128xf32, #tpu.memory_space<vmem_shared>> -> memref<40x128xf32, #tpu.memory_space<vmem_shared>>
      tpu.enqueue_dma source(%arg6 : memref<40x128xf32, #tpu.memory_space<hbm>>) target(%dma_start3A_113 : memref<40x128xf32, #tpu.memory_space<vmem_shared>>) target_semaphore(%run_scoped3A : memref<!tpu.dma_semaphore, #tpu.memory_space<semaphore_mem>>)
      %dma_wait3A = arith.constant 0 : i32
      %dma_wait3A_114 = tpu.memref_slice %arg16[%add3A_4, %dma_wait3A] : memref<10240x128xf32, #tpu.memory_space<vmem_shared>> -> memref<40x128xf32, #tpu.memory_space<vmem_shared>>
      tpu.wait_dma2 semaphore(%run_scoped3A : memref<!tpu.dma_semaphore, #tpu.memory_space<semaphore_mem>>) src(%arg6 : memref<40x128xf32, #tpu.memory_space<hbm>>) dst(%dma_wait3A_114 : memref<40x128xf32, #tpu.memory_space<vmem_shared>>)
      tpu.yield
    }) : () -> ()
    %mul3A_5 = arith.constant 640 : i32
    %mul3A_6 = arith.muli %arg1, %mul3A_5 : i32
    %add3A_7 = arith.constant 40 : i32
    %add3A_8 = arith.addi %mul3A_6, %add3A_7 : i32
    "tpu.region"() ({
      %run_scoped3A = tpu.sem_alloc : memref<!tpu.dma_semaphore, #tpu.memory_space<semaphore_mem>>
      %dma_start3A_112 = arith.constant 0 : i32
      %dma_start3A_113 = tpu.memref_slice %arg16[%add3A_8, %dma_start3A_112] : memref<10240x128xf32, #tpu.memory_space<vmem_shared>> -> memref<40x128xf32, #tpu.memory_space<vmem_shared>>
      tpu.enqueue_dma source(%arg6 : memref<40x128xf32, #tpu.memory_space<hbm>>) target(%dma_start3A_113 : memref<40x128xf32, #tpu.memory_space<vmem_shared>>) target_semaphore(%run_scoped3A : memref<!tpu.dma_semaphore, #tpu.memory_space<semaphore_mem>>)
      %dma_wait3A = arith.constant 0 : i32
      %dma_wait3A_114 = tpu.memref_slice %arg16[%add3A_8, %dma_wait3A] : memref<10240x128xf32, #tpu.memory_space<vmem_shared>> -> memref<40x128xf32, #tpu.memory_space<vmem_shared>>
      tpu.wait_dma2 semaphore(%run_scoped3A : memref<!tpu.dma_semaphore, #tpu.memory_space<semaphore_mem>>) src(%arg6 : memref<40x128xf32, #tpu.memory_space<hbm>>) dst(%dma_wait3A_114 : memref<40x128xf32, #tpu.memory_space<vmem_shared>>)
      tpu.yield
    }) : () -> ()
    %mul3A_9 = arith.constant 640 : i32
    %mul3A_10 = arith.muli %arg1, %mul3A_9 : i32
    %add3A_11 = arith.constant 80 : i32
    %add3A_12 = arith.addi %mul3A_10, %add3A_11 : i32
    "tpu.region"() ({
      %run_scoped3A = tpu.sem_alloc : memref<!tpu.dma_semaphore, #tpu.memory_space<semaphore_mem>>
      %dma_start3A_112 = arith.constant 0 : i32
      %dma_start3A_113 = tpu.memref_slice %arg16[%add3A_12, %dma_start3A_112] : memref<10240x128xf32, #tpu.memory_space<vmem_shared>> -> memref<40x128xf32, #tpu.memory_space<vmem_shared>>
      tpu.enqueue_dma source(%arg6 : memref<40x128xf32, #tpu.memory_space<hbm>>) target(%dma_start3A_113 : memref<40x128xf32, #tpu.memory_space<vmem_shared>>) target_semaphore(%run_scoped3A : memref<!tpu.dma_semaphore, #tpu.memory_space<semaphore_mem>>)
      %dma_wait3A = arith.constant 0 : i32
      %dma_wait3A_114 = tpu.memref_slice %arg16[%add3A_12, %dma_wait3A] : memref<10240x128xf32, #tpu.memory_space<vmem_shared>> -> memref<40x128xf32, #tpu.memory_space<vmem_shared>>
      tpu.wait_dma2 semaphore(%run_scoped3A : memref<!tpu.dma_semaphore, #tpu.memory_space<semaphore_mem>>) src(%arg6 : memref<40x128xf32, #tpu.memory_space<hbm>>) dst(%dma_wait3A_114 : memref<40x128xf32, #tpu.memory_space<vmem_shared>>)
      tpu.yield
    }) : () -> ()
    %mul3A_13 = arith.constant 640 : i32
    %mul3A_14 = arith.muli %arg1, %mul3A_13 : i32
    %add3A_15 = arith.constant 120 : i32
    %add3A_16 = arith.addi %mul3A_14, %add3A_15 : i32
    "tpu.region"() ({
      %run_scoped3A = tpu.sem_alloc : memref<!tpu.dma_semaphore, #tpu.memory_space<semaphore_mem>>
      %dma_start3A_112 = arith.constant 0 : i32
      %dma_start3A_113 = tpu.memref_slice %arg16[%add3A_16, %dma_start3A_112] : memref<10240x128xf32, #tpu.memory_space<vmem_shared>> -> memref<40x128xf32, #tpu.memory_space<vmem_shared>>
      tpu.enqueue_dma source(%arg6 : memref<40x128xf32, #tpu.memory_space<hbm>>) target(%dma_start3A_113 : memref<40x128xf32, #tpu.memory_space<vmem_shared>>) target_semaphore(%run_scoped3A : memref<!tpu.dma_semaphore, #tpu.memory_space<semaphore_mem>>)
      %dma_wait3A = arith.constant 0 : i32
      %dma_wait3A_114 = tpu.memref_slice %arg16[%add3A_16, %dma_wait3A] : memref<10240x128xf32, #tpu.memory_space<vmem_shared>> -> memref<40x128xf32, #tpu.memory_space<vmem_shared>>
      tpu.wait_dma2 semaphore(%run_scoped3A : memref<!tpu.dma_semaphore, #tpu.memory_space<semaphore_mem>>) src(%arg6 : memref<40x128xf32, #tpu.memory_space<hbm>>) dst(%dma_wait3A_114 : memref<40x128xf32, #tpu.memory_space<vmem_shared>>)
      tpu.yield
    }) : () -> ()
    %mul3A_17 = arith.constant 640 : i32
    %mul3A_18 = arith.muli %arg1, %mul3A_17 : i32
    %add3A_19 = arith.constant 160 : i32
    %add3A_20 = arith.addi %mul3A_18, %add3A_19 : i32
    "tpu.region"() ({
      %run_scoped3A = tpu.sem_alloc : memref<!tpu.dma_semaphore, #tpu.memory_space<semaphore_mem>>
      %dma_start3A_112 = arith.constant 0 : i32
      %dma_start3A_113 = tpu.memref_slice %arg16[%add3A_20, %dma_start3A_112] : memref<10240x128xf32, #tpu.memory_space<vmem_shared>> -> memref<40x128xf32, #tpu.memory_space<vmem_shared>>
      tpu.enqueue_dma source(%arg6 : memref<40x128xf32, #tpu.memory_space<hbm>>) target(%dma_start3A_113 : memref<40x128xf32, #tpu.memory_space<vmem_shared>>) target_semaphore(%run_scoped3A : memref<!tpu.dma_semaphore, #tpu.memory_space<semaphore_mem>>)
      %dma_wait3A = arith.constant 0 : i32
      %dma_wait3A_114 = tpu.memref_slice %arg16[%add3A_20, %dma_wait3A] : memref<10240x128xf32, #tpu.memory_space<vmem_shared>> -> memref<40x128xf32, #tpu.memory_space<vmem_shared>>
      tpu.wait_dma2 semaphore(%run_scoped3A : memref<!tpu.dma_semaphore, #tpu.memory_space<semaphore_mem>>) src(%arg6 : memref<40x128xf32, #tpu.memory_space<hbm>>) dst(%dma_wait3A_114 : memref<40x128xf32, #tpu.memory_space<vmem_shared>>)
      tpu.yield
    }) : () -> ()
    %mul3A_21 = arith.constant 640 : i32
    %mul3A_22 = arith.muli %arg1, %mul3A_21 : i32
    %add3A_23 = arith.constant 200 : i32
    %add3A_24 = arith.addi %mul3A_22, %add3A_23 : i32
    "tpu.region"() ({
      %run_scoped3A = tpu.sem_alloc : memref<!tpu.dma_semaphore, #tpu.memory_space<semaphore_mem>>
      %dma_start3A_112 = arith.constant 0 : i32
      %dma_start3A_113 = tpu.memref_slice %arg16[%add3A_24, %dma_start3A_112] : memref<10240x128xf32, #tpu.memory_space<vmem_shared>> -> memref<40x128xf32, #tpu.memory_space<vmem_shared>>
      tpu.enqueue_dma source(%arg6 : memref<40x128xf32, #tpu.memory_space<hbm>>) target(%dma_start3A_113 : memref<40x128xf32, #tpu.memory_space<vmem_shared>>) target_semaphore(%run_scoped3A : memref<!tpu.dma_semaphore, #tpu.memory_space<semaphore_mem>>)
      %dma_wait3A = arith.constant 0 : i32
      %dma_wait3A_114 = tpu.memref_slice %arg16[%add3A_24, %dma_wait3A] : memref<10240x128xf32, #tpu.memory_space<vmem_shared>> -> memref<40x128xf32, #tpu.memory_space<vmem_shared>>
      tpu.wait_dma2 semaphore(%run_scoped3A : memref<!tpu.dma_semaphore, #tpu.memory_space<semaphore_mem>>) src(%arg6 : memref<40x128xf32, #tpu.memory_space<hbm>>) dst(%dma_wait3A_114 : memref<40x128xf32, #tpu.memory_space<vmem_shared>>)
      tpu.yield
    }) : () -> ()
    %mul3A_25 = arith.constant 640 : i32
    %mul3A_26 = arith.muli %arg1, %mul3A_25 : i32
    %add3A_27 = arith.constant 240 : i32
    %add3A_28 = arith.addi %mul3A_26, %add3A_27 : i32
    "tpu.region"() ({
      %run_scoped3A = tpu.sem_alloc : memref<!tpu.dma_semaphore, #tpu.memory_space<semaphore_mem>>
      %dma_start3A_112 = arith.constant 0 : i32
      %dma_start3A_113 = tpu.memref_slice %arg16[%add3A_28, %dma_start3A_112] : memref<10240x128xf32, #tpu.memory_space<vmem_shared>> -> memref<40x128xf32, #tpu.memory_space<vmem_shared>>
      tpu.enqueue_dma source(%arg6 : memref<40x128xf32, #tpu.memory_space<hbm>>) target(%dma_start3A_113 : memref<40x128xf32, #tpu.memory_space<vmem_shared>>) target_semaphore(%run_scoped3A : memref<!tpu.dma_semaphore, #tpu.memory_space<semaphore_mem>>)
      %dma_wait3A = arith.constant 0 : i32
      %dma_wait3A_114 = tpu.memref_slice %arg16[%add3A_28, %dma_wait3A] : memref<10240x128xf32, #tpu.memory_space<vmem_shared>> -> memref<40x128xf32, #tpu.memory_space<vmem_shared>>
      tpu.wait_dma2 semaphore(%run_scoped3A : memref<!tpu.dma_semaphore, #tpu.memory_space<semaphore_mem>>) src(%arg6 : memref<40x128xf32, #tpu.memory_space<hbm>>) dst(%dma_wait3A_114 : memref<40x128xf32, #tpu.memory_space<vmem_shared>>)
      tpu.yield
    }) : () -> ()
    %mul3A_29 = arith.constant 640 : i32
    %mul3A_30 = arith.muli %arg1, %mul3A_29 : i32
    %add3A_31 = arith.constant 280 : i32
    %add3A_32 = arith.addi %mul3A_30, %add3A_31 : i32
    "tpu.region"() ({
      %run_scoped3A = tpu.sem_alloc : memref<!tpu.dma_semaphore, #tpu.memory_space<semaphore_mem>>
      %dma_start3A_112 = arith.constant 0 : i32
      %dma_start3A_113 = tpu.memref_slice %arg16[%add3A_32, %dma_start3A_112] : memref<10240x128xf32, #tpu.memory_space<vmem_shared>> -> memref<40x128xf32, #tpu.memory_space<vmem_shared>>
      tpu.enqueue_dma source(%arg6 : memref<40x128xf32, #tpu.memory_space<hbm>>) target(%dma_start3A_113 : memref<40x128xf32, #tpu.memory_space<vmem_shared>>) target_semaphore(%run_scoped3A : memref<!tpu.dma_semaphore, #tpu.memory_space<semaphore_mem>>)
      %dma_wait3A = arith.constant 0 : i32
      %dma_wait3A_114 = tpu.memref_slice %arg16[%add3A_32, %dma_wait3A] : memref<10240x128xf32, #tpu.memory_space<vmem_shared>> -> memref<40x128xf32, #tpu.memory_space<vmem_shared>>
      tpu.wait_dma2 semaphore(%run_scoped3A : memref<!tpu.dma_semaphore, #tpu.memory_space<semaphore_mem>>) src(%arg6 : memref<40x128xf32, #tpu.memory_space<hbm>>) dst(%dma_wait3A_114 : memref<40x128xf32, #tpu.memory_space<vmem_shared>>)
      tpu.yield
    }) : () -> ()
    %mul3A_33 = arith.constant 640 : i32
    %mul3A_34 = arith.muli %arg1, %mul3A_33 : i32
    %add3A_35 = arith.constant 320 : i32
    %add3A_36 = arith.addi %mul3A_34, %add3A_35 : i32
    "tpu.region"() ({
      %run_scoped3A = tpu.sem_alloc : memref<!tpu.dma_semaphore, #tpu.memory_space<semaphore_mem>>
      %dma_start3A_112 = arith.constant 0 : i32
      %dma_start3A_113 = tpu.memref_slice %arg16[%add3A_36, %dma_start3A_112] : memref<10240x128xf32, #tpu.memory_space<vmem_shared>> -> memref<40x128xf32, #tpu.memory_space<vmem_shared>>
      tpu.enqueue_dma source(%arg6 : memref<40x128xf32, #tpu.memory_space<hbm>>) target(%dma_start3A_113 : memref<40x128xf32, #tpu.memory_space<vmem_shared>>) target_semaphore(%run_scoped3A : memref<!tpu.dma_semaphore, #tpu.memory_space<semaphore_mem>>)
      %dma_wait3A = arith.constant 0 : i32
      %dma_wait3A_114 = tpu.memref_slice %arg16[%add3A_36, %dma_wait3A] : memref<10240x128xf32, #tpu.memory_space<vmem_shared>> -> memref<40x128xf32, #tpu.memory_space<vmem_shared>>
      tpu.wait_dma2 semaphore(%run_scoped3A : memref<!tpu.dma_semaphore, #tpu.memory_space<semaphore_mem>>) src(%arg6 : memref<40x128xf32, #tpu.memory_space<hbm>>) dst(%dma_wait3A_114 : memref<40x128xf32, #tpu.memory_space<vmem_shared>>)
      tpu.yield
    }) : () -> ()
    %mul3A_37 = arith.constant 640 : i32
    %mul3A_38 = arith.muli %arg1, %mul3A_37 : i32
    %add3A_39 = arith.constant 360 : i32
    %add3A_40 = arith.addi %mul3A_38, %add3A_39 : i32
    "tpu.region"() ({
      %run_scoped3A = tpu.sem_alloc : memref<!tpu.dma_semaphore, #tpu.memory_space<semaphore_mem>>
      %dma_start3A_112 = arith.constant 0 : i32
      %dma_start3A_113 = tpu.memref_slice %arg16[%add3A_40, %dma_start3A_112] : memref<10240x128xf32, #tpu.memory_space<vmem_shared>> -> memref<40x128xf32, #tpu.memory_space<vmem_shared>>
      tpu.enqueue_dma source(%arg6 : memref<40x128xf32, #tpu.memory_space<hbm>>) target(%dma_start3A_113 : memref<40x128xf32, #tpu.memory_space<vmem_shared>>) target_semaphore(%run_scoped3A : memref<!tpu.dma_semaphore, #tpu.memory_space<semaphore_mem>>)
      %dma_wait3A = arith.constant 0 : i32
      %dma_wait3A_114 = tpu.memref_slice %arg16[%add3A_40, %dma_wait3A] : memref<10240x128xf32, #tpu.memory_space<vmem_shared>> -> memref<40x128xf32, #tpu.memory_space<vmem_shared>>
      tpu.wait_dma2 semaphore(%run_scoped3A : memref<!tpu.dma_semaphore, #tpu.memory_space<semaphore_mem>>) src(%arg6 : memref<40x128xf32, #tpu.memory_space<hbm>>) dst(%dma_wait3A_114 : memref<40x128xf32, #tpu.memory_space<vmem_shared>>)
      tpu.yield
    }) : () -> ()
    %mul3A_41 = arith.constant 640 : i32
    %mul3A_42 = arith.muli %arg1, %mul3A_41 : i32
    %add3A_43 = arith.constant 400 : i32
    %add3A_44 = arith.addi %mul3A_42, %add3A_43 : i32
    "tpu.region"() ({
      %run_scoped3A = tpu.sem_alloc : memref<!tpu.dma_semaphore, #tpu.memory_space<semaphore_mem>>
      %dma_start3A_112 = arith.constant 0 : i32
      %dma_start3A_113 = tpu.memref_slice %arg16[%add3A_44, %dma_start3A_112] : memref<10240x128xf32, #tpu.memory_space<vmem_shared>> -> memref<40x128xf32, #tpu.memory_space<vmem_shared>>
      tpu.enqueue_dma source(%arg6 : memref<40x128xf32, #tpu.memory_space<hbm>>) target(%dma_start3A_113 : memref<40x128xf32, #tpu.memory_space<vmem_shared>>) target_semaphore(%run_scoped3A : memref<!tpu.dma_semaphore, #tpu.memory_space<semaphore_mem>>)
      %dma_wait3A = arith.constant 0 : i32
      %dma_wait3A_114 = tpu.memref_slice %arg16[%add3A_44, %dma_wait3A] : memref<10240x128xf32, #tpu.memory_space<vmem_shared>> -> memref<40x128xf32, #tpu.memory_space<vmem_shared>>
      tpu.wait_dma2 semaphore(%run_scoped3A : memref<!tpu.dma_semaphore, #tpu.memory_space<semaphore_mem>>) src(%arg6 : memref<40x128xf32, #tpu.memory_space<hbm>>) dst(%dma_wait3A_114 : memref<40x128xf32, #tpu.memory_space<vmem_shared>>)
      tpu.yield
    }) : () -> ()
    %mul3A_45 = arith.constant 640 : i32
    %mul3A_46 = arith.muli %arg1, %mul3A_45 : i32
    %add3A_47 = arith.constant 440 : i32
    %add3A_48 = arith.addi %mul3A_46, %add3A_47 : i32
    "tpu.region"() ({
      %run_scoped3A = tpu.sem_alloc : memref<!tpu.dma_semaphore, #tpu.memory_space<semaphore_mem>>
      %dma_start3A_112 = arith.constant 0 : i32
      %dma_start3A_113 = tpu.memref_slice %arg16[%add3A_48, %dma_start3A_112] : memref<10240x128xf32, #tpu.memory_space<vmem_shared>> -> memref<40x128xf32, #tpu.memory_space<vmem_shared>>
      tpu.enqueue_dma source(%arg6 : memref<40x128xf32, #tpu.memory_space<hbm>>) target(%dma_start3A_113 : memref<40x128xf32, #tpu.memory_space<vmem_shared>>) target_semaphore(%run_scoped3A : memref<!tpu.dma_semaphore, #tpu.memory_space<semaphore_mem>>)
      %dma_wait3A = arith.constant 0 : i32
      %dma_wait3A_114 = tpu.memref_slice %arg16[%add3A_48, %dma_wait3A] : memref<10240x128xf32, #tpu.memory_space<vmem_shared>> -> memref<40x128xf32, #tpu.memory_space<vmem_shared>>
      tpu.wait_dma2 semaphore(%run_scoped3A : memref<!tpu.dma_semaphore, #tpu.memory_space<semaphore_mem>>) src(%arg6 : memref<40x128xf32, #tpu.memory_space<hbm>>) dst(%dma_wait3A_114 : memref<40x128xf32, #tpu.memory_space<vmem_shared>>)
      tpu.yield
    }) : () -> ()
    %mul3A_49 = arith.constant 640 : i32
    %mul3A_50 = arith.muli %arg1, %mul3A_49 : i32
    %add3A_51 = arith.constant 480 : i32
    %add3A_52 = arith.addi %mul3A_50, %add3A_51 : i32
    "tpu.region"() ({
      %run_scoped3A = tpu.sem_alloc : memref<!tpu.dma_semaphore, #tpu.memory_space<semaphore_mem>>
      %dma_start3A_112 = arith.constant 0 : i32
      %dma_start3A_113 = tpu.memref_slice %arg16[%add3A_52, %dma_start3A_112] : memref<10240x128xf32, #tpu.memory_space<vmem_shared>> -> memref<40x128xf32, #tpu.memory_space<vmem_shared>>
      tpu.enqueue_dma source(%arg6 : memref<40x128xf32, #tpu.memory_space<hbm>>) target(%dma_start3A_113 : memref<40x128xf32, #tpu.memory_space<vmem_shared>>) target_semaphore(%run_scoped3A : memref<!tpu.dma_semaphore, #tpu.memory_space<semaphore_mem>>)
      %dma_wait3A = arith.constant 0 : i32
      %dma_wait3A_114 = tpu.memref_slice %arg16[%add3A_52, %dma_wait3A] : memref<10240x128xf32, #tpu.memory_space<vmem_shared>> -> memref<40x128xf32, #tpu.memory_space<vmem_shared>>
      tpu.wait_dma2 semaphore(%run_scoped3A : memref<!tpu.dma_semaphore, #tpu.memory_space<semaphore_mem>>) src(%arg6 : memref<40x128xf32, #tpu.memory_space<hbm>>) dst(%dma_wait3A_114 : memref<40x128xf32, #tpu.memory_space<vmem_shared>>)
      tpu.yield
    }) : () -> ()
    %mul3A_53 = arith.constant 640 : i32
    %mul3A_54 = arith.muli %arg1, %mul3A_53 : i32
    %add3A_55 = arith.constant 520 : i32
    %add3A_56 = arith.addi %mul3A_54, %add3A_55 : i32
    "tpu.region"() ({
      %run_scoped3A = tpu.sem_alloc : memref<!tpu.dma_semaphore, #tpu.memory_space<semaphore_mem>>
      %dma_start3A_112 = arith.constant 0 : i32
      %dma_start3A_113 = tpu.memref_slice %arg16[%add3A_56, %dma_start3A_112] : memref<10240x128xf32, #tpu.memory_space<vmem_shared>> -> memref<40x128xf32, #tpu.memory_space<vmem_shared>>
      tpu.enqueue_dma source(%arg6 : memref<40x128xf32, #tpu.memory_space<hbm>>) target(%dma_start3A_113 : memref<40x128xf32, #tpu.memory_space<vmem_shared>>) target_semaphore(%run_scoped3A : memref<!tpu.dma_semaphore, #tpu.memory_space<semaphore_mem>>)
      %dma_wait3A = arith.constant 0 : i32
      %dma_wait3A_114 = tpu.memref_slice %arg16[%add3A_56, %dma_wait3A] : memref<10240x128xf32, #tpu.memory_space<vmem_shared>> -> memref<40x128xf32, #tpu.memory_space<vmem_shared>>
      tpu.wait_dma2 semaphore(%run_scoped3A : memref<!tpu.dma_semaphore, #tpu.memory_space<semaphore_mem>>) src(%arg6 : memref<40x128xf32, #tpu.memory_space<hbm>>) dst(%dma_wait3A_114 : memref<40x128xf32, #tpu.memory_space<vmem_shared>>)
      tpu.yield
    }) : () -> ()
    %mul3A_57 = arith.constant 640 : i32
    %mul3A_58 = arith.muli %arg1, %mul3A_57 : i32
    %add3A_59 = arith.constant 560 : i32
    %add3A_60 = arith.addi %mul3A_58, %add3A_59 : i32
    "tpu.region"() ({
      %run_scoped3A = tpu.sem_alloc : memref<!tpu.dma_semaphore, #tpu.memory_space<semaphore_mem>>
      %dma_start3A_112 = arith.constant 0 : i32
      %dma_start3A_113 = tpu.memref_slice %arg16[%add3A_60, %dma_start3A_112] : memref<10240x128xf32, #tpu.memory_space<vmem_shared>> -> memref<40x128xf32, #tpu.memory_space<vmem_shared>>
      tpu.enqueue_dma source(%arg6 : memref<40x128xf32, #tpu.memory_space<hbm>>) target(%dma_start3A_113 : memref<40x128xf32, #tpu.memory_space<vmem_shared>>) target_semaphore(%run_scoped3A : memref<!tpu.dma_semaphore, #tpu.memory_space<semaphore_mem>>)
      %dma_wait3A = arith.constant 0 : i32
      %dma_wait3A_114 = tpu.memref_slice %arg16[%add3A_60, %dma_wait3A] : memref<10240x128xf32, #tpu.memory_space<vmem_shared>> -> memref<40x128xf32, #tpu.memory_space<vmem_shared>>
      tpu.wait_dma2 semaphore(%run_scoped3A : memref<!tpu.dma_semaphore, #tpu.memory_space<semaphore_mem>>) src(%arg6 : memref<40x128xf32, #tpu.memory_space<hbm>>) dst(%dma_wait3A_114 : memref<40x128xf32, #tpu.memory_space<vmem_shared>>)
      tpu.yield
    }) : () -> ()
    %mul3A_61 = arith.constant 640 : i32
    %mul3A_62 = arith.muli %arg1, %mul3A_61 : i32
    %add3A_63 = arith.constant 600 : i32
    %add3A_64 = arith.addi %mul3A_62, %add3A_63 : i32
    "tpu.region"() ({
      %run_scoped3A = tpu.sem_alloc : memref<!tpu.dma_semaphore, #tpu.memory_space<semaphore_mem>>
      %dma_start3A_112 = arith.constant 0 : i32
      %dma_start3A_113 = tpu.memref_slice %arg16[%add3A_64, %dma_start3A_112] : memref<10240x128xf32, #tpu.memory_space<vmem_shared>> -> memref<40x128xf32, #tpu.memory_space<vmem_shared>>
      tpu.enqueue_dma source(%arg6 : memref<40x128xf32, #tpu.memory_space<hbm>>) target(%dma_start3A_113 : memref<40x128xf32, #tpu.memory_space<vmem_shared>>) target_semaphore(%run_scoped3A : memref<!tpu.dma_semaphore, #tpu.memory_space<semaphore_mem>>)
      %dma_wait3A = arith.constant 0 : i32
      %dma_wait3A_114 = tpu.memref_slice %arg16[%add3A_64, %dma_wait3A] : memref<10240x128xf32, #tpu.memory_space<vmem_shared>> -> memref<40x128xf32, #tpu.memory_space<vmem_shared>>
      tpu.wait_dma2 semaphore(%run_scoped3A : memref<!tpu.dma_semaphore, #tpu.memory_space<semaphore_mem>>) src(%arg6 : memref<40x128xf32, #tpu.memory_space<hbm>>) dst(%dma_wait3A_114 : memref<40x128xf32, #tpu.memory_space<vmem_shared>>)
      tpu.yield
    }) : () -> ()
    %mul3A_65 = arith.constant 640 : i32
    %mul3A_66 = arith.muli %arg1, %mul3A_65 : i32
    "tpu.region"() ({
      %run_scoped3A = tpu.sem_alloc : memref<!tpu.dma_semaphore, #tpu.memory_space<semaphore_mem>>
      %dma_start3A_112 = tpu.memref_slice %arg17[%mul3A_66] : memref<10240xf32, #tpu.memory_space<vmem_shared>> -> memref<640xf32, #tpu.memory_space<vmem_shared>>
      tpu.enqueue_dma source(%arg7 : memref<640xf32, #tpu.memory_space<hbm>>) target(%dma_start3A_112 : memref<640xf32, #tpu.memory_space<vmem_shared>>) target_semaphore(%run_scoped3A : memref<!tpu.dma_semaphore, #tpu.memory_space<semaphore_mem>>)
      %dma_wait3A = tpu.memref_slice %arg17[%mul3A_66] : memref<10240xf32, #tpu.memory_space<vmem_shared>> -> memref<640xf32, #tpu.memory_space<vmem_shared>>
      tpu.wait_dma2 semaphore(%run_scoped3A : memref<!tpu.dma_semaphore, #tpu.memory_space<semaphore_mem>>) src(%arg7 : memref<640xf32, #tpu.memory_space<hbm>>) dst(%dma_wait3A : memref<640xf32, #tpu.memory_space<vmem_shared>>)
      tpu.yield
    }) : () -> ()
    %barrier3A = arith.constant 0 : index
    tpu.barrier barrier_id(%barrier3A)
    "tpu.region"() ({
      %run_scoped3A = tpu.sem_alloc : memref<!tpu.dma_semaphore, #tpu.memory_space<semaphore_mem>>
      %dma_start3A_112 = arith.constant 0 : i32
      %dma_start3A_113 = arith.constant 0 : i32
      %dma_start3A_114 = tpu.memref_slice %arg4[%add3A, %dma_start3A_112, %dma_start3A_113] : memref<32x80x128xi32, #tpu.memory_space<hbm>> -> memref<1x40x128xi32, #tpu.memory_space<hbm>>
      %dma_start3A_115 = tpu.memref_squeeze %dma_start3A_114 : memref<1x40x128xi32, #tpu.memory_space<hbm>> -> memref<40x128xi32, #tpu.memory_space<hbm>>
      %dma_start3A_116 = arith.constant 0 : i32
      %dma_start3A_117 = arith.constant 0 : i32
      %dma_start3A_118 = tpu.memref_slice %arg4[%add3A, %dma_start3A_116, %dma_start3A_117] : memref<32x80x128xi32, #tpu.memory_space<hbm>> -> memref<1x40x128xi32, #tpu.memory_space<hbm>>
      %dma_start3A_119 = tpu.memref_squeeze %dma_start3A_118 : memref<1x40x128xi32, #tpu.memory_space<hbm>> -> memref<40x128xi32, #tpu.memory_space<hbm>>
      tpu.enqueue_dma source(%dma_start3A_119 : memref<40x128xi32, #tpu.memory_space<hbm>>) target(%arg10 : memref<40x128xi32, #tpu.memory_space<vmem>>) target_semaphore(%run_scoped3A : memref<!tpu.dma_semaphore, #tpu.memory_space<semaphore_mem>>)
      %dma_wait3A = arith.constant 0 : i32
      %dma_wait3A_120 = arith.constant 0 : i32
      %dma_wait3A_121 = tpu.memref_slice %arg4[%add3A, %dma_wait3A, %dma_wait3A_120] : memref<32x80x128xi32, #tpu.memory_space<hbm>> -> memref<1x40x128xi32, #tpu.memory_space<hbm>>
      %dma_wait3A_122 = tpu.memref_squeeze %dma_wait3A_121 : memref<1x40x128xi32, #tpu.memory_space<hbm>> -> memref<40x128xi32, #tpu.memory_space<hbm>>
      %dma_wait3A_123 = arith.constant 0 : i32
      %dma_wait3A_124 = arith.constant 0 : i32
      %dma_wait3A_125 = tpu.memref_slice %arg4[%add3A, %dma_wait3A_123, %dma_wait3A_124] : memref<32x80x128xi32, #tpu.memory_space<hbm>> -> memref<1x40x128xi32, #tpu.memory_space<hbm>>
      %dma_wait3A_126 = tpu.memref_squeeze %dma_wait3A_125 : memref<1x40x128xi32, #tpu.memory_space<hbm>> -> memref<40x128xi32, #tpu.memory_space<hbm>>
      tpu.wait_dma2 semaphore(%run_scoped3A : memref<!tpu.dma_semaphore, #tpu.memory_space<semaphore_mem>>) src(%dma_wait3A_126 : memref<40x128xi32, #tpu.memory_space<hbm>>) dst(%arg10 : memref<40x128xi32, #tpu.memory_space<vmem>>)
      tpu.yield
    }) : () -> ()
    "tpu.region"() ({
      %run_scoped3A = tpu.sem_alloc : memref<!tpu.dma_semaphore, #tpu.memory_space<semaphore_mem>>
      %dma_start3A_112 = arith.constant 0 : i32
      %dma_start3A_113 = arith.constant 0 : i32
      %dma_start3A_114 = tpu.memref_slice %arg5[%add3A, %dma_start3A_112, %dma_start3A_113] : memref<32x80x128xi32, #tpu.memory_space<hbm>> -> memref<1x40x128xi32, #tpu.memory_space<hbm>>
      %dma_start3A_115 = tpu.memref_squeeze %dma_start3A_114 : memref<1x40x128xi32, #tpu.memory_space<hbm>> -> memref<40x128xi32, #tpu.memory_space<hbm>>
      %dma_start3A_116 = arith.constant 0 : i32
      %dma_start3A_117 = arith.constant 0 : i32
      %dma_start3A_118 = tpu.memref_slice %arg5[%add3A, %dma_start3A_116, %dma_start3A_117] : memref<32x80x128xi32, #tpu.memory_space<hbm>> -> memref<1x40x128xi32, #tpu.memory_space<hbm>>
      %dma_start3A_119 = tpu.memref_squeeze %dma_start3A_118 : memref<1x40x128xi32, #tpu.memory_space<hbm>> -> memref<40x128xi32, #tpu.memory_space<hbm>>
      tpu.enqueue_dma source(%dma_start3A_119 : memref<40x128xi32, #tpu.memory_space<hbm>>) target(%arg11 : memref<40x128xi32, #tpu.memory_space<vmem>>) target_semaphore(%run_scoped3A : memref<!tpu.dma_semaphore, #tpu.memory_space<semaphore_mem>>)
      %dma_wait3A = arith.constant 0 : i32
      %dma_wait3A_120 = arith.constant 0 : i32
      %dma_wait3A_121 = tpu.memref_slice %arg5[%add3A, %dma_wait3A, %dma_wait3A_120] : memref<32x80x128xi32, #tpu.memory_space<hbm>> -> memref<1x40x128xi32, #tpu.memory_space<hbm>>
      %dma_wait3A_122 = tpu.memref_squeeze %dma_wait3A_121 : memref<1x40x128xi32, #tpu.memory_space<hbm>> -> memref<40x128xi32, #tpu.memory_space<hbm>>
      %dma_wait3A_123 = arith.constant 0 : i32
      %dma_wait3A_124 = arith.constant 0 : i32
      %dma_wait3A_125 = tpu.memref_slice %arg5[%add3A, %dma_wait3A_123, %dma_wait3A_124] : memref<32x80x128xi32, #tpu.memory_space<hbm>> -> memref<1x40x128xi32, #tpu.memory_space<hbm>>
      %dma_wait3A_126 = tpu.memref_squeeze %dma_wait3A_125 : memref<1x40x128xi32, #tpu.memory_space<hbm>> -> memref<40x128xi32, #tpu.memory_space<hbm>>
      tpu.wait_dma2 semaphore(%run_scoped3A : memref<!tpu.dma_semaphore, #tpu.memory_space<semaphore_mem>>) src(%dma_wait3A_126 : memref<40x128xi32, #tpu.memory_space<hbm>>) dst(%arg11 : memref<40x128xi32, #tpu.memory_space<vmem>>)
      tpu.yield
    }) : () -> ()
    %dma_start3A = arith.constant 0 : i32
    %dma_start3A_67 = arith.constant 0 : i32
    %dma_start3A_68 = tpu.memref_slice %arg10[%dma_start3A, %dma_start3A_67] : memref<40x128xi32, #tpu.memory_space<vmem>> -> memref<1x128xi32, #tpu.memory_space<vmem>>
    %dma_start3A_69 = tpu.memref_squeeze %dma_start3A_68 : memref<1x128xi32, #tpu.memory_space<vmem>> -> memref<128xi32, #tpu.memory_space<vmem>>
    %dma_start3A_70 = arith.constant 0 : i32
    %dma_start3A_71 = arith.constant 0 : i32
    %dma_start3A_72 = tpu.memref_slice %arg2[%dma_start3A_70, %dma_start3A_71] : memref<10240x128xf32, #tpu.memory_space<hbm>> -> memref<10240x128xf32, #tpu.memory_space<hbm>>
    tpu.enqueue_indirect_dma source(%dma_start3A_72 : memref<10240x128xf32, #tpu.memory_space<hbm>>) target(%arg12 : memref<128x128xf32, #tpu.memory_space<vmem>>) offsets(%dma_start3A_69 : memref<128xi32, #tpu.memory_space<vmem>>) semaphore(%arg18 : memref<!tpu.dma_semaphore, #tpu.memory_space<semaphore_mem>>)
    %dma_start3A_73 = arith.constant 0 : i32
    %dma_start3A_74 = arith.constant 0 : i32
    %dma_start3A_75 = tpu.memref_slice %arg10[%dma_start3A_73, %dma_start3A_74] : memref<40x128xi32, #tpu.memory_space<vmem>> -> memref<1x128xi32, #tpu.memory_space<vmem>>
    %dma_start3A_76 = tpu.memref_squeeze %dma_start3A_75 : memref<1x128xi32, #tpu.memory_space<vmem>> -> memref<128xi32, #tpu.memory_space<vmem>>
    %dma_start3A_77 = arith.constant 0 : i32
    %dma_start3A_78 = tpu.memref_slice %arg3[%dma_start3A_77] : memref<10240xf32, #tpu.memory_space<hbm>> -> memref<10240xf32, #tpu.memory_space<hbm>>
    tpu.enqueue_indirect_dma source(%dma_start3A_78 : memref<10240xf32, #tpu.memory_space<hbm>>) target(%arg14 : memref<128xf32, #tpu.memory_space<vmem>>) offsets(%dma_start3A_76 : memref<128xi32, #tpu.memory_space<vmem>>) semaphore(%arg18 : memref<!tpu.dma_semaphore, #tpu.memory_space<semaphore_mem>>)
    %scan3A = arith.constant 0 : i32
    %scan3A_79 = arith.constant 0 : i32
    %scan3A_80 = arith.constant 20 : i32
    %scan3A_81 = arith.addi %scan3A_79, %scan3A_80 : i32
    %scan3A_82 = arith.constant 1 : i32
    scf.for %scan3A_112 = %scan3A_79 to %scan3A_81 step %scan3A_82  : i32 {
      %mul3A_113 = arith.constant 2 : i32
      %mul3A_114 = arith.muli %scan3A_112, %mul3A_113 : i32
      %add3A_115 = arith.constant 0 : i32
      %add3A_116 = arith.addi %mul3A_114, %add3A_115 : i32
      %add3A_117 = arith.constant 1 : i32
      %add3A_118 = arith.addi %add3A_116, %add3A_117 : i32
      %lt3A = arith.constant 40 : i32
      %lt3A_119 = arith.cmpi slt, %add3A_118, %lt3A : i32
      %convert_element_type3A = arith.extui %lt3A_119 : i1 to i32
      %cond3A = arith.constant 0 : i32
      %cond3A_120 = arith.cmpi ne, %convert_element_type3A, %cond3A : i32
      scf.if %cond3A_120 {
        %add3A_153 = arith.constant 1 : i32
        %add3A_154 = arith.addi %add3A_116, %add3A_153 : i32
        %dma_start3A_155 = arith.constant 0 : i32
        %dma_start3A_156 = tpu.memref_slice %arg10[%add3A_154, %dma_start3A_155] : memref<40x128xi32, #tpu.memory_space<vmem>> -> memref<1x128xi32, #tpu.memory_space<vmem>>
        %dma_start3A_157 = tpu.memref_squeeze %dma_start3A_156 : memref<1x128xi32, #tpu.memory_space<vmem>> -> memref<128xi32, #tpu.memory_space<vmem>>
        %dma_start3A_158 = arith.constant 0 : i32
        %dma_start3A_159 = arith.constant 0 : i32
        %dma_start3A_160 = tpu.memref_slice %arg2[%dma_start3A_158, %dma_start3A_159] : memref<10240x128xf32, #tpu.memory_space<hbm>> -> memref<10240x128xf32, #tpu.memory_space<hbm>>
        tpu.enqueue_indirect_dma source(%dma_start3A_160 : memref<10240x128xf32, #tpu.memory_space<hbm>>) target(%arg13 : memref<128x128xf32, #tpu.memory_space<vmem>>) offsets(%dma_start3A_157 : memref<128xi32, #tpu.memory_space<vmem>>) semaphore(%arg19 : memref<!tpu.dma_semaphore, #tpu.memory_space<semaphore_mem>>)
        %dma_start3A_161 = arith.constant 0 : i32
        %dma_start3A_162 = tpu.memref_slice %arg10[%add3A_154, %dma_start3A_161] : memref<40x128xi32, #tpu.memory_space<vmem>> -> memref<1x128xi32, #tpu.memory_space<vmem>>
        %dma_start3A_163 = tpu.memref_squeeze %dma_start3A_162 : memref<1x128xi32, #tpu.memory_space<vmem>> -> memref<128xi32, #tpu.memory_space<vmem>>
        %dma_start3A_164 = arith.constant 0 : i32
        %dma_start3A_165 = tpu.memref_slice %arg3[%dma_start3A_164] : memref<10240xf32, #tpu.memory_space<hbm>> -> memref<10240xf32, #tpu.memory_space<hbm>>
        tpu.enqueue_indirect_dma source(%dma_start3A_165 : memref<10240xf32, #tpu.memory_space<hbm>>) target(%arg15 : memref<128xf32, #tpu.memory_space<vmem>>) offsets(%dma_start3A_163 : memref<128xi32, #tpu.memory_space<vmem>>) semaphore(%arg19 : memref<!tpu.dma_semaphore, #tpu.memory_space<semaphore_mem>>)
      } else {
      }
      %dma_wait3A = arith.constant 0 : i32
      %dma_wait3A_121 = tpu.memref_slice %arg10[%add3A_116, %dma_wait3A] : memref<40x128xi32, #tpu.memory_space<vmem>> -> memref<1x128xi32, #tpu.memory_space<vmem>>
      %dma_wait3A_122 = tpu.memref_squeeze %dma_wait3A_121 : memref<1x128xi32, #tpu.memory_space<vmem>> -> memref<128xi32, #tpu.memory_space<vmem>>
      %dma_wait3A_123 = arith.constant 0 : i32
      %dma_wait3A_124 = arith.constant 0 : i32
      %dma_wait3A_125 = tpu.memref_slice %arg2[%dma_wait3A_123, %dma_wait3A_124] : memref<10240x128xf32, #tpu.memory_space<hbm>> -> memref<10240x128xf32, #tpu.memory_space<hbm>>
      tpu.wait_indirect_dma semaphore(%arg18 : memref<!tpu.dma_semaphore, #tpu.memory_space<semaphore_mem>>) src(%dma_wait3A_125 : memref<10240x128xf32, #tpu.memory_space<hbm>>) dst(%arg12 : memref<128x128xf32, #tpu.memory_space<vmem>>)
      %dma_wait3A_126 = arith.constant 0 : i32
      %dma_wait3A_127 = tpu.memref_slice %arg10[%add3A_116, %dma_wait3A_126] : memref<40x128xi32, #tpu.memory_space<vmem>> -> memref<1x128xi32, #tpu.memory_space<vmem>>
      %dma_wait3A_128 = tpu.memref_squeeze %dma_wait3A_127 : memref<1x128xi32, #tpu.memory_space<vmem>> -> memref<128xi32, #tpu.memory_space<vmem>>
      %dma_wait3A_129 = arith.constant 0 : i32
      %dma_wait3A_130 = tpu.memref_slice %arg3[%dma_wait3A_129] : memref<10240xf32, #tpu.memory_space<hbm>> -> memref<10240xf32, #tpu.memory_space<hbm>>
      tpu.wait_indirect_dma semaphore(%arg18 : memref<!tpu.dma_semaphore, #tpu.memory_space<semaphore_mem>>) src(%dma_wait3A_130 : memref<10240xf32, #tpu.memory_space<hbm>>) dst(%arg14 : memref<128xf32, #tpu.memory_space<vmem>>)
      "tpu.region"() ({
        %run_scoped3A = tpu.sem_alloc : memref<!tpu.dma_semaphore, #tpu.memory_space<semaphore_mem>>
        %dma_start3A_153 = arith.constant 0 : i32
        %dma_start3A_154 = tpu.memref_slice %arg11[%add3A_116, %dma_start3A_153] : memref<40x128xi32, #tpu.memory_space<vmem>> -> memref<1x128xi32, #tpu.memory_space<vmem>>
        %dma_start3A_155 = tpu.memref_squeeze %dma_start3A_154 : memref<1x128xi32, #tpu.memory_space<vmem>> -> memref<128xi32, #tpu.memory_space<vmem>>
        %dma_start3A_156 = arith.constant 0 : i32
        %dma_start3A_157 = arith.constant 0 : i32
        %dma_start3A_158 = tpu.memref_slice %arg16[%dma_start3A_156, %dma_start3A_157] : memref<10240x128xf32, #tpu.memory_space<vmem_shared>> -> memref<10240x128xf32, #tpu.memory_space<vmem_shared>>
        tpu.enqueue_indirect_dma source(%arg12 : memref<128x128xf32, #tpu.memory_space<vmem>>) target(%dma_start3A_158 : memref<10240x128xf32, #tpu.memory_space<vmem_shared>>) offsets(%dma_start3A_155 : memref<128xi32, #tpu.memory_space<vmem>>) semaphore(%run_scoped3A : memref<!tpu.dma_semaphore, #tpu.memory_space<semaphore_mem>>) {add = true}
        %dma_wait3A_159 = arith.constant 0 : i32
        %dma_wait3A_160 = tpu.memref_slice %arg11[%add3A_116, %dma_wait3A_159] : memref<40x128xi32, #tpu.memory_space<vmem>> -> memref<1x128xi32, #tpu.memory_space<vmem>>
        %dma_wait3A_161 = tpu.memref_squeeze %dma_wait3A_160 : memref<1x128xi32, #tpu.memory_space<vmem>> -> memref<128xi32, #tpu.memory_space<vmem>>
        %dma_wait3A_162 = arith.constant 0 : i32
        %dma_wait3A_163 = arith.constant 0 : i32
        %dma_wait3A_164 = tpu.memref_slice %arg16[%dma_wait3A_162, %dma_wait3A_163] : memref<10240x128xf32, #tpu.memory_space<vmem_shared>> -> memref<10240x128xf32, #tpu.memory_space<vmem_shared>>
        tpu.wait_indirect_dma semaphore(%run_scoped3A : memref<!tpu.dma_semaphore, #tpu.memory_space<semaphore_mem>>) src(%arg12 : memref<128x128xf32, #tpu.memory_space<vmem>>) dst(%dma_wait3A_164 : memref<10240x128xf32, #tpu.memory_space<vmem_shared>>)
        tpu.yield
      }) : () -> ()
      "tpu.region"() ({
        %run_scoped3A = tpu.sem_alloc : memref<!tpu.dma_semaphore, #tpu.memory_space<semaphore_mem>>
        %dma_start3A_153 = arith.constant 0 : i32
        %dma_start3A_154 = tpu.memref_slice %arg11[%add3A_116, %dma_start3A_153] : memref<40x128xi32, #tpu.memory_space<vmem>> -> memref<1x128xi32, #tpu.memory_space<vmem>>
        %dma_start3A_155 = tpu.memref_squeeze %dma_start3A_154 : memref<1x128xi32, #tpu.memory_space<vmem>> -> memref<128xi32, #tpu.memory_space<vmem>>
        %dma_start3A_156 = arith.constant 0 : i32
        %dma_start3A_157 = tpu.memref_slice %arg17[%dma_start3A_156] : memref<10240xf32, #tpu.memory_space<vmem_shared>> -> memref<10240xf32, #tpu.memory_space<vmem_shared>>
        tpu.enqueue_indirect_dma source(%arg14 : memref<128xf32, #tpu.memory_space<vmem>>) target(%dma_start3A_157 : memref<10240xf32, #tpu.memory_space<vmem_shared>>) offsets(%dma_start3A_155 : memref<128xi32, #tpu.memory_space<vmem>>) semaphore(%run_scoped3A : memref<!tpu.dma_semaphore, #tpu.memory_space<semaphore_mem>>) {add = true}
        %dma_wait3A_158 = arith.constant 0 : i32
        %dma_wait3A_159 = tpu.memref_slice %arg11[%add3A_116, %dma_wait3A_158] : memref<40x128xi32, #tpu.memory_space<vmem>> -> memref<1x128xi32, #tpu.memory_space<vmem>>
        %dma_wait3A_160 = tpu.memref_squeeze %dma_wait3A_159 : memref<1x128xi32, #tpu.memory_space<vmem>> -> memref<128xi32, #tpu.memory_space<vmem>>
        %dma_wait3A_161 = arith.constant 0 : i32
        %dma_wait3A_162 = tpu.memref_slice %arg17[%dma_wait3A_161] : memref<10240xf32, #tpu.memory_space<vmem_shared>> -> memref<10240xf32, #tpu.memory_space<vmem_shared>>
        tpu.wait_indirect_dma semaphore(%run_scoped3A : memref<!tpu.dma_semaphore, #tpu.memory_space<semaphore_mem>>) src(%arg14 : memref<128xf32, #tpu.memory_space<vmem>>) dst(%dma_wait3A_162 : memref<10240xf32, #tpu.memory_space<vmem_shared>>)
        tpu.yield
      }) : () -> ()
      %mul3A_131 = arith.constant 2 : i32
      %mul3A_132 = arith.muli %scan3A_112, %mul3A_131 : i32
      %add3A_133 = arith.constant 1 : i32
      %add3A_134 = arith.addi %mul3A_132, %add3A_133 : i32
      %add3A_135 = arith.constant 1 : i32
      %add3A_136 = arith.addi %add3A_134, %add3A_135 : i32
      %lt3A_137 = arith.constant 40 : i32
      %lt3A_138 = arith.cmpi slt, %add3A_136, %lt3A_137 : i32
      %convert_element_type3A_139 = arith.extui %lt3A_138 : i1 to i32
      %cond3A_140 = arith.constant 0 : i32
      %cond3A_141 = arith.cmpi ne, %convert_element_type3A_139, %cond3A_140 : i32
      scf.if %cond3A_141 {
        %add3A_153 = arith.constant 1 : i32
        %add3A_154 = arith.addi %add3A_134, %add3A_153 : i32
        %dma_start3A_155 = arith.constant 0 : i32
        %dma_start3A_156 = tpu.memref_slice %arg10[%add3A_154, %dma_start3A_155] : memref<40x128xi32, #tpu.memory_space<vmem>> -> memref<1x128xi32, #tpu.memory_space<vmem>>
        %dma_start3A_157 = tpu.memref_squeeze %dma_start3A_156 : memref<1x128xi32, #tpu.memory_space<vmem>> -> memref<128xi32, #tpu.memory_space<vmem>>
        %dma_start3A_158 = arith.constant 0 : i32
        %dma_start3A_159 = arith.constant 0 : i32
        %dma_start3A_160 = tpu.memref_slice %arg2[%dma_start3A_158, %dma_start3A_159] : memref<10240x128xf32, #tpu.memory_space<hbm>> -> memref<10240x128xf32, #tpu.memory_space<hbm>>
        tpu.enqueue_indirect_dma source(%dma_start3A_160 : memref<10240x128xf32, #tpu.memory_space<hbm>>) target(%arg12 : memref<128x128xf32, #tpu.memory_space<vmem>>) offsets(%dma_start3A_157 : memref<128xi32, #tpu.memory_space<vmem>>) semaphore(%arg18 : memref<!tpu.dma_semaphore, #tpu.memory_space<semaphore_mem>>)
        %dma_start3A_161 = arith.constant 0 : i32
        %dma_start3A_162 = tpu.memref_slice %arg10[%add3A_154, %dma_start3A_161] : memref<40x128xi32, #tpu.memory_space<vmem>> -> memref<1x128xi32, #tpu.memory_space<vmem>>
        %dma_start3A_163 = tpu.memref_squeeze %dma_start3A_162 : memref<1x128xi32, #tpu.memory_space<vmem>> -> memref<128xi32, #tpu.memory_space<vmem>>
        %dma_start3A_164 = arith.constant 0 : i32
        %dma_start3A_165 = tpu.memref_slice %arg3[%dma_start3A_164] : memref<10240xf32, #tpu.memory_space<hbm>> -> memref<10240xf32, #tpu.memory_space<hbm>>
        tpu.enqueue_indirect_dma source(%dma_start3A_165 : memref<10240xf32, #tpu.memory_space<hbm>>) target(%arg14 : memref<128xf32, #tpu.memory_space<vmem>>) offsets(%dma_start3A_163 : memref<128xi32, #tpu.memory_space<vmem>>) semaphore(%arg18 : memref<!tpu.dma_semaphore, #tpu.memory_space<semaphore_mem>>)
      } else {
      }
      %dma_wait3A_142 = arith.constant 0 : i32
      %dma_wait3A_143 = tpu.memref_slice %arg10[%add3A_134, %dma_wait3A_142] : memref<40x128xi32, #tpu.memory_space<vmem>> -> memref<1x128xi32, #tpu.memory_space<vmem>>
      %dma_wait3A_144 = tpu.memref_squeeze %dma_wait3A_143 : memref<1x128xi32, #tpu.memory_space<vmem>> -> memref<128xi32, #tpu.memory_space<vmem>>
      %dma_wait3A_145 = arith.constant 0 : i32
      %dma_wait3A_146 = arith.constant 0 : i32
      %dma_wait3A_147 = tpu.memref_slice %arg2[%dma_wait3A_145, %dma_wait3A_146] : memref<10240x128xf32, #tpu.memory_space<hbm>> -> memref<10240x128xf32, #tpu.memory_space<hbm>>
      tpu.wait_indirect_dma semaphore(%arg19 : memref<!tpu.dma_semaphore, #tpu.memory_space<semaphore_mem>>) src(%dma_wait3A_147 : memref<10240x128xf32, #tpu.memory_space<hbm>>) dst(%arg13 : memref<128x128xf32, #tpu.memory_space<vmem>>)
      %dma_wait3A_148 = arith.constant 0 : i32
      %dma_wait3A_149 = tpu.memref_slice %arg10[%add3A_134, %dma_wait3A_148] : memref<40x128xi32, #tpu.memory_space<vmem>> -> memref<1x128xi32, #tpu.memory_space<vmem>>
      %dma_wait3A_150 = tpu.memref_squeeze %dma_wait3A_149 : memref<1x128xi32, #tpu.memory_space<vmem>> -> memref<128xi32, #tpu.memory_space<vmem>>
      %dma_wait3A_151 = arith.constant 0 : i32
      %dma_wait3A_152 = tpu.memref_slice %arg3[%dma_wait3A_151] : memref<10240xf32, #tpu.memory_space<hbm>> -> memref<10240xf32, #tpu.memory_space<hbm>>
      tpu.wait_indirect_dma semaphore(%arg19 : memref<!tpu.dma_semaphore, #tpu.memory_space<semaphore_mem>>) src(%dma_wait3A_152 : memref<10240xf32, #tpu.memory_space<hbm>>) dst(%arg15 : memref<128xf32, #tpu.memory_space<vmem>>)
      "tpu.region"() ({
        %run_scoped3A = tpu.sem_alloc : memref<!tpu.dma_semaphore, #tpu.memory_space<semaphore_mem>>
        %dma_start3A_153 = arith.constant 0 : i32
        %dma_start3A_154 = tpu.memref_slice %arg11[%add3A_134, %dma_start3A_153] : memref<40x128xi32, #tpu.memory_space<vmem>> -> memref<1x128xi32, #tpu.memory_space<vmem>>
        %dma_start3A_155 = tpu.memref_squeeze %dma_start3A_154 : memref<1x128xi32, #tpu.memory_space<vmem>> -> memref<128xi32, #tpu.memory_space<vmem>>
        %dma_start3A_156 = arith.constant 0 : i32
        %dma_start3A_157 = arith.constant 0 : i32
        %dma_start3A_158 = tpu.memref_slice %arg16[%dma_start3A_156, %dma_start3A_157] : memref<10240x128xf32, #tpu.memory_space<vmem_shared>> -> memref<10240x128xf32, #tpu.memory_space<vmem_shared>>
        tpu.enqueue_indirect_dma source(%arg13 : memref<128x128xf32, #tpu.memory_space<vmem>>) target(%dma_start3A_158 : memref<10240x128xf32, #tpu.memory_space<vmem_shared>>) offsets(%dma_start3A_155 : memref<128xi32, #tpu.memory_space<vmem>>) semaphore(%run_scoped3A : memref<!tpu.dma_semaphore, #tpu.memory_space<semaphore_mem>>) {add = true}
        %dma_wait3A_159 = arith.constant 0 : i32
        %dma_wait3A_160 = tpu.memref_slice %arg11[%add3A_134, %dma_wait3A_159] : memref<40x128xi32, #tpu.memory_space<vmem>> -> memref<1x128xi32, #tpu.memory_space<vmem>>
        %dma_wait3A_161 = tpu.memref_squeeze %dma_wait3A_160 : memref<1x128xi32, #tpu.memory_space<vmem>> -> memref<128xi32, #tpu.memory_space<vmem>>
        %dma_wait3A_162 = arith.constant 0 : i32
        %dma_wait3A_163 = arith.constant 0 : i32
        %dma_wait3A_164 = tpu.memref_slice %arg16[%dma_wait3A_162, %dma_wait3A_163] : memref<10240x128xf32, #tpu.memory_space<vmem_shared>> -> memref<10240x128xf32, #tpu.memory_space<vmem_shared>>
        tpu.wait_indirect_dma semaphore(%run_scoped3A : memref<!tpu.dma_semaphore, #tpu.memory_space<semaphore_mem>>) src(%arg13 : memref<128x128xf32, #tpu.memory_space<vmem>>) dst(%dma_wait3A_164 : memref<10240x128xf32, #tpu.memory_space<vmem_shared>>)
        tpu.yield
      }) : () -> ()
      "tpu.region"() ({
        %run_scoped3A = tpu.sem_alloc : memref<!tpu.dma_semaphore, #tpu.memory_space<semaphore_mem>>
        %dma_start3A_153 = arith.constant 0 : i32
        %dma_start3A_154 = tpu.memref_slice %arg11[%add3A_134, %dma_start3A_153] : memref<40x128xi32, #tpu.memory_space<vmem>> -> memref<1x128xi32, #tpu.memory_space<vmem>>
        %dma_start3A_155 = tpu.memref_squeeze %dma_start3A_154 : memref<1x128xi32, #tpu.memory_space<vmem>> -> memref<128xi32, #tpu.memory_space<vmem>>
        %dma_start3A_156 = arith.constant 0 : i32
        %dma_start3A_157 = tpu.memref_slice %arg17[%dma_start3A_156] : memref<10240xf32, #tpu.memory_space<vmem_shared>> -> memref<10240xf32, #tpu.memory_space<vmem_shared>>
        tpu.enqueue_indirect_dma source(%arg15 : memref<128xf32, #tpu.memory_space<vmem>>) target(%dma_start3A_157 : memref<10240xf32, #tpu.memory_space<vmem_shared>>) offsets(%dma_start3A_155 : memref<128xi32, #tpu.memory_space<vmem>>) semaphore(%run_scoped3A : memref<!tpu.dma_semaphore, #tpu.memory_space<semaphore_mem>>) {add = true}
        %dma_wait3A_158 = arith.constant 0 : i32
        %dma_wait3A_159 = tpu.memref_slice %arg11[%add3A_134, %dma_wait3A_158] : memref<40x128xi32, #tpu.memory_space<vmem>> -> memref<1x128xi32, #tpu.memory_space<vmem>>
        %dma_wait3A_160 = tpu.memref_squeeze %dma_wait3A_159 : memref<1x128xi32, #tpu.memory_space<vmem>> -> memref<128xi32, #tpu.memory_space<vmem>>
        %dma_wait3A_161 = arith.constant 0 : i32
        %dma_wait3A_162 = tpu.memref_slice %arg17[%dma_wait3A_161] : memref<10240xf32, #tpu.memory_space<vmem_shared>> -> memref<10240xf32, #tpu.memory_space<vmem_shared>>
        tpu.wait_indirect_dma semaphore(%run_scoped3A : memref<!tpu.dma_semaphore, #tpu.memory_space<semaphore_mem>>) src(%arg15 : memref<128xf32, #tpu.memory_space<vmem>>) dst(%dma_wait3A_162 : memref<10240xf32, #tpu.memory_space<vmem_shared>>)
        tpu.yield
      }) : () -> ()
    }
    %scan3A_83 = arith.constant 20 : i32
    "tpu.region"() ({
      %run_scoped3A = tpu.sem_alloc : memref<!tpu.dma_semaphore, #tpu.memory_space<semaphore_mem>>
      %dma_start3A_112 = arith.constant 40 : i32
      %dma_start3A_113 = arith.constant 0 : i32
      %dma_start3A_114 = tpu.memref_slice %arg4[%add3A, %dma_start3A_112, %dma_start3A_113] : memref<32x80x128xi32, #tpu.memory_space<hbm>> -> memref<1x40x128xi32, #tpu.memory_space<hbm>>
      %dma_start3A_115 = tpu.memref_squeeze %dma_start3A_114 : memref<1x40x128xi32, #tpu.memory_space<hbm>> -> memref<40x128xi32, #tpu.memory_space<hbm>>
      %dma_start3A_116 = arith.constant 40 : i32
      %dma_start3A_117 = arith.constant 0 : i32
      %dma_start3A_118 = tpu.memref_slice %arg4[%add3A, %dma_start3A_116, %dma_start3A_117] : memref<32x80x128xi32, #tpu.memory_space<hbm>> -> memref<1x40x128xi32, #tpu.memory_space<hbm>>
      %dma_start3A_119 = tpu.memref_squeeze %dma_start3A_118 : memref<1x40x128xi32, #tpu.memory_space<hbm>> -> memref<40x128xi32, #tpu.memory_space<hbm>>
      tpu.enqueue_dma source(%dma_start3A_119 : memref<40x128xi32, #tpu.memory_space<hbm>>) target(%arg10 : memref<40x128xi32, #tpu.memory_space<vmem>>) target_semaphore(%run_scoped3A : memref<!tpu.dma_semaphore, #tpu.memory_space<semaphore_mem>>)
      %dma_wait3A = arith.constant 40 : i32
      %dma_wait3A_120 = arith.constant 0 : i32
      %dma_wait3A_121 = tpu.memref_slice %arg4[%add3A, %dma_wait3A, %dma_wait3A_120] : memref<32x80x128xi32, #tpu.memory_space<hbm>> -> memref<1x40x128xi32, #tpu.memory_space<hbm>>
      %dma_wait3A_122 = tpu.memref_squeeze %dma_wait3A_121 : memref<1x40x128xi32, #tpu.memory_space<hbm>> -> memref<40x128xi32, #tpu.memory_space<hbm>>
      %dma_wait3A_123 = arith.constant 40 : i32
      %dma_wait3A_124 = arith.constant 0 : i32
      %dma_wait3A_125 = tpu.memref_slice %arg4[%add3A, %dma_wait3A_123, %dma_wait3A_124] : memref<32x80x128xi32, #tpu.memory_space<hbm>> -> memref<1x40x128xi32, #tpu.memory_space<hbm>>
      %dma_wait3A_126 = tpu.memref_squeeze %dma_wait3A_125 : memref<1x40x128xi32, #tpu.memory_space<hbm>> -> memref<40x128xi32, #tpu.memory_space<hbm>>
      tpu.wait_dma2 semaphore(%run_scoped3A : memref<!tpu.dma_semaphore, #tpu.memory_space<semaphore_mem>>) src(%dma_wait3A_126 : memref<40x128xi32, #tpu.memory_space<hbm>>) dst(%arg10 : memref<40x128xi32, #tpu.memory_space<vmem>>)
      tpu.yield
    }) : () -> ()
    "tpu.region"() ({
      %run_scoped3A = tpu.sem_alloc : memref<!tpu.dma_semaphore, #tpu.memory_space<semaphore_mem>>
      %dma_start3A_112 = arith.constant 40 : i32
      %dma_start3A_113 = arith.constant 0 : i32
      %dma_start3A_114 = tpu.memref_slice %arg5[%add3A, %dma_start3A_112, %dma_start3A_113] : memref<32x80x128xi32, #tpu.memory_space<hbm>> -> memref<1x40x128xi32, #tpu.memory_space<hbm>>
      %dma_start3A_115 = tpu.memref_squeeze %dma_start3A_114 : memref<1x40x128xi32, #tpu.memory_space<hbm>> -> memref<40x128xi32, #tpu.memory_space<hbm>>
      %dma_start3A_116 = arith.constant 40 : i32
      %dma_start3A_117 = arith.constant 0 : i32
      %dma_start3A_118 = tpu.memref_slice %arg5[%add3A, %dma_start3A_116, %dma_start3A_117] : memref<32x80x128xi32, #tpu.memory_space<hbm>> -> memref<1x40x128xi32, #tpu.memory_space<hbm>>
      %dma_start3A_119 = tpu.memref_squeeze %dma_start3A_118 : memref<1x40x128xi32, #tpu.memory_space<hbm>> -> memref<40x128xi32, #tpu.memory_space<hbm>>
      tpu.enqueue_dma source(%dma_start3A_119 : memref<40x128xi32, #tpu.memory_space<hbm>>) target(%arg11 : memref<40x128xi32, #tpu.memory_space<vmem>>) target_semaphore(%run_scoped3A : memref<!tpu.dma_semaphore, #tpu.memory_space<semaphore_mem>>)
      %dma_wait3A = arith.constant 40 : i32
      %dma_wait3A_120 = arith.constant 0 : i32
      %dma_wait3A_121 = tpu.memref_slice %arg5[%add3A, %dma_wait3A, %dma_wait3A_120] : memref<32x80x128xi32, #tpu.memory_space<hbm>> -> memref<1x40x128xi32, #tpu.memory_space<hbm>>
      %dma_wait3A_122 = tpu.memref_squeeze %dma_wait3A_121 : memref<1x40x128xi32, #tpu.memory_space<hbm>> -> memref<40x128xi32, #tpu.memory_space<hbm>>
      %dma_wait3A_123 = arith.constant 40 : i32
      %dma_wait3A_124 = arith.constant 0 : i32
      %dma_wait3A_125 = tpu.memref_slice %arg5[%add3A, %dma_wait3A_123, %dma_wait3A_124] : memref<32x80x128xi32, #tpu.memory_space<hbm>> -> memref<1x40x128xi32, #tpu.memory_space<hbm>>
      %dma_wait3A_126 = tpu.memref_squeeze %dma_wait3A_125 : memref<1x40x128xi32, #tpu.memory_space<hbm>> -> memref<40x128xi32, #tpu.memory_space<hbm>>
      tpu.wait_dma2 semaphore(%run_scoped3A : memref<!tpu.dma_semaphore, #tpu.memory_space<semaphore_mem>>) src(%dma_wait3A_126 : memref<40x128xi32, #tpu.memory_space<hbm>>) dst(%arg11 : memref<40x128xi32, #tpu.memory_space<vmem>>)
      tpu.yield
    }) : () -> ()
    %dma_start3A_84 = arith.constant 0 : i32
    %dma_start3A_85 = arith.constant 0 : i32
    %dma_start3A_86 = tpu.memref_slice %arg10[%dma_start3A_84, %dma_start3A_85] : memref<40x128xi32, #tpu.memory_space<vmem>> -> memref<1x128xi32, #tpu.memory_space<vmem>>
    %dma_start3A_87 = tpu.memref_squeeze %dma_start3A_86 : memref<1x128xi32, #tpu.memory_space<vmem>> -> memref<128xi32, #tpu.memory_space<vmem>>
    %dma_start3A_88 = arith.constant 0 : i32
    %dma_start3A_89 = arith.constant 0 : i32
    %dma_start3A_90 = tpu.memref_slice %arg2[%dma_start3A_88, %dma_start3A_89] : memref<10240x128xf32, #tpu.memory_space<hbm>> -> memref<10240x128xf32, #tpu.memory_space<hbm>>
    tpu.enqueue_indirect_dma source(%dma_start3A_90 : memref<10240x128xf32, #tpu.memory_space<hbm>>) target(%arg12 : memref<128x128xf32, #tpu.memory_space<vmem>>) offsets(%dma_start3A_87 : memref<128xi32, #tpu.memory_space<vmem>>) semaphore(%arg18 : memref<!tpu.dma_semaphore, #tpu.memory_space<semaphore_mem>>)
    %dma_start3A_91 = arith.constant 0 : i32
    %dma_start3A_92 = arith.constant 0 : i32
    %dma_start3A_93 = tpu.memref_slice %arg10[%dma_start3A_91, %dma_start3A_92] : memref<40x128xi32, #tpu.memory_space<vmem>> -> memref<1x128xi32, #tpu.memory_space<vmem>>
    %dma_start3A_94 = tpu.memref_squeeze %dma_start3A_93 : memref<1x128xi32, #tpu.memory_space<vmem>> -> memref<128xi32, #tpu.memory_space<vmem>>
    %dma_start3A_95 = arith.constant 0 : i32
    %dma_start3A_96 = tpu.memref_slice %arg3[%dma_start3A_95] : memref<10240xf32, #tpu.memory_space<hbm>> -> memref<10240xf32, #tpu.memory_space<hbm>>
    tpu.enqueue_indirect_dma source(%dma_start3A_96 : memref<10240xf32, #tpu.memory_space<hbm>>) target(%arg14 : memref<128xf32, #tpu.memory_space<vmem>>) offsets(%dma_start3A_94 : memref<128xi32, #tpu.memory_space<vmem>>) semaphore(%arg18 : memref<!tpu.dma_semaphore, #tpu.memory_space<semaphore_mem>>)
    %scan3A_97 = arith.constant 0 : i32
    %scan3A_98 = arith.constant 0 : i32
    %scan3A_99 = arith.constant 20 : i32
    %scan3A_100 = arith.addi %scan3A_98, %scan3A_99 : i32
    %scan3A_101 = arith.constant 1 : i32
    scf.for %scan3A_112 = %scan3A_98 to %scan3A_100 step %scan3A_101  : i32 {
      %mul3A_113 = arith.constant 2 : i32
      %mul3A_114 = arith.muli %scan3A_112, %mul3A_113 : i32
      %add3A_115 = arith.constant 0 : i32
      %add3A_116 = arith.addi %mul3A_114, %add3A_115 : i32
      %add3A_117 = arith.constant 1 : i32
      %add3A_118 = arith.addi %add3A_116, %add3A_117 : i32
      %lt3A = arith.constant 40 : i32
      %lt3A_119 = arith.cmpi slt, %add3A_118, %lt3A : i32
      %convert_element_type3A = arith.extui %lt3A_119 : i1 to i32
      %cond3A = arith.constant 0 : i32
      %cond3A_120 = arith.cmpi ne, %convert_element_type3A, %cond3A : i32
      scf.if %cond3A_120 {
        %add3A_153 = arith.constant 1 : i32
        %add3A_154 = arith.addi %add3A_116, %add3A_153 : i32
        %dma_start3A_155 = arith.constant 0 : i32
        %dma_start3A_156 = tpu.memref_slice %arg10[%add3A_154, %dma_start3A_155] : memref<40x128xi32, #tpu.memory_space<vmem>> -> memref<1x128xi32, #tpu.memory_space<vmem>>
        %dma_start3A_157 = tpu.memref_squeeze %dma_start3A_156 : memref<1x128xi32, #tpu.memory_space<vmem>> -> memref<128xi32, #tpu.memory_space<vmem>>
        %dma_start3A_158 = arith.constant 0 : i32
        %dma_start3A_159 = arith.constant 0 : i32
        %dma_start3A_160 = tpu.memref_slice %arg2[%dma_start3A_158, %dma_start3A_159] : memref<10240x128xf32, #tpu.memory_space<hbm>> -> memref<10240x128xf32, #tpu.memory_space<hbm>>
        tpu.enqueue_indirect_dma source(%dma_start3A_160 : memref<10240x128xf32, #tpu.memory_space<hbm>>) target(%arg13 : memref<128x128xf32, #tpu.memory_space<vmem>>) offsets(%dma_start3A_157 : memref<128xi32, #tpu.memory_space<vmem>>) semaphore(%arg19 : memref<!tpu.dma_semaphore, #tpu.memory_space<semaphore_mem>>)
        %dma_start3A_161 = arith.constant 0 : i32
        %dma_start3A_162 = tpu.memref_slice %arg10[%add3A_154, %dma_start3A_161] : memref<40x128xi32, #tpu.memory_space<vmem>> -> memref<1x128xi32, #tpu.memory_space<vmem>>
        %dma_start3A_163 = tpu.memref_squeeze %dma_start3A_162 : memref<1x128xi32, #tpu.memory_space<vmem>> -> memref<128xi32, #tpu.memory_space<vmem>>
        %dma_start3A_164 = arith.constant 0 : i32
        %dma_start3A_165 = tpu.memref_slice %arg3[%dma_start3A_164] : memref<10240xf32, #tpu.memory_space<hbm>> -> memref<10240xf32, #tpu.memory_space<hbm>>
        tpu.enqueue_indirect_dma source(%dma_start3A_165 : memref<10240xf32, #tpu.memory_space<hbm>>) target(%arg15 : memref<128xf32, #tpu.memory_space<vmem>>) offsets(%dma_start3A_163 : memref<128xi32, #tpu.memory_space<vmem>>) semaphore(%arg19 : memref<!tpu.dma_semaphore, #tpu.memory_space<semaphore_mem>>)
      } else {
      }
      %dma_wait3A = arith.constant 0 : i32
      %dma_wait3A_121 = tpu.memref_slice %arg10[%add3A_116, %dma_wait3A] : memref<40x128xi32, #tpu.memory_space<vmem>> -> memref<1x128xi32, #tpu.memory_space<vmem>>
      %dma_wait3A_122 = tpu.memref_squeeze %dma_wait3A_121 : memref<1x128xi32, #tpu.memory_space<vmem>> -> memref<128xi32, #tpu.memory_space<vmem>>
      %dma_wait3A_123 = arith.constant 0 : i32
      %dma_wait3A_124 = arith.constant 0 : i32
      %dma_wait3A_125 = tpu.memref_slice %arg2[%dma_wait3A_123, %dma_wait3A_124] : memref<10240x128xf32, #tpu.memory_space<hbm>> -> memref<10240x128xf32, #tpu.memory_space<hbm>>
      tpu.wait_indirect_dma semaphore(%arg18 : memref<!tpu.dma_semaphore, #tpu.memory_space<semaphore_mem>>) src(%dma_wait3A_125 : memref<10240x128xf32, #tpu.memory_space<hbm>>) dst(%arg12 : memref<128x128xf32, #tpu.memory_space<vmem>>)
      %dma_wait3A_126 = arith.constant 0 : i32
      %dma_wait3A_127 = tpu.memref_slice %arg10[%add3A_116, %dma_wait3A_126] : memref<40x128xi32, #tpu.memory_space<vmem>> -> memref<1x128xi32, #tpu.memory_space<vmem>>
      %dma_wait3A_128 = tpu.memref_squeeze %dma_wait3A_127 : memref<1x128xi32, #tpu.memory_space<vmem>> -> memref<128xi32, #tpu.memory_space<vmem>>
      %dma_wait3A_129 = arith.constant 0 : i32
      %dma_wait3A_130 = tpu.memref_slice %arg3[%dma_wait3A_129] : memref<10240xf32, #tpu.memory_space<hbm>> -> memref<10240xf32, #tpu.memory_space<hbm>>
      tpu.wait_indirect_dma semaphore(%arg18 : memref<!tpu.dma_semaphore, #tpu.memory_space<semaphore_mem>>) src(%dma_wait3A_130 : memref<10240xf32, #tpu.memory_space<hbm>>) dst(%arg14 : memref<128xf32, #tpu.memory_space<vmem>>)
      "tpu.region"() ({
        %run_scoped3A = tpu.sem_alloc : memref<!tpu.dma_semaphore, #tpu.memory_space<semaphore_mem>>
        %dma_start3A_153 = arith.constant 0 : i32
        %dma_start3A_154 = tpu.memref_slice %arg11[%add3A_116, %dma_start3A_153] : memref<40x128xi32, #tpu.memory_space<vmem>> -> memref<1x128xi32, #tpu.memory_space<vmem>>
        %dma_start3A_155 = tpu.memref_squeeze %dma_start3A_154 : memref<1x128xi32, #tpu.memory_space<vmem>> -> memref<128xi32, #tpu.memory_space<vmem>>
        %dma_start3A_156 = arith.constant 0 : i32
        %dma_start3A_157 = arith.constant 0 : i32
        %dma_start3A_158 = tpu.memref_slice %arg16[%dma_start3A_156, %dma_start3A_157] : memref<10240x128xf32, #tpu.memory_space<vmem_shared>> -> memref<10240x128xf32, #tpu.memory_space<vmem_shared>>
        tpu.enqueue_indirect_dma source(%arg12 : memref<128x128xf32, #tpu.memory_space<vmem>>) target(%dma_start3A_158 : memref<10240x128xf32, #tpu.memory_space<vmem_shared>>) offsets(%dma_start3A_155 : memref<128xi32, #tpu.memory_space<vmem>>) semaphore(%run_scoped3A : memref<!tpu.dma_semaphore, #tpu.memory_space<semaphore_mem>>) {add = true}
        %dma_wait3A_159 = arith.constant 0 : i32
        %dma_wait3A_160 = tpu.memref_slice %arg11[%add3A_116, %dma_wait3A_159] : memref<40x128xi32, #tpu.memory_space<vmem>> -> memref<1x128xi32, #tpu.memory_space<vmem>>
        %dma_wait3A_161 = tpu.memref_squeeze %dma_wait3A_160 : memref<1x128xi32, #tpu.memory_space<vmem>> -> memref<128xi32, #tpu.memory_space<vmem>>
        %dma_wait3A_162 = arith.constant 0 : i32
        %dma_wait3A_163 = arith.constant 0 : i32
        %dma_wait3A_164 = tpu.memref_slice %arg16[%dma_wait3A_162, %dma_wait3A_163] : memref<10240x128xf32, #tpu.memory_space<vmem_shared>> -> memref<10240x128xf32, #tpu.memory_space<vmem_shared>>
        tpu.wait_indirect_dma semaphore(%run_scoped3A : memref<!tpu.dma_semaphore, #tpu.memory_space<semaphore_mem>>) src(%arg12 : memref<128x128xf32, #tpu.memory_space<vmem>>) dst(%dma_wait3A_164 : memref<10240x128xf32, #tpu.memory_space<vmem_shared>>)
        tpu.yield
      }) : () -> ()
      "tpu.region"() ({
        %run_scoped3A = tpu.sem_alloc : memref<!tpu.dma_semaphore, #tpu.memory_space<semaphore_mem>>
        %dma_start3A_153 = arith.constant 0 : i32
        %dma_start3A_154 = tpu.memref_slice %arg11[%add3A_116, %dma_start3A_153] : memref<40x128xi32, #tpu.memory_space<vmem>> -> memref<1x128xi32, #tpu.memory_space<vmem>>
        %dma_start3A_155 = tpu.memref_squeeze %dma_start3A_154 : memref<1x128xi32, #tpu.memory_space<vmem>> -> memref<128xi32, #tpu.memory_space<vmem>>
        %dma_start3A_156 = arith.constant 0 : i32
        %dma_start3A_157 = tpu.memref_slice %arg17[%dma_start3A_156] : memref<10240xf32, #tpu.memory_space<vmem_shared>> -> memref<10240xf32, #tpu.memory_space<vmem_shared>>
        tpu.enqueue_indirect_dma source(%arg14 : memref<128xf32, #tpu.memory_space<vmem>>) target(%dma_start3A_157 : memref<10240xf32, #tpu.memory_space<vmem_shared>>) offsets(%dma_start3A_155 : memref<128xi32, #tpu.memory_space<vmem>>) semaphore(%run_scoped3A : memref<!tpu.dma_semaphore, #tpu.memory_space<semaphore_mem>>) {add = true}
        %dma_wait3A_158 = arith.constant 0 : i32
        %dma_wait3A_159 = tpu.memref_slice %arg11[%add3A_116, %dma_wait3A_158] : memref<40x128xi32, #tpu.memory_space<vmem>> -> memref<1x128xi32, #tpu.memory_space<vmem>>
        %dma_wait3A_160 = tpu.memref_squeeze %dma_wait3A_159 : memref<1x128xi32, #tpu.memory_space<vmem>> -> memref<128xi32, #tpu.memory_space<vmem>>
        %dma_wait3A_161 = arith.constant 0 : i32
        %dma_wait3A_162 = tpu.memref_slice %arg17[%dma_wait3A_161] : memref<10240xf32, #tpu.memory_space<vmem_shared>> -> memref<10240xf32, #tpu.memory_space<vmem_shared>>
        tpu.wait_indirect_dma semaphore(%run_scoped3A : memref<!tpu.dma_semaphore, #tpu.memory_space<semaphore_mem>>) src(%arg14 : memref<128xf32, #tpu.memory_space<vmem>>) dst(%dma_wait3A_162 : memref<10240xf32, #tpu.memory_space<vmem_shared>>)
        tpu.yield
      }) : () -> ()
      %mul3A_131 = arith.constant 2 : i32
      %mul3A_132 = arith.muli %scan3A_112, %mul3A_131 : i32
      %add3A_133 = arith.constant 1 : i32
      %add3A_134 = arith.addi %mul3A_132, %add3A_133 : i32
      %add3A_135 = arith.constant 1 : i32
      %add3A_136 = arith.addi %add3A_134, %add3A_135 : i32
      %lt3A_137 = arith.constant 40 : i32
      %lt3A_138 = arith.cmpi slt, %add3A_136, %lt3A_137 : i32
      %convert_element_type3A_139 = arith.extui %lt3A_138 : i1 to i32
      %cond3A_140 = arith.constant 0 : i32
      %cond3A_141 = arith.cmpi ne, %convert_element_type3A_139, %cond3A_140 : i32
      scf.if %cond3A_141 {
        %add3A_153 = arith.constant 1 : i32
        %add3A_154 = arith.addi %add3A_134, %add3A_153 : i32
        %dma_start3A_155 = arith.constant 0 : i32
        %dma_start3A_156 = tpu.memref_slice %arg10[%add3A_154, %dma_start3A_155] : memref<40x128xi32, #tpu.memory_space<vmem>> -> memref<1x128xi32, #tpu.memory_space<vmem>>
        %dma_start3A_157 = tpu.memref_squeeze %dma_start3A_156 : memref<1x128xi32, #tpu.memory_space<vmem>> -> memref<128xi32, #tpu.memory_space<vmem>>
        %dma_start3A_158 = arith.constant 0 : i32
        %dma_start3A_159 = arith.constant 0 : i32
        %dma_start3A_160 = tpu.memref_slice %arg2[%dma_start3A_158, %dma_start3A_159] : memref<10240x128xf32, #tpu.memory_space<hbm>> -> memref<10240x128xf32, #tpu.memory_space<hbm>>
        tpu.enqueue_indirect_dma source(%dma_start3A_160 : memref<10240x128xf32, #tpu.memory_space<hbm>>) target(%arg12 : memref<128x128xf32, #tpu.memory_space<vmem>>) offsets(%dma_start3A_157 : memref<128xi32, #tpu.memory_space<vmem>>) semaphore(%arg18 : memref<!tpu.dma_semaphore, #tpu.memory_space<semaphore_mem>>)
        %dma_start3A_161 = arith.constant 0 : i32
        %dma_start3A_162 = tpu.memref_slice %arg10[%add3A_154, %dma_start3A_161] : memref<40x128xi32, #tpu.memory_space<vmem>> -> memref<1x128xi32, #tpu.memory_space<vmem>>
        %dma_start3A_163 = tpu.memref_squeeze %dma_start3A_162 : memref<1x128xi32, #tpu.memory_space<vmem>> -> memref<128xi32, #tpu.memory_space<vmem>>
        %dma_start3A_164 = arith.constant 0 : i32
        %dma_start3A_165 = tpu.memref_slice %arg3[%dma_start3A_164] : memref<10240xf32, #tpu.memory_space<hbm>> -> memref<10240xf32, #tpu.memory_space<hbm>>
        tpu.enqueue_indirect_dma source(%dma_start3A_165 : memref<10240xf32, #tpu.memory_space<hbm>>) target(%arg14 : memref<128xf32, #tpu.memory_space<vmem>>) offsets(%dma_start3A_163 : memref<128xi32, #tpu.memory_space<vmem>>) semaphore(%arg18 : memref<!tpu.dma_semaphore, #tpu.memory_space<semaphore_mem>>)
      } else {
      }
      %dma_wait3A_142 = arith.constant 0 : i32
      %dma_wait3A_143 = tpu.memref_slice %arg10[%add3A_134, %dma_wait3A_142] : memref<40x128xi32, #tpu.memory_space<vmem>> -> memref<1x128xi32, #tpu.memory_space<vmem>>
      %dma_wait3A_144 = tpu.memref_squeeze %dma_wait3A_143 : memref<1x128xi32, #tpu.memory_space<vmem>> -> memref<128xi32, #tpu.memory_space<vmem>>
      %dma_wait3A_145 = arith.constant 0 : i32
      %dma_wait3A_146 = arith.constant 0 : i32
      %dma_wait3A_147 = tpu.memref_slice %arg2[%dma_wait3A_145, %dma_wait3A_146] : memref<10240x128xf32, #tpu.memory_space<hbm>> -> memref<10240x128xf32, #tpu.memory_space<hbm>>
      tpu.wait_indirect_dma semaphore(%arg19 : memref<!tpu.dma_semaphore, #tpu.memory_space<semaphore_mem>>) src(%dma_wait3A_147 : memref<10240x128xf32, #tpu.memory_space<hbm>>) dst(%arg13 : memref<128x128xf32, #tpu.memory_space<vmem>>)
      %dma_wait3A_148 = arith.constant 0 : i32
      %dma_wait3A_149 = tpu.memref_slice %arg10[%add3A_134, %dma_wait3A_148] : memref<40x128xi32, #tpu.memory_space<vmem>> -> memref<1x128xi32, #tpu.memory_space<vmem>>
      %dma_wait3A_150 = tpu.memref_squeeze %dma_wait3A_149 : memref<1x128xi32, #tpu.memory_space<vmem>> -> memref<128xi32, #tpu.memory_space<vmem>>
      %dma_wait3A_151 = arith.constant 0 : i32
      %dma_wait3A_152 = tpu.memref_slice %arg3[%dma_wait3A_151] : memref<10240xf32, #tpu.memory_space<hbm>> -> memref<10240xf32, #tpu.memory_space<hbm>>
      tpu.wait_indirect_dma semaphore(%arg19 : memref<!tpu.dma_semaphore, #tpu.memory_space<semaphore_mem>>) src(%dma_wait3A_152 : memref<10240xf32, #tpu.memory_space<hbm>>) dst(%arg15 : memref<128xf32, #tpu.memory_space<vmem>>)
      "tpu.region"() ({
        %run_scoped3A = tpu.sem_alloc : memref<!tpu.dma_semaphore, #tpu.memory_space<semaphore_mem>>
        %dma_start3A_153 = arith.constant 0 : i32
        %dma_start3A_154 = tpu.memref_slice %arg11[%add3A_134, %dma_start3A_153] : memref<40x128xi32, #tpu.memory_space<vmem>> -> memref<1x128xi32, #tpu.memory_space<vmem>>
        %dma_start3A_155 = tpu.memref_squeeze %dma_start3A_154 : memref<1x128xi32, #tpu.memory_space<vmem>> -> memref<128xi32, #tpu.memory_space<vmem>>
        %dma_start3A_156 = arith.constant 0 : i32
        %dma_start3A_157 = arith.constant 0 : i32
        %dma_start3A_158 = tpu.memref_slice %arg16[%dma_start3A_156, %dma_start3A_157] : memref<10240x128xf32, #tpu.memory_space<vmem_shared>> -> memref<10240x128xf32, #tpu.memory_space<vmem_shared>>
        tpu.enqueue_indirect_dma source(%arg13 : memref<128x128xf32, #tpu.memory_space<vmem>>) target(%dma_start3A_158 : memref<10240x128xf32, #tpu.memory_space<vmem_shared>>) offsets(%dma_start3A_155 : memref<128xi32, #tpu.memory_space<vmem>>) semaphore(%run_scoped3A : memref<!tpu.dma_semaphore, #tpu.memory_space<semaphore_mem>>) {add = true}
        %dma_wait3A_159 = arith.constant 0 : i32
        %dma_wait3A_160 = tpu.memref_slice %arg11[%add3A_134, %dma_wait3A_159] : memref<40x128xi32, #tpu.memory_space<vmem>> -> memref<1x128xi32, #tpu.memory_space<vmem>>
        %dma_wait3A_161 = tpu.memref_squeeze %dma_wait3A_160 : memref<1x128xi32, #tpu.memory_space<vmem>> -> memref<128xi32, #tpu.memory_space<vmem>>
        %dma_wait3A_162 = arith.constant 0 : i32
        %dma_wait3A_163 = arith.constant 0 : i32
        %dma_wait3A_164 = tpu.memref_slice %arg16[%dma_wait3A_162, %dma_wait3A_163] : memref<10240x128xf32, #tpu.memory_space<vmem_shared>> -> memref<10240x128xf32, #tpu.memory_space<vmem_shared>>
        tpu.wait_indirect_dma semaphore(%run_scoped3A : memref<!tpu.dma_semaphore, #tpu.memory_space<semaphore_mem>>) src(%arg13 : memref<128x128xf32, #tpu.memory_space<vmem>>) dst(%dma_wait3A_164 : memref<10240x128xf32, #tpu.memory_space<vmem_shared>>)
        tpu.yield
      }) : () -> ()
      "tpu.region"() ({
        %run_scoped3A = tpu.sem_alloc : memref<!tpu.dma_semaphore, #tpu.memory_space<semaphore_mem>>
        %dma_start3A_153 = arith.constant 0 : i32
        %dma_start3A_154 = tpu.memref_slice %arg11[%add3A_134, %dma_start3A_153] : memref<40x128xi32, #tpu.memory_space<vmem>> -> memref<1x128xi32, #tpu.memory_space<vmem>>
        %dma_start3A_155 = tpu.memref_squeeze %dma_start3A_154 : memref<1x128xi32, #tpu.memory_space<vmem>> -> memref<128xi32, #tpu.memory_space<vmem>>
        %dma_start3A_156 = arith.constant 0 : i32
        %dma_start3A_157 = tpu.memref_slice %arg17[%dma_start3A_156] : memref<10240xf32, #tpu.memory_space<vmem_shared>> -> memref<10240xf32, #tpu.memory_space<vmem_shared>>
        tpu.enqueue_indirect_dma source(%arg15 : memref<128xf32, #tpu.memory_space<vmem>>) target(%dma_start3A_157 : memref<10240xf32, #tpu.memory_space<vmem_shared>>) offsets(%dma_start3A_155 : memref<128xi32, #tpu.memory_space<vmem>>) semaphore(%run_scoped3A : memref<!tpu.dma_semaphore, #tpu.memory_space<semaphore_mem>>) {add = true}
        %dma_wait3A_158 = arith.constant 0 : i32
        %dma_wait3A_159 = tpu.memref_slice %arg11[%add3A_134, %dma_wait3A_158] : memref<40x128xi32, #tpu.memory_space<vmem>> -> memref<1x128xi32, #tpu.memory_space<vmem>>
        %dma_wait3A_160 = tpu.memref_squeeze %dma_wait3A_159 : memref<1x128xi32, #tpu.memory_space<vmem>> -> memref<128xi32, #tpu.memory_space<vmem>>
        %dma_wait3A_161 = arith.constant 0 : i32
        %dma_wait3A_162 = tpu.memref_slice %arg17[%dma_wait3A_161] : memref<10240xf32, #tpu.memory_space<vmem_shared>> -> memref<10240xf32, #tpu.memory_space<vmem_shared>>
        tpu.wait_indirect_dma semaphore(%run_scoped3A : memref<!tpu.dma_semaphore, #tpu.memory_space<semaphore_mem>>) src(%arg15 : memref<128xf32, #tpu.memory_space<vmem>>) dst(%dma_wait3A_162 : memref<10240xf32, #tpu.memory_space<vmem_shared>>)
        tpu.yield
      }) : () -> ()
    }
    %scan3A_102 = arith.constant 20 : i32
    %barrier3A_103 = arith.constant 0 : index
    tpu.barrier barrier_id(%barrier3A_103)
    %mul3A_104 = arith.constant 640 : i32
    %mul3A_105 = arith.muli %arg1, %mul3A_104 : i32
    %mul3A_106 = arith.constant 640 : i32
    %mul3A_107 = arith.muli %arg1, %mul3A_106 : i32
    "tpu.region"() ({
      %run_scoped3A = tpu.sem_alloc : memref<!tpu.dma_semaphore, #tpu.memory_space<semaphore_mem>>
      %dma_start3A_112 = arith.constant 0 : i32
      %dma_start3A_113 = tpu.memref_slice %arg8[%arg0, %mul3A_107, %dma_start3A_112] : memref<2x10240x128xf32, #tpu.memory_space<hbm>> -> memref<1x640x128xf32, #tpu.memory_space<hbm>>
      %dma_start3A_114 = tpu.memref_squeeze %dma_start3A_113 : memref<1x640x128xf32, #tpu.memory_space<hbm>> -> memref<640x128xf32, #tpu.memory_space<hbm>>
      %dma_start3A_115 = arith.constant 0 : i32
      %dma_start3A_116 = tpu.memref_slice %arg16[%mul3A_105, %dma_start3A_115] : memref<10240x128xf32, #tpu.memory_space<vmem_shared>> -> memref<640x128xf32, #tpu.memory_space<vmem_shared>>
      tpu.enqueue_dma source(%dma_start3A_116 : memref<640x128xf32, #tpu.memory_space<vmem_shared>>) target(%dma_start3A_114 : memref<640x128xf32, #tpu.memory_space<hbm>>) target_semaphore(%run_scoped3A : memref<!tpu.dma_semaphore, #tpu.memory_space<semaphore_mem>>)
      %dma_wait3A = arith.constant 0 : i32
      %dma_wait3A_117 = tpu.memref_slice %arg8[%arg0, %mul3A_107, %dma_wait3A] : memref<2x10240x128xf32, #tpu.memory_space<hbm>> -> memref<1x640x128xf32, #tpu.memory_space<hbm>>
      %dma_wait3A_118 = tpu.memref_squeeze %dma_wait3A_117 : memref<1x640x128xf32, #tpu.memory_space<hbm>> -> memref<640x128xf32, #tpu.memory_space<hbm>>
      %dma_wait3A_119 = arith.constant 0 : i32
      %dma_wait3A_120 = tpu.memref_slice %arg16[%mul3A_105, %dma_wait3A_119] : memref<10240x128xf32, #tpu.memory_space<vmem_shared>> -> memref<640x128xf32, #tpu.memory_space<vmem_shared>>
      tpu.wait_dma2 semaphore(%run_scoped3A : memref<!tpu.dma_semaphore, #tpu.memory_space<semaphore_mem>>) src(%dma_wait3A_120 : memref<640x128xf32, #tpu.memory_space<vmem_shared>>) dst(%dma_wait3A_118 : memref<640x128xf32, #tpu.memory_space<hbm>>)
      tpu.yield
    }) : () -> ()
    %mul3A_108 = arith.constant 640 : i32
    %mul3A_109 = arith.muli %arg1, %mul3A_108 : i32
    %mul3A_110 = arith.constant 640 : i32
    %mul3A_111 = arith.muli %arg1, %mul3A_110 : i32
    "tpu.region"() ({
      %run_scoped3A = tpu.sem_alloc : memref<!tpu.dma_semaphore, #tpu.memory_space<semaphore_mem>>
      %dma_start3A_112 = tpu.memref_slice %arg9[%arg0, %mul3A_111] : memref<2x10240xf32, #tpu.memory_space<hbm>> -> memref<1x640xf32, #tpu.memory_space<hbm>>
      %dma_start3A_113 = tpu.memref_squeeze %dma_start3A_112 : memref<1x640xf32, #tpu.memory_space<hbm>> -> memref<640xf32, #tpu.memory_space<hbm>>
      %dma_start3A_114 = tpu.memref_slice %arg17[%mul3A_109] : memref<10240xf32, #tpu.memory_space<vmem_shared>> -> memref<640xf32, #tpu.memory_space<vmem_shared>>
      tpu.enqueue_dma source(%dma_start3A_114 : memref<640xf32, #tpu.memory_space<vmem_shared>>) target(%dma_start3A_113 : memref<640xf32, #tpu.memory_space<hbm>>) target_semaphore(%run_scoped3A : memref<!tpu.dma_semaphore, #tpu.memory_space<semaphore_mem>>)
      %dma_wait3A = tpu.memref_slice %arg9[%arg0, %mul3A_111] : memref<2x10240xf32, #tpu.memory_space<hbm>> -> memref<1x640xf32, #tpu.memory_space<hbm>>
      %dma_wait3A_115 = tpu.memref_squeeze %dma_wait3A : memref<1x640xf32, #tpu.memory_space<hbm>> -> memref<640xf32, #tpu.memory_space<hbm>>
      %dma_wait3A_116 = tpu.memref_slice %arg17[%mul3A_109] : memref<10240xf32, #tpu.memory_space<vmem_shared>> -> memref<640xf32, #tpu.memory_space<vmem_shared>>
      tpu.wait_dma2 semaphore(%run_scoped3A : memref<!tpu.dma_semaphore, #tpu.memory_space<semaphore_mem>>) src(%dma_wait3A_116 : memref<640xf32, #tpu.memory_space<vmem_shared>>) dst(%dma_wait3A_115 : memref<640xf32, #tpu.memory_space<hbm>>)
      tpu.yield
    }) : () -> ()
    return
  }
}

#map = affine_map<(d0, d1) -> (0, 0)>
#map1 = affine_map<(d0, d1) -> (0)>
#map2 = affine_map<(d0, d1) -> (0, 0, 0)>
module attributes {stable_mosaic.version = 14 : i64} {
  func.func @_edge_body(%arg0: i32, %arg1: i32, %arg2: memref<10240x128xf32, #tpu.memory_space<hbm>>, %arg3: memref<10240xf32, #tpu.memory_space<hbm>>, %arg4: memref<32x80x128xi32, #tpu.memory_space<hbm>>, %arg5: memref<32x80x128xi32, #tpu.memory_space<hbm>>, %arg6: memref<40x128xf32, #tpu.memory_space<hbm>>, %arg7: memref<640xf32, #tpu.memory_space<hbm>>, %arg8: memref<2x10240x128xf32, #tpu.memory_space<hbm>>, %arg9: memref<2x10240xf32, #tpu.memory_space<hbm>>, %arg10: memref<40x128xi32, #tpu.memory_space<vmem>>, %arg11: memref<40x128xi32, #tpu.memory_space<vmem>>, %arg12: memref<128x128xf32, #tpu.memory_space<vmem>>, %arg13: memref<128x128xf32, #tpu.memory_space<vmem>>, %arg14: memref<128xf32, #tpu.memory_space<vmem>>, %arg15: memref<128xf32, #tpu.memory_space<vmem>>, %arg16: memref<10240x128xf32, #tpu.memory_space<vmem_shared>>, %arg17: memref<10240xf32, #tpu.memory_space<vmem_shared>>, %arg18: memref<!tpu.dma_semaphore, #tpu.memory_space<semaphore_mem>>, %arg19: memref<!tpu.dma_semaphore, #tpu.memory_space<semaphore_mem>>) attributes {dimension_semantics = [#tpu.dimension_semantics<core_parallel>, #tpu.dimension_semantics<subcore_parallel>], iteration_bounds = array<i64: 2, 16>, scalar_prefetch = 0 : i64, scratch_operands = 10 : i64, tpu.core_type = #tpu.core_type<sc_vector_subcore>, window_params = [{transform_indices = #map}, {transform_indices = #map1}, {transform_indices = #map2}, {transform_indices = #map2}, {transform_indices = #map}, {transform_indices = #map1}, {transform_indices = #map2}, {transform_indices = #map}]} {
    %mul3A = arith.constant 16 : i32
    %mul3A_0 = arith.muli %arg0, %mul3A : i32
    %add3A = arith.addi %mul3A_0, %arg1 : i32
    %mul3A_1 = arith.constant 640 : i32
    %mul3A_2 = arith.muli %arg1, %mul3A_1 : i32
    %add3A_3 = arith.constant 0 : i32
    %add3A_4 = arith.addi %mul3A_2, %add3A_3 : i32
    "tpu.region"() ({
      %run_scoped3A = tpu.sem_alloc : memref<!tpu.dma_semaphore, #tpu.memory_space<semaphore_mem>>
      %dma_start3A_112 = arith.constant 0 : i32
      %dma_start3A_113 = tpu.memref_slice %arg16[%add3A_4, %dma_start3A_112] : memref<10240x128xf32, #tpu.memory_space<vmem_shared>> -> memref<40x128xf32, #tpu.memory_space<vmem_shared>>
      tpu.enqueue_dma source(%arg6 : memref<40x128xf32, #tpu.memory_space<hbm>>) target(%dma_start3A_113 : memref<40x128xf32, #tpu.memory_space<vmem_shared>>) target_semaphore(%run_scoped3A : memref<!tpu.dma_semaphore, #tpu.memory_space<semaphore_mem>>)
      %dma_wait3A = arith.constant 0 : i32
      %dma_wait3A_114 = tpu.memref_slice %arg16[%add3A_4, %dma_wait3A] : memref<10240x128xf32, #tpu.memory_space<vmem_shared>> -> memref<40x128xf32, #tpu.memory_space<vmem_shared>>
      tpu.wait_dma2 semaphore(%run_scoped3A : memref<!tpu.dma_semaphore, #tpu.memory_space<semaphore_mem>>) src(%arg6 : memref<40x128xf32, #tpu.memory_space<hbm>>) dst(%dma_wait3A_114 : memref<40x128xf32, #tpu.memory_space<vmem_shared>>)
      tpu.yield
    }) : () -> ()
    %mul3A_5 = arith.constant 640 : i32
    %mul3A_6 = arith.muli %arg1, %mul3A_5 : i32
    %add3A_7 = arith.constant 40 : i32
    %add3A_8 = arith.addi %mul3A_6, %add3A_7 : i32
    "tpu.region"() ({
      %run_scoped3A = tpu.sem_alloc : memref<!tpu.dma_semaphore, #tpu.memory_space<semaphore_mem>>
      %dma_start3A_112 = arith.constant 0 : i32
      %dma_start3A_113 = tpu.memref_slice %arg16[%add3A_8, %dma_start3A_112] : memref<10240x128xf32, #tpu.memory_space<vmem_shared>> -> memref<40x128xf32, #tpu.memory_space<vmem_shared>>
      tpu.enqueue_dma source(%arg6 : memref<40x128xf32, #tpu.memory_space<hbm>>) target(%dma_start3A_113 : memref<40x128xf32, #tpu.memory_space<vmem_shared>>) target_semaphore(%run_scoped3A : memref<!tpu.dma_semaphore, #tpu.memory_space<semaphore_mem>>)
      %dma_wait3A = arith.constant 0 : i32
      %dma_wait3A_114 = tpu.memref_slice %arg16[%add3A_8, %dma_wait3A] : memref<10240x128xf32, #tpu.memory_space<vmem_shared>> -> memref<40x128xf32, #tpu.memory_space<vmem_shared>>
      tpu.wait_dma2 semaphore(%run_scoped3A : memref<!tpu.dma_semaphore, #tpu.memory_space<semaphore_mem>>) src(%arg6 : memref<40x128xf32, #tpu.memory_space<hbm>>) dst(%dma_wait3A_114 : memref<40x128xf32, #tpu.memory_space<vmem_shared>>)
      tpu.yield
    }) : () -> ()
    %mul3A_9 = arith.constant 640 : i32
    %mul3A_10 = arith.muli %arg1, %mul3A_9 : i32
    %add3A_11 = arith.constant 80 : i32
    %add3A_12 = arith.addi %mul3A_10, %add3A_11 : i32
    "tpu.region"() ({
      %run_scoped3A = tpu.sem_alloc : memref<!tpu.dma_semaphore, #tpu.memory_space<semaphore_mem>>
      %dma_start3A_112 = arith.constant 0 : i32
      %dma_start3A_113 = tpu.memref_slice %arg16[%add3A_12, %dma_start3A_112] : memref<10240x128xf32, #tpu.memory_space<vmem_shared>> -> memref<40x128xf32, #tpu.memory_space<vmem_shared>>
      tpu.enqueue_dma source(%arg6 : memref<40x128xf32, #tpu.memory_space<hbm>>) target(%dma_start3A_113 : memref<40x128xf32, #tpu.memory_space<vmem_shared>>) target_semaphore(%run_scoped3A : memref<!tpu.dma_semaphore, #tpu.memory_space<semaphore_mem>>)
      %dma_wait3A = arith.constant 0 : i32
      %dma_wait3A_114 = tpu.memref_slice %arg16[%add3A_12, %dma_wait3A] : memref<10240x128xf32, #tpu.memory_space<vmem_shared>> -> memref<40x128xf32, #tpu.memory_space<vmem_shared>>
      tpu.wait_dma2 semaphore(%run_scoped3A : memref<!tpu.dma_semaphore, #tpu.memory_space<semaphore_mem>>) src(%arg6 : memref<40x128xf32, #tpu.memory_space<hbm>>) dst(%dma_wait3A_114 : memref<40x128xf32, #tpu.memory_space<vmem_shared>>)
      tpu.yield
    }) : () -> ()
    %mul3A_13 = arith.constant 640 : i32
    %mul3A_14 = arith.muli %arg1, %mul3A_13 : i32
    %add3A_15 = arith.constant 120 : i32
    %add3A_16 = arith.addi %mul3A_14, %add3A_15 : i32
    "tpu.region"() ({
      %run_scoped3A = tpu.sem_alloc : memref<!tpu.dma_semaphore, #tpu.memory_space<semaphore_mem>>
      %dma_start3A_112 = arith.constant 0 : i32
      %dma_start3A_113 = tpu.memref_slice %arg16[%add3A_16, %dma_start3A_112] : memref<10240x128xf32, #tpu.memory_space<vmem_shared>> -> memref<40x128xf32, #tpu.memory_space<vmem_shared>>
      tpu.enqueue_dma source(%arg6 : memref<40x128xf32, #tpu.memory_space<hbm>>) target(%dma_start3A_113 : memref<40x128xf32, #tpu.memory_space<vmem_shared>>) target_semaphore(%run_scoped3A : memref<!tpu.dma_semaphore, #tpu.memory_space<semaphore_mem>>)
      %dma_wait3A = arith.constant 0 : i32
      %dma_wait3A_114 = tpu.memref_slice %arg16[%add3A_16, %dma_wait3A] : memref<10240x128xf32, #tpu.memory_space<vmem_shared>> -> memref<40x128xf32, #tpu.memory_space<vmem_shared>>
      tpu.wait_dma2 semaphore(%run_scoped3A : memref<!tpu.dma_semaphore, #tpu.memory_space<semaphore_mem>>) src(%arg6 : memref<40x128xf32, #tpu.memory_space<hbm>>) dst(%dma_wait3A_114 : memref<40x128xf32, #tpu.memory_space<vmem_shared>>)
      tpu.yield
    }) : () -> ()
    %mul3A_17 = arith.constant 640 : i32
    %mul3A_18 = arith.muli %arg1, %mul3A_17 : i32
    %add3A_19 = arith.constant 160 : i32
    %add3A_20 = arith.addi %mul3A_18, %add3A_19 : i32
    "tpu.region"() ({
      %run_scoped3A = tpu.sem_alloc : memref<!tpu.dma_semaphore, #tpu.memory_space<semaphore_mem>>
      %dma_start3A_112 = arith.constant 0 : i32
      %dma_start3A_113 = tpu.memref_slice %arg16[%add3A_20, %dma_start3A_112] : memref<10240x128xf32, #tpu.memory_space<vmem_shared>> -> memref<40x128xf32, #tpu.memory_space<vmem_shared>>
      tpu.enqueue_dma source(%arg6 : memref<40x128xf32, #tpu.memory_space<hbm>>) target(%dma_start3A_113 : memref<40x128xf32, #tpu.memory_space<vmem_shared>>) target_semaphore(%run_scoped3A : memref<!tpu.dma_semaphore, #tpu.memory_space<semaphore_mem>>)
      %dma_wait3A = arith.constant 0 : i32
      %dma_wait3A_114 = tpu.memref_slice %arg16[%add3A_20, %dma_wait3A] : memref<10240x128xf32, #tpu.memory_space<vmem_shared>> -> memref<40x128xf32, #tpu.memory_space<vmem_shared>>
      tpu.wait_dma2 semaphore(%run_scoped3A : memref<!tpu.dma_semaphore, #tpu.memory_space<semaphore_mem>>) src(%arg6 : memref<40x128xf32, #tpu.memory_space<hbm>>) dst(%dma_wait3A_114 : memref<40x128xf32, #tpu.memory_space<vmem_shared>>)
      tpu.yield
    }) : () -> ()
    %mul3A_21 = arith.constant 640 : i32
    %mul3A_22 = arith.muli %arg1, %mul3A_21 : i32
    %add3A_23 = arith.constant 200 : i32
    %add3A_24 = arith.addi %mul3A_22, %add3A_23 : i32
    "tpu.region"() ({
      %run_scoped3A = tpu.sem_alloc : memref<!tpu.dma_semaphore, #tpu.memory_space<semaphore_mem>>
      %dma_start3A_112 = arith.constant 0 : i32
      %dma_start3A_113 = tpu.memref_slice %arg16[%add3A_24, %dma_start3A_112] : memref<10240x128xf32, #tpu.memory_space<vmem_shared>> -> memref<40x128xf32, #tpu.memory_space<vmem_shared>>
      tpu.enqueue_dma source(%arg6 : memref<40x128xf32, #tpu.memory_space<hbm>>) target(%dma_start3A_113 : memref<40x128xf32, #tpu.memory_space<vmem_shared>>) target_semaphore(%run_scoped3A : memref<!tpu.dma_semaphore, #tpu.memory_space<semaphore_mem>>)
      %dma_wait3A = arith.constant 0 : i32
      %dma_wait3A_114 = tpu.memref_slice %arg16[%add3A_24, %dma_wait3A] : memref<10240x128xf32, #tpu.memory_space<vmem_shared>> -> memref<40x128xf32, #tpu.memory_space<vmem_shared>>
      tpu.wait_dma2 semaphore(%run_scoped3A : memref<!tpu.dma_semaphore, #tpu.memory_space<semaphore_mem>>) src(%arg6 : memref<40x128xf32, #tpu.memory_space<hbm>>) dst(%dma_wait3A_114 : memref<40x128xf32, #tpu.memory_space<vmem_shared>>)
      tpu.yield
    }) : () -> ()
    %mul3A_25 = arith.constant 640 : i32
    %mul3A_26 = arith.muli %arg1, %mul3A_25 : i32
    %add3A_27 = arith.constant 240 : i32
    %add3A_28 = arith.addi %mul3A_26, %add3A_27 : i32
    "tpu.region"() ({
      %run_scoped3A = tpu.sem_alloc : memref<!tpu.dma_semaphore, #tpu.memory_space<semaphore_mem>>
      %dma_start3A_112 = arith.constant 0 : i32
      %dma_start3A_113 = tpu.memref_slice %arg16[%add3A_28, %dma_start3A_112] : memref<10240x128xf32, #tpu.memory_space<vmem_shared>> -> memref<40x128xf32, #tpu.memory_space<vmem_shared>>
      tpu.enqueue_dma source(%arg6 : memref<40x128xf32, #tpu.memory_space<hbm>>) target(%dma_start3A_113 : memref<40x128xf32, #tpu.memory_space<vmem_shared>>) target_semaphore(%run_scoped3A : memref<!tpu.dma_semaphore, #tpu.memory_space<semaphore_mem>>)
      %dma_wait3A = arith.constant 0 : i32
      %dma_wait3A_114 = tpu.memref_slice %arg16[%add3A_28, %dma_wait3A] : memref<10240x128xf32, #tpu.memory_space<vmem_shared>> -> memref<40x128xf32, #tpu.memory_space<vmem_shared>>
      tpu.wait_dma2 semaphore(%run_scoped3A : memref<!tpu.dma_semaphore, #tpu.memory_space<semaphore_mem>>) src(%arg6 : memref<40x128xf32, #tpu.memory_space<hbm>>) dst(%dma_wait3A_114 : memref<40x128xf32, #tpu.memory_space<vmem_shared>>)
      tpu.yield
    }) : () -> ()
    %mul3A_29 = arith.constant 640 : i32
    %mul3A_30 = arith.muli %arg1, %mul3A_29 : i32
    %add3A_31 = arith.constant 280 : i32
    %add3A_32 = arith.addi %mul3A_30, %add3A_31 : i32
    "tpu.region"() ({
      %run_scoped3A = tpu.sem_alloc : memref<!tpu.dma_semaphore, #tpu.memory_space<semaphore_mem>>
      %dma_start3A_112 = arith.constant 0 : i32
      %dma_start3A_113 = tpu.memref_slice %arg16[%add3A_32, %dma_start3A_112] : memref<10240x128xf32, #tpu.memory_space<vmem_shared>> -> memref<40x128xf32, #tpu.memory_space<vmem_shared>>
      tpu.enqueue_dma source(%arg6 : memref<40x128xf32, #tpu.memory_space<hbm>>) target(%dma_start3A_113 : memref<40x128xf32, #tpu.memory_space<vmem_shared>>) target_semaphore(%run_scoped3A : memref<!tpu.dma_semaphore, #tpu.memory_space<semaphore_mem>>)
      %dma_wait3A = arith.constant 0 : i32
      %dma_wait3A_114 = tpu.memref_slice %arg16[%add3A_32, %dma_wait3A] : memref<10240x128xf32, #tpu.memory_space<vmem_shared>> -> memref<40x128xf32, #tpu.memory_space<vmem_shared>>
      tpu.wait_dma2 semaphore(%run_scoped3A : memref<!tpu.dma_semaphore, #tpu.memory_space<semaphore_mem>>) src(%arg6 : memref<40x128xf32, #tpu.memory_space<hbm>>) dst(%dma_wait3A_114 : memref<40x128xf32, #tpu.memory_space<vmem_shared>>)
      tpu.yield
    }) : () -> ()
    %mul3A_33 = arith.constant 640 : i32
    %mul3A_34 = arith.muli %arg1, %mul3A_33 : i32
    %add3A_35 = arith.constant 320 : i32
    %add3A_36 = arith.addi %mul3A_34, %add3A_35 : i32
    "tpu.region"() ({
      %run_scoped3A = tpu.sem_alloc : memref<!tpu.dma_semaphore, #tpu.memory_space<semaphore_mem>>
      %dma_start3A_112 = arith.constant 0 : i32
      %dma_start3A_113 = tpu.memref_slice %arg16[%add3A_36, %dma_start3A_112] : memref<10240x128xf32, #tpu.memory_space<vmem_shared>> -> memref<40x128xf32, #tpu.memory_space<vmem_shared>>
      tpu.enqueue_dma source(%arg6 : memref<40x128xf32, #tpu.memory_space<hbm>>) target(%dma_start3A_113 : memref<40x128xf32, #tpu.memory_space<vmem_shared>>) target_semaphore(%run_scoped3A : memref<!tpu.dma_semaphore, #tpu.memory_space<semaphore_mem>>)
      %dma_wait3A = arith.constant 0 : i32
      %dma_wait3A_114 = tpu.memref_slice %arg16[%add3A_36, %dma_wait3A] : memref<10240x128xf32, #tpu.memory_space<vmem_shared>> -> memref<40x128xf32, #tpu.memory_space<vmem_shared>>
      tpu.wait_dma2 semaphore(%run_scoped3A : memref<!tpu.dma_semaphore, #tpu.memory_space<semaphore_mem>>) src(%arg6 : memref<40x128xf32, #tpu.memory_space<hbm>>) dst(%dma_wait3A_114 : memref<40x128xf32, #tpu.memory_space<vmem_shared>>)
      tpu.yield
    }) : () -> ()
    %mul3A_37 = arith.constant 640 : i32
    %mul3A_38 = arith.muli %arg1, %mul3A_37 : i32
    %add3A_39 = arith.constant 360 : i32
    %add3A_40 = arith.addi %mul3A_38, %add3A_39 : i32
    "tpu.region"() ({
      %run_scoped3A = tpu.sem_alloc : memref<!tpu.dma_semaphore, #tpu.memory_space<semaphore_mem>>
      %dma_start3A_112 = arith.constant 0 : i32
      %dma_start3A_113 = tpu.memref_slice %arg16[%add3A_40, %dma_start3A_112] : memref<10240x128xf32, #tpu.memory_space<vmem_shared>> -> memref<40x128xf32, #tpu.memory_space<vmem_shared>>
      tpu.enqueue_dma source(%arg6 : memref<40x128xf32, #tpu.memory_space<hbm>>) target(%dma_start3A_113 : memref<40x128xf32, #tpu.memory_space<vmem_shared>>) target_semaphore(%run_scoped3A : memref<!tpu.dma_semaphore, #tpu.memory_space<semaphore_mem>>)
      %dma_wait3A = arith.constant 0 : i32
      %dma_wait3A_114 = tpu.memref_slice %arg16[%add3A_40, %dma_wait3A] : memref<10240x128xf32, #tpu.memory_space<vmem_shared>> -> memref<40x128xf32, #tpu.memory_space<vmem_shared>>
      tpu.wait_dma2 semaphore(%run_scoped3A : memref<!tpu.dma_semaphore, #tpu.memory_space<semaphore_mem>>) src(%arg6 : memref<40x128xf32, #tpu.memory_space<hbm>>) dst(%dma_wait3A_114 : memref<40x128xf32, #tpu.memory_space<vmem_shared>>)
      tpu.yield
    }) : () -> ()
    %mul3A_41 = arith.constant 640 : i32
    %mul3A_42 = arith.muli %arg1, %mul3A_41 : i32
    %add3A_43 = arith.constant 400 : i32
    %add3A_44 = arith.addi %mul3A_42, %add3A_43 : i32
    "tpu.region"() ({
      %run_scoped3A = tpu.sem_alloc : memref<!tpu.dma_semaphore, #tpu.memory_space<semaphore_mem>>
      %dma_start3A_112 = arith.constant 0 : i32
      %dma_start3A_113 = tpu.memref_slice %arg16[%add3A_44, %dma_start3A_112] : memref<10240x128xf32, #tpu.memory_space<vmem_shared>> -> memref<40x128xf32, #tpu.memory_space<vmem_shared>>
      tpu.enqueue_dma source(%arg6 : memref<40x128xf32, #tpu.memory_space<hbm>>) target(%dma_start3A_113 : memref<40x128xf32, #tpu.memory_space<vmem_shared>>) target_semaphore(%run_scoped3A : memref<!tpu.dma_semaphore, #tpu.memory_space<semaphore_mem>>)
      %dma_wait3A = arith.constant 0 : i32
      %dma_wait3A_114 = tpu.memref_slice %arg16[%add3A_44, %dma_wait3A] : memref<10240x128xf32, #tpu.memory_space<vmem_shared>> -> memref<40x128xf32, #tpu.memory_space<vmem_shared>>
      tpu.wait_dma2 semaphore(%run_scoped3A : memref<!tpu.dma_semaphore, #tpu.memory_space<semaphore_mem>>) src(%arg6 : memref<40x128xf32, #tpu.memory_space<hbm>>) dst(%dma_wait3A_114 : memref<40x128xf32, #tpu.memory_space<vmem_shared>>)
      tpu.yield
    }) : () -> ()
    %mul3A_45 = arith.constant 640 : i32
    %mul3A_46 = arith.muli %arg1, %mul3A_45 : i32
    %add3A_47 = arith.constant 440 : i32
    %add3A_48 = arith.addi %mul3A_46, %add3A_47 : i32
    "tpu.region"() ({
      %run_scoped3A = tpu.sem_alloc : memref<!tpu.dma_semaphore, #tpu.memory_space<semaphore_mem>>
      %dma_start3A_112 = arith.constant 0 : i32
      %dma_start3A_113 = tpu.memref_slice %arg16[%add3A_48, %dma_start3A_112] : memref<10240x128xf32, #tpu.memory_space<vmem_shared>> -> memref<40x128xf32, #tpu.memory_space<vmem_shared>>
      tpu.enqueue_dma source(%arg6 : memref<40x128xf32, #tpu.memory_space<hbm>>) target(%dma_start3A_113 : memref<40x128xf32, #tpu.memory_space<vmem_shared>>) target_semaphore(%run_scoped3A : memref<!tpu.dma_semaphore, #tpu.memory_space<semaphore_mem>>)
      %dma_wait3A = arith.constant 0 : i32
      %dma_wait3A_114 = tpu.memref_slice %arg16[%add3A_48, %dma_wait3A] : memref<10240x128xf32, #tpu.memory_space<vmem_shared>> -> memref<40x128xf32, #tpu.memory_space<vmem_shared>>
      tpu.wait_dma2 semaphore(%run_scoped3A : memref<!tpu.dma_semaphore, #tpu.memory_space<semaphore_mem>>) src(%arg6 : memref<40x128xf32, #tpu.memory_space<hbm>>) dst(%dma_wait3A_114 : memref<40x128xf32, #tpu.memory_space<vmem_shared>>)
      tpu.yield
    }) : () -> ()
    %mul3A_49 = arith.constant 640 : i32
    %mul3A_50 = arith.muli %arg1, %mul3A_49 : i32
    %add3A_51 = arith.constant 480 : i32
    %add3A_52 = arith.addi %mul3A_50, %add3A_51 : i32
    "tpu.region"() ({
      %run_scoped3A = tpu.sem_alloc : memref<!tpu.dma_semaphore, #tpu.memory_space<semaphore_mem>>
      %dma_start3A_112 = arith.constant 0 : i32
      %dma_start3A_113 = tpu.memref_slice %arg16[%add3A_52, %dma_start3A_112] : memref<10240x128xf32, #tpu.memory_space<vmem_shared>> -> memref<40x128xf32, #tpu.memory_space<vmem_shared>>
      tpu.enqueue_dma source(%arg6 : memref<40x128xf32, #tpu.memory_space<hbm>>) target(%dma_start3A_113 : memref<40x128xf32, #tpu.memory_space<vmem_shared>>) target_semaphore(%run_scoped3A : memref<!tpu.dma_semaphore, #tpu.memory_space<semaphore_mem>>)
      %dma_wait3A = arith.constant 0 : i32
      %dma_wait3A_114 = tpu.memref_slice %arg16[%add3A_52, %dma_wait3A] : memref<10240x128xf32, #tpu.memory_space<vmem_shared>> -> memref<40x128xf32, #tpu.memory_space<vmem_shared>>
      tpu.wait_dma2 semaphore(%run_scoped3A : memref<!tpu.dma_semaphore, #tpu.memory_space<semaphore_mem>>) src(%arg6 : memref<40x128xf32, #tpu.memory_space<hbm>>) dst(%dma_wait3A_114 : memref<40x128xf32, #tpu.memory_space<vmem_shared>>)
      tpu.yield
    }) : () -> ()
    %mul3A_53 = arith.constant 640 : i32
    %mul3A_54 = arith.muli %arg1, %mul3A_53 : i32
    %add3A_55 = arith.constant 520 : i32
    %add3A_56 = arith.addi %mul3A_54, %add3A_55 : i32
    "tpu.region"() ({
      %run_scoped3A = tpu.sem_alloc : memref<!tpu.dma_semaphore, #tpu.memory_space<semaphore_mem>>
      %dma_start3A_112 = arith.constant 0 : i32
      %dma_start3A_113 = tpu.memref_slice %arg16[%add3A_56, %dma_start3A_112] : memref<10240x128xf32, #tpu.memory_space<vmem_shared>> -> memref<40x128xf32, #tpu.memory_space<vmem_shared>>
      tpu.enqueue_dma source(%arg6 : memref<40x128xf32, #tpu.memory_space<hbm>>) target(%dma_start3A_113 : memref<40x128xf32, #tpu.memory_space<vmem_shared>>) target_semaphore(%run_scoped3A : memref<!tpu.dma_semaphore, #tpu.memory_space<semaphore_mem>>)
      %dma_wait3A = arith.constant 0 : i32
      %dma_wait3A_114 = tpu.memref_slice %arg16[%add3A_56, %dma_wait3A] : memref<10240x128xf32, #tpu.memory_space<vmem_shared>> -> memref<40x128xf32, #tpu.memory_space<vmem_shared>>
      tpu.wait_dma2 semaphore(%run_scoped3A : memref<!tpu.dma_semaphore, #tpu.memory_space<semaphore_mem>>) src(%arg6 : memref<40x128xf32, #tpu.memory_space<hbm>>) dst(%dma_wait3A_114 : memref<40x128xf32, #tpu.memory_space<vmem_shared>>)
      tpu.yield
    }) : () -> ()
    %mul3A_57 = arith.constant 640 : i32
    %mul3A_58 = arith.muli %arg1, %mul3A_57 : i32
    %add3A_59 = arith.constant 560 : i32
    %add3A_60 = arith.addi %mul3A_58, %add3A_59 : i32
    "tpu.region"() ({
      %run_scoped3A = tpu.sem_alloc : memref<!tpu.dma_semaphore, #tpu.memory_space<semaphore_mem>>
      %dma_start3A_112 = arith.constant 0 : i32
      %dma_start3A_113 = tpu.memref_slice %arg16[%add3A_60, %dma_start3A_112] : memref<10240x128xf32, #tpu.memory_space<vmem_shared>> -> memref<40x128xf32, #tpu.memory_space<vmem_shared>>
      tpu.enqueue_dma source(%arg6 : memref<40x128xf32, #tpu.memory_space<hbm>>) target(%dma_start3A_113 : memref<40x128xf32, #tpu.memory_space<vmem_shared>>) target_semaphore(%run_scoped3A : memref<!tpu.dma_semaphore, #tpu.memory_space<semaphore_mem>>)
      %dma_wait3A = arith.constant 0 : i32
      %dma_wait3A_114 = tpu.memref_slice %arg16[%add3A_60, %dma_wait3A] : memref<10240x128xf32, #tpu.memory_space<vmem_shared>> -> memref<40x128xf32, #tpu.memory_space<vmem_shared>>
      tpu.wait_dma2 semaphore(%run_scoped3A : memref<!tpu.dma_semaphore, #tpu.memory_space<semaphore_mem>>) src(%arg6 : memref<40x128xf32, #tpu.memory_space<hbm>>) dst(%dma_wait3A_114 : memref<40x128xf32, #tpu.memory_space<vmem_shared>>)
      tpu.yield
    }) : () -> ()
    %mul3A_61 = arith.constant 640 : i32
    %mul3A_62 = arith.muli %arg1, %mul3A_61 : i32
    %add3A_63 = arith.constant 600 : i32
    %add3A_64 = arith.addi %mul3A_62, %add3A_63 : i32
    "tpu.region"() ({
      %run_scoped3A = tpu.sem_alloc : memref<!tpu.dma_semaphore, #tpu.memory_space<semaphore_mem>>
      %dma_start3A_112 = arith.constant 0 : i32
      %dma_start3A_113 = tpu.memref_slice %arg16[%add3A_64, %dma_start3A_112] : memref<10240x128xf32, #tpu.memory_space<vmem_shared>> -> memref<40x128xf32, #tpu.memory_space<vmem_shared>>
      tpu.enqueue_dma source(%arg6 : memref<40x128xf32, #tpu.memory_space<hbm>>) target(%dma_start3A_113 : memref<40x128xf32, #tpu.memory_space<vmem_shared>>) target_semaphore(%run_scoped3A : memref<!tpu.dma_semaphore, #tpu.memory_space<semaphore_mem>>)
      %dma_wait3A = arith.constant 0 : i32
      %dma_wait3A_114 = tpu.memref_slice %arg16[%add3A_64, %dma_wait3A] : memref<10240x128xf32, #tpu.memory_space<vmem_shared>> -> memref<40x128xf32, #tpu.memory_space<vmem_shared>>
      tpu.wait_dma2 semaphore(%run_scoped3A : memref<!tpu.dma_semaphore, #tpu.memory_space<semaphore_mem>>) src(%arg6 : memref<40x128xf32, #tpu.memory_space<hbm>>) dst(%dma_wait3A_114 : memref<40x128xf32, #tpu.memory_space<vmem_shared>>)
      tpu.yield
    }) : () -> ()
    %mul3A_65 = arith.constant 640 : i32
    %mul3A_66 = arith.muli %arg1, %mul3A_65 : i32
    "tpu.region"() ({
      %run_scoped3A = tpu.sem_alloc : memref<!tpu.dma_semaphore, #tpu.memory_space<semaphore_mem>>
      %dma_start3A_112 = tpu.memref_slice %arg17[%mul3A_66] : memref<10240xf32, #tpu.memory_space<vmem_shared>> -> memref<640xf32, #tpu.memory_space<vmem_shared>>
      tpu.enqueue_dma source(%arg7 : memref<640xf32, #tpu.memory_space<hbm>>) target(%dma_start3A_112 : memref<640xf32, #tpu.memory_space<vmem_shared>>) target_semaphore(%run_scoped3A : memref<!tpu.dma_semaphore, #tpu.memory_space<semaphore_mem>>)
      %dma_wait3A = tpu.memref_slice %arg17[%mul3A_66] : memref<10240xf32, #tpu.memory_space<vmem_shared>> -> memref<640xf32, #tpu.memory_space<vmem_shared>>
      tpu.wait_dma2 semaphore(%run_scoped3A : memref<!tpu.dma_semaphore, #tpu.memory_space<semaphore_mem>>) src(%arg7 : memref<640xf32, #tpu.memory_space<hbm>>) dst(%dma_wait3A : memref<640xf32, #tpu.memory_space<vmem_shared>>)
      tpu.yield
    }) : () -> ()
    %barrier3A = arith.constant 0 : index
    tpu.barrier barrier_id(%barrier3A)
    "tpu.region"() ({
      %run_scoped3A = tpu.sem_alloc : memref<!tpu.dma_semaphore, #tpu.memory_space<semaphore_mem>>
      %dma_start3A_112 = arith.constant 0 : i32
      %dma_start3A_113 = arith.constant 0 : i32
      %dma_start3A_114 = tpu.memref_slice %arg4[%add3A, %dma_start3A_112, %dma_start3A_113] : memref<32x80x128xi32, #tpu.memory_space<hbm>> -> memref<1x40x128xi32, #tpu.memory_space<hbm>>
      %dma_start3A_115 = tpu.memref_squeeze %dma_start3A_114 : memref<1x40x128xi32, #tpu.memory_space<hbm>> -> memref<40x128xi32, #tpu.memory_space<hbm>>
      %dma_start3A_116 = arith.constant 0 : i32
      %dma_start3A_117 = arith.constant 0 : i32
      %dma_start3A_118 = tpu.memref_slice %arg4[%add3A, %dma_start3A_116, %dma_start3A_117] : memref<32x80x128xi32, #tpu.memory_space<hbm>> -> memref<1x40x128xi32, #tpu.memory_space<hbm>>
      %dma_start3A_119 = tpu.memref_squeeze %dma_start3A_118 : memref<1x40x128xi32, #tpu.memory_space<hbm>> -> memref<40x128xi32, #tpu.memory_space<hbm>>
      tpu.enqueue_dma source(%dma_start3A_119 : memref<40x128xi32, #tpu.memory_space<hbm>>) target(%arg10 : memref<40x128xi32, #tpu.memory_space<vmem>>) target_semaphore(%run_scoped3A : memref<!tpu.dma_semaphore, #tpu.memory_space<semaphore_mem>>)
      %dma_wait3A = arith.constant 0 : i32
      %dma_wait3A_120 = arith.constant 0 : i32
      %dma_wait3A_121 = tpu.memref_slice %arg4[%add3A, %dma_wait3A, %dma_wait3A_120] : memref<32x80x128xi32, #tpu.memory_space<hbm>> -> memref<1x40x128xi32, #tpu.memory_space<hbm>>
      %dma_wait3A_122 = tpu.memref_squeeze %dma_wait3A_121 : memref<1x40x128xi32, #tpu.memory_space<hbm>> -> memref<40x128xi32, #tpu.memory_space<hbm>>
      %dma_wait3A_123 = arith.constant 0 : i32
      %dma_wait3A_124 = arith.constant 0 : i32
      %dma_wait3A_125 = tpu.memref_slice %arg4[%add3A, %dma_wait3A_123, %dma_wait3A_124] : memref<32x80x128xi32, #tpu.memory_space<hbm>> -> memref<1x40x128xi32, #tpu.memory_space<hbm>>
      %dma_wait3A_126 = tpu.memref_squeeze %dma_wait3A_125 : memref<1x40x128xi32, #tpu.memory_space<hbm>> -> memref<40x128xi32, #tpu.memory_space<hbm>>
      tpu.wait_dma2 semaphore(%run_scoped3A : memref<!tpu.dma_semaphore, #tpu.memory_space<semaphore_mem>>) src(%dma_wait3A_126 : memref<40x128xi32, #tpu.memory_space<hbm>>) dst(%arg10 : memref<40x128xi32, #tpu.memory_space<vmem>>)
      tpu.yield
    }) : () -> ()
    "tpu.region"() ({
      %run_scoped3A = tpu.sem_alloc : memref<!tpu.dma_semaphore, #tpu.memory_space<semaphore_mem>>
      %dma_start3A_112 = arith.constant 0 : i32
      %dma_start3A_113 = arith.constant 0 : i32
      %dma_start3A_114 = tpu.memref_slice %arg5[%add3A, %dma_start3A_112, %dma_start3A_113] : memref<32x80x128xi32, #tpu.memory_space<hbm>> -> memref<1x40x128xi32, #tpu.memory_space<hbm>>
      %dma_start3A_115 = tpu.memref_squeeze %dma_start3A_114 : memref<1x40x128xi32, #tpu.memory_space<hbm>> -> memref<40x128xi32, #tpu.memory_space<hbm>>
      %dma_start3A_116 = arith.constant 0 : i32
      %dma_start3A_117 = arith.constant 0 : i32
      %dma_start3A_118 = tpu.memref_slice %arg5[%add3A, %dma_start3A_116, %dma_start3A_117] : memref<32x80x128xi32, #tpu.memory_space<hbm>> -> memref<1x40x128xi32, #tpu.memory_space<hbm>>
      %dma_start3A_119 = tpu.memref_squeeze %dma_start3A_118 : memref<1x40x128xi32, #tpu.memory_space<hbm>> -> memref<40x128xi32, #tpu.memory_space<hbm>>
      tpu.enqueue_dma source(%dma_start3A_119 : memref<40x128xi32, #tpu.memory_space<hbm>>) target(%arg11 : memref<40x128xi32, #tpu.memory_space<vmem>>) target_semaphore(%run_scoped3A : memref<!tpu.dma_semaphore, #tpu.memory_space<semaphore_mem>>)
      %dma_wait3A = arith.constant 0 : i32
      %dma_wait3A_120 = arith.constant 0 : i32
      %dma_wait3A_121 = tpu.memref_slice %arg5[%add3A, %dma_wait3A, %dma_wait3A_120] : memref<32x80x128xi32, #tpu.memory_space<hbm>> -> memref<1x40x128xi32, #tpu.memory_space<hbm>>
      %dma_wait3A_122 = tpu.memref_squeeze %dma_wait3A_121 : memref<1x40x128xi32, #tpu.memory_space<hbm>> -> memref<40x128xi32, #tpu.memory_space<hbm>>
      %dma_wait3A_123 = arith.constant 0 : i32
      %dma_wait3A_124 = arith.constant 0 : i32
      %dma_wait3A_125 = tpu.memref_slice %arg5[%add3A, %dma_wait3A_123, %dma_wait3A_124] : memref<32x80x128xi32, #tpu.memory_space<hbm>> -> memref<1x40x128xi32, #tpu.memory_space<hbm>>
      %dma_wait3A_126 = tpu.memref_squeeze %dma_wait3A_125 : memref<1x40x128xi32, #tpu.memory_space<hbm>> -> memref<40x128xi32, #tpu.memory_space<hbm>>
      tpu.wait_dma2 semaphore(%run_scoped3A : memref<!tpu.dma_semaphore, #tpu.memory_space<semaphore_mem>>) src(%dma_wait3A_126 : memref<40x128xi32, #tpu.memory_space<hbm>>) dst(%arg11 : memref<40x128xi32, #tpu.memory_space<vmem>>)
      tpu.yield
    }) : () -> ()
    %dma_start3A = arith.constant 0 : i32
    %dma_start3A_67 = arith.constant 0 : i32
    %dma_start3A_68 = tpu.memref_slice %arg10[%dma_start3A, %dma_start3A_67] : memref<40x128xi32, #tpu.memory_space<vmem>> -> memref<1x128xi32, #tpu.memory_space<vmem>>
    %dma_start3A_69 = tpu.memref_squeeze %dma_start3A_68 : memref<1x128xi32, #tpu.memory_space<vmem>> -> memref<128xi32, #tpu.memory_space<vmem>>
    %dma_start3A_70 = arith.constant 0 : i32
    %dma_start3A_71 = arith.constant 0 : i32
    %dma_start3A_72 = tpu.memref_slice %arg2[%dma_start3A_70, %dma_start3A_71] : memref<10240x128xf32, #tpu.memory_space<hbm>> -> memref<10240x128xf32, #tpu.memory_space<hbm>>
    tpu.enqueue_indirect_dma source(%dma_start3A_72 : memref<10240x128xf32, #tpu.memory_space<hbm>>) target(%arg12 : memref<128x128xf32, #tpu.memory_space<vmem>>) offsets(%dma_start3A_69 : memref<128xi32, #tpu.memory_space<vmem>>) semaphore(%arg18 : memref<!tpu.dma_semaphore, #tpu.memory_space<semaphore_mem>>)
    %dma_start3A_73 = arith.constant 0 : i32
    %dma_start3A_74 = arith.constant 0 : i32
    %dma_start3A_75 = tpu.memref_slice %arg10[%dma_start3A_73, %dma_start3A_74] : memref<40x128xi32, #tpu.memory_space<vmem>> -> memref<1x128xi32, #tpu.memory_space<vmem>>
    %dma_start3A_76 = tpu.memref_squeeze %dma_start3A_75 : memref<1x128xi32, #tpu.memory_space<vmem>> -> memref<128xi32, #tpu.memory_space<vmem>>
    %dma_start3A_77 = arith.constant 0 : i32
    %dma_start3A_78 = tpu.memref_slice %arg3[%dma_start3A_77] : memref<10240xf32, #tpu.memory_space<hbm>> -> memref<10240xf32, #tpu.memory_space<hbm>>
    tpu.enqueue_indirect_dma source(%dma_start3A_78 : memref<10240xf32, #tpu.memory_space<hbm>>) target(%arg14 : memref<128xf32, #tpu.memory_space<vmem>>) offsets(%dma_start3A_76 : memref<128xi32, #tpu.memory_space<vmem>>) semaphore(%arg18 : memref<!tpu.dma_semaphore, #tpu.memory_space<semaphore_mem>>)
    %scan3A = arith.constant 0 : i32
    %scan3A_79 = arith.constant 0 : i32
    %scan3A_80 = arith.constant 20 : i32
    %scan3A_81 = arith.addi %scan3A_79, %scan3A_80 : i32
    %scan3A_82 = arith.constant 1 : i32
    scf.for %scan3A_112 = %scan3A_79 to %scan3A_81 step %scan3A_82  : i32 {
      %mul3A_113 = arith.constant 2 : i32
      %mul3A_114 = arith.muli %scan3A_112, %mul3A_113 : i32
      %add3A_115 = arith.constant 0 : i32
      %add3A_116 = arith.addi %mul3A_114, %add3A_115 : i32
      %add3A_117 = arith.constant 1 : i32
      %add3A_118 = arith.addi %add3A_116, %add3A_117 : i32
      %lt3A = arith.constant 40 : i32
      %lt3A_119 = arith.cmpi slt, %add3A_118, %lt3A : i32
      %convert_element_type3A = arith.extui %lt3A_119 : i1 to i32
      %cond3A = arith.constant 0 : i32
      %cond3A_120 = arith.cmpi ne, %convert_element_type3A, %cond3A : i32
      scf.if %cond3A_120 {
        %add3A_153 = arith.constant 1 : i32
        %add3A_154 = arith.addi %add3A_116, %add3A_153 : i32
        %dma_start3A_155 = arith.constant 0 : i32
        %dma_start3A_156 = tpu.memref_slice %arg10[%add3A_154, %dma_start3A_155] : memref<40x128xi32, #tpu.memory_space<vmem>> -> memref<1x128xi32, #tpu.memory_space<vmem>>
        %dma_start3A_157 = tpu.memref_squeeze %dma_start3A_156 : memref<1x128xi32, #tpu.memory_space<vmem>> -> memref<128xi32, #tpu.memory_space<vmem>>
        %dma_start3A_158 = arith.constant 0 : i32
        %dma_start3A_159 = arith.constant 0 : i32
        %dma_start3A_160 = tpu.memref_slice %arg2[%dma_start3A_158, %dma_start3A_159] : memref<10240x128xf32, #tpu.memory_space<hbm>> -> memref<10240x128xf32, #tpu.memory_space<hbm>>
        tpu.enqueue_indirect_dma source(%dma_start3A_160 : memref<10240x128xf32, #tpu.memory_space<hbm>>) target(%arg13 : memref<128x128xf32, #tpu.memory_space<vmem>>) offsets(%dma_start3A_157 : memref<128xi32, #tpu.memory_space<vmem>>) semaphore(%arg19 : memref<!tpu.dma_semaphore, #tpu.memory_space<semaphore_mem>>)
        %dma_start3A_161 = arith.constant 0 : i32
        %dma_start3A_162 = tpu.memref_slice %arg10[%add3A_154, %dma_start3A_161] : memref<40x128xi32, #tpu.memory_space<vmem>> -> memref<1x128xi32, #tpu.memory_space<vmem>>
        %dma_start3A_163 = tpu.memref_squeeze %dma_start3A_162 : memref<1x128xi32, #tpu.memory_space<vmem>> -> memref<128xi32, #tpu.memory_space<vmem>>
        %dma_start3A_164 = arith.constant 0 : i32
        %dma_start3A_165 = tpu.memref_slice %arg3[%dma_start3A_164] : memref<10240xf32, #tpu.memory_space<hbm>> -> memref<10240xf32, #tpu.memory_space<hbm>>
        tpu.enqueue_indirect_dma source(%dma_start3A_165 : memref<10240xf32, #tpu.memory_space<hbm>>) target(%arg15 : memref<128xf32, #tpu.memory_space<vmem>>) offsets(%dma_start3A_163 : memref<128xi32, #tpu.memory_space<vmem>>) semaphore(%arg19 : memref<!tpu.dma_semaphore, #tpu.memory_space<semaphore_mem>>)
      } else {
      }
      %dma_wait3A = arith.constant 0 : i32
      %dma_wait3A_121 = tpu.memref_slice %arg10[%add3A_116, %dma_wait3A] : memref<40x128xi32, #tpu.memory_space<vmem>> -> memref<1x128xi32, #tpu.memory_space<vmem>>
      %dma_wait3A_122 = tpu.memref_squeeze %dma_wait3A_121 : memref<1x128xi32, #tpu.memory_space<vmem>> -> memref<128xi32, #tpu.memory_space<vmem>>
      %dma_wait3A_123 = arith.constant 0 : i32
      %dma_wait3A_124 = arith.constant 0 : i32
      %dma_wait3A_125 = tpu.memref_slice %arg2[%dma_wait3A_123, %dma_wait3A_124] : memref<10240x128xf32, #tpu.memory_space<hbm>> -> memref<10240x128xf32, #tpu.memory_space<hbm>>
      tpu.wait_indirect_dma semaphore(%arg18 : memref<!tpu.dma_semaphore, #tpu.memory_space<semaphore_mem>>) src(%dma_wait3A_125 : memref<10240x128xf32, #tpu.memory_space<hbm>>) dst(%arg12 : memref<128x128xf32, #tpu.memory_space<vmem>>)
      %dma_wait3A_126 = arith.constant 0 : i32
      %dma_wait3A_127 = tpu.memref_slice %arg10[%add3A_116, %dma_wait3A_126] : memref<40x128xi32, #tpu.memory_space<vmem>> -> memref<1x128xi32, #tpu.memory_space<vmem>>
      %dma_wait3A_128 = tpu.memref_squeeze %dma_wait3A_127 : memref<1x128xi32, #tpu.memory_space<vmem>> -> memref<128xi32, #tpu.memory_space<vmem>>
      %dma_wait3A_129 = arith.constant 0 : i32
      %dma_wait3A_130 = tpu.memref_slice %arg3[%dma_wait3A_129] : memref<10240xf32, #tpu.memory_space<hbm>> -> memref<10240xf32, #tpu.memory_space<hbm>>
      tpu.wait_indirect_dma semaphore(%arg18 : memref<!tpu.dma_semaphore, #tpu.memory_space<semaphore_mem>>) src(%dma_wait3A_130 : memref<10240xf32, #tpu.memory_space<hbm>>) dst(%arg14 : memref<128xf32, #tpu.memory_space<vmem>>)
      "tpu.region"() ({
        %run_scoped3A = tpu.sem_alloc : memref<!tpu.dma_semaphore, #tpu.memory_space<semaphore_mem>>
        %dma_start3A_153 = arith.constant 0 : i32
        %dma_start3A_154 = tpu.memref_slice %arg11[%add3A_116, %dma_start3A_153] : memref<40x128xi32, #tpu.memory_space<vmem>> -> memref<1x128xi32, #tpu.memory_space<vmem>>
        %dma_start3A_155 = tpu.memref_squeeze %dma_start3A_154 : memref<1x128xi32, #tpu.memory_space<vmem>> -> memref<128xi32, #tpu.memory_space<vmem>>
        %dma_start3A_156 = arith.constant 0 : i32
        %dma_start3A_157 = arith.constant 0 : i32
        %dma_start3A_158 = tpu.memref_slice %arg16[%dma_start3A_156, %dma_start3A_157] : memref<10240x128xf32, #tpu.memory_space<vmem_shared>> -> memref<10240x128xf32, #tpu.memory_space<vmem_shared>>
        tpu.enqueue_indirect_dma source(%arg12 : memref<128x128xf32, #tpu.memory_space<vmem>>) target(%dma_start3A_158 : memref<10240x128xf32, #tpu.memory_space<vmem_shared>>) offsets(%dma_start3A_155 : memref<128xi32, #tpu.memory_space<vmem>>) semaphore(%run_scoped3A : memref<!tpu.dma_semaphore, #tpu.memory_space<semaphore_mem>>) {add = true}
        %dma_wait3A_159 = arith.constant 0 : i32
        %dma_wait3A_160 = tpu.memref_slice %arg11[%add3A_116, %dma_wait3A_159] : memref<40x128xi32, #tpu.memory_space<vmem>> -> memref<1x128xi32, #tpu.memory_space<vmem>>
        %dma_wait3A_161 = tpu.memref_squeeze %dma_wait3A_160 : memref<1x128xi32, #tpu.memory_space<vmem>> -> memref<128xi32, #tpu.memory_space<vmem>>
        %dma_wait3A_162 = arith.constant 0 : i32
        %dma_wait3A_163 = arith.constant 0 : i32
        %dma_wait3A_164 = tpu.memref_slice %arg16[%dma_wait3A_162, %dma_wait3A_163] : memref<10240x128xf32, #tpu.memory_space<vmem_shared>> -> memref<10240x128xf32, #tpu.memory_space<vmem_shared>>
        tpu.wait_indirect_dma semaphore(%run_scoped3A : memref<!tpu.dma_semaphore, #tpu.memory_space<semaphore_mem>>) src(%arg12 : memref<128x128xf32, #tpu.memory_space<vmem>>) dst(%dma_wait3A_164 : memref<10240x128xf32, #tpu.memory_space<vmem_shared>>)
        tpu.yield
      }) : () -> ()
      "tpu.region"() ({
        %run_scoped3A = tpu.sem_alloc : memref<!tpu.dma_semaphore, #tpu.memory_space<semaphore_mem>>
        %dma_start3A_153 = arith.constant 0 : i32
        %dma_start3A_154 = tpu.memref_slice %arg11[%add3A_116, %dma_start3A_153] : memref<40x128xi32, #tpu.memory_space<vmem>> -> memref<1x128xi32, #tpu.memory_space<vmem>>
        %dma_start3A_155 = tpu.memref_squeeze %dma_start3A_154 : memref<1x128xi32, #tpu.memory_space<vmem>> -> memref<128xi32, #tpu.memory_space<vmem>>
        %dma_start3A_156 = arith.constant 0 : i32
        %dma_start3A_157 = tpu.memref_slice %arg17[%dma_start3A_156] : memref<10240xf32, #tpu.memory_space<vmem_shared>> -> memref<10240xf32, #tpu.memory_space<vmem_shared>>
        tpu.enqueue_indirect_dma source(%arg14 : memref<128xf32, #tpu.memory_space<vmem>>) target(%dma_start3A_157 : memref<10240xf32, #tpu.memory_space<vmem_shared>>) offsets(%dma_start3A_155 : memref<128xi32, #tpu.memory_space<vmem>>) semaphore(%run_scoped3A : memref<!tpu.dma_semaphore, #tpu.memory_space<semaphore_mem>>) {add = true}
        %dma_wait3A_158 = arith.constant 0 : i32
        %dma_wait3A_159 = tpu.memref_slice %arg11[%add3A_116, %dma_wait3A_158] : memref<40x128xi32, #tpu.memory_space<vmem>> -> memref<1x128xi32, #tpu.memory_space<vmem>>
        %dma_wait3A_160 = tpu.memref_squeeze %dma_wait3A_159 : memref<1x128xi32, #tpu.memory_space<vmem>> -> memref<128xi32, #tpu.memory_space<vmem>>
        %dma_wait3A_161 = arith.constant 0 : i32
        %dma_wait3A_162 = tpu.memref_slice %arg17[%dma_wait3A_161] : memref<10240xf32, #tpu.memory_space<vmem_shared>> -> memref<10240xf32, #tpu.memory_space<vmem_shared>>
        tpu.wait_indirect_dma semaphore(%run_scoped3A : memref<!tpu.dma_semaphore, #tpu.memory_space<semaphore_mem>>) src(%arg14 : memref<128xf32, #tpu.memory_space<vmem>>) dst(%dma_wait3A_162 : memref<10240xf32, #tpu.memory_space<vmem_shared>>)
        tpu.yield
      }) : () -> ()
      %mul3A_131 = arith.constant 2 : i32
      %mul3A_132 = arith.muli %scan3A_112, %mul3A_131 : i32
      %add3A_133 = arith.constant 1 : i32
      %add3A_134 = arith.addi %mul3A_132, %add3A_133 : i32
      %add3A_135 = arith.constant 1 : i32
      %add3A_136 = arith.addi %add3A_134, %add3A_135 : i32
      %lt3A_137 = arith.constant 40 : i32
      %lt3A_138 = arith.cmpi slt, %add3A_136, %lt3A_137 : i32
      %convert_element_type3A_139 = arith.extui %lt3A_138 : i1 to i32
      %cond3A_140 = arith.constant 0 : i32
      %cond3A_141 = arith.cmpi ne, %convert_element_type3A_139, %cond3A_140 : i32
      scf.if %cond3A_141 {
        %add3A_153 = arith.constant 1 : i32
        %add3A_154 = arith.addi %add3A_134, %add3A_153 : i32
        %dma_start3A_155 = arith.constant 0 : i32
        %dma_start3A_156 = tpu.memref_slice %arg10[%add3A_154, %dma_start3A_155] : memref<40x128xi32, #tpu.memory_space<vmem>> -> memref<1x128xi32, #tpu.memory_space<vmem>>
        %dma_start3A_157 = tpu.memref_squeeze %dma_start3A_156 : memref<1x128xi32, #tpu.memory_space<vmem>> -> memref<128xi32, #tpu.memory_space<vmem>>
        %dma_start3A_158 = arith.constant 0 : i32
        %dma_start3A_159 = arith.constant 0 : i32
        %dma_start3A_160 = tpu.memref_slice %arg2[%dma_start3A_158, %dma_start3A_159] : memref<10240x128xf32, #tpu.memory_space<hbm>> -> memref<10240x128xf32, #tpu.memory_space<hbm>>
        tpu.enqueue_indirect_dma source(%dma_start3A_160 : memref<10240x128xf32, #tpu.memory_space<hbm>>) target(%arg12 : memref<128x128xf32, #tpu.memory_space<vmem>>) offsets(%dma_start3A_157 : memref<128xi32, #tpu.memory_space<vmem>>) semaphore(%arg18 : memref<!tpu.dma_semaphore, #tpu.memory_space<semaphore_mem>>)
        %dma_start3A_161 = arith.constant 0 : i32
        %dma_start3A_162 = tpu.memref_slice %arg10[%add3A_154, %dma_start3A_161] : memref<40x128xi32, #tpu.memory_space<vmem>> -> memref<1x128xi32, #tpu.memory_space<vmem>>
        %dma_start3A_163 = tpu.memref_squeeze %dma_start3A_162 : memref<1x128xi32, #tpu.memory_space<vmem>> -> memref<128xi32, #tpu.memory_space<vmem>>
        %dma_start3A_164 = arith.constant 0 : i32
        %dma_start3A_165 = tpu.memref_slice %arg3[%dma_start3A_164] : memref<10240xf32, #tpu.memory_space<hbm>> -> memref<10240xf32, #tpu.memory_space<hbm>>
        tpu.enqueue_indirect_dma source(%dma_start3A_165 : memref<10240xf32, #tpu.memory_space<hbm>>) target(%arg14 : memref<128xf32, #tpu.memory_space<vmem>>) offsets(%dma_start3A_163 : memref<128xi32, #tpu.memory_space<vmem>>) semaphore(%arg18 : memref<!tpu.dma_semaphore, #tpu.memory_space<semaphore_mem>>)
      } else {
      }
      %dma_wait3A_142 = arith.constant 0 : i32
      %dma_wait3A_143 = tpu.memref_slice %arg10[%add3A_134, %dma_wait3A_142] : memref<40x128xi32, #tpu.memory_space<vmem>> -> memref<1x128xi32, #tpu.memory_space<vmem>>
      %dma_wait3A_144 = tpu.memref_squeeze %dma_wait3A_143 : memref<1x128xi32, #tpu.memory_space<vmem>> -> memref<128xi32, #tpu.memory_space<vmem>>
      %dma_wait3A_145 = arith.constant 0 : i32
      %dma_wait3A_146 = arith.constant 0 : i32
      %dma_wait3A_147 = tpu.memref_slice %arg2[%dma_wait3A_145, %dma_wait3A_146] : memref<10240x128xf32, #tpu.memory_space<hbm>> -> memref<10240x128xf32, #tpu.memory_space<hbm>>
      tpu.wait_indirect_dma semaphore(%arg19 : memref<!tpu.dma_semaphore, #tpu.memory_space<semaphore_mem>>) src(%dma_wait3A_147 : memref<10240x128xf32, #tpu.memory_space<hbm>>) dst(%arg13 : memref<128x128xf32, #tpu.memory_space<vmem>>)
      %dma_wait3A_148 = arith.constant 0 : i32
      %dma_wait3A_149 = tpu.memref_slice %arg10[%add3A_134, %dma_wait3A_148] : memref<40x128xi32, #tpu.memory_space<vmem>> -> memref<1x128xi32, #tpu.memory_space<vmem>>
      %dma_wait3A_150 = tpu.memref_squeeze %dma_wait3A_149 : memref<1x128xi32, #tpu.memory_space<vmem>> -> memref<128xi32, #tpu.memory_space<vmem>>
      %dma_wait3A_151 = arith.constant 0 : i32
      %dma_wait3A_152 = tpu.memref_slice %arg3[%dma_wait3A_151] : memref<10240xf32, #tpu.memory_space<hbm>> -> memref<10240xf32, #tpu.memory_space<hbm>>
      tpu.wait_indirect_dma semaphore(%arg19 : memref<!tpu.dma_semaphore, #tpu.memory_space<semaphore_mem>>) src(%dma_wait3A_152 : memref<10240xf32, #tpu.memory_space<hbm>>) dst(%arg15 : memref<128xf32, #tpu.memory_space<vmem>>)
      "tpu.region"() ({
        %run_scoped3A = tpu.sem_alloc : memref<!tpu.dma_semaphore, #tpu.memory_space<semaphore_mem>>
        %dma_start3A_153 = arith.constant 0 : i32
        %dma_start3A_154 = tpu.memref_slice %arg11[%add3A_134, %dma_start3A_153] : memref<40x128xi32, #tpu.memory_space<vmem>> -> memref<1x128xi32, #tpu.memory_space<vmem>>
        %dma_start3A_155 = tpu.memref_squeeze %dma_start3A_154 : memref<1x128xi32, #tpu.memory_space<vmem>> -> memref<128xi32, #tpu.memory_space<vmem>>
        %dma_start3A_156 = arith.constant 0 : i32
        %dma_start3A_157 = arith.constant 0 : i32
        %dma_start3A_158 = tpu.memref_slice %arg16[%dma_start3A_156, %dma_start3A_157] : memref<10240x128xf32, #tpu.memory_space<vmem_shared>> -> memref<10240x128xf32, #tpu.memory_space<vmem_shared>>
        tpu.enqueue_indirect_dma source(%arg13 : memref<128x128xf32, #tpu.memory_space<vmem>>) target(%dma_start3A_158 : memref<10240x128xf32, #tpu.memory_space<vmem_shared>>) offsets(%dma_start3A_155 : memref<128xi32, #tpu.memory_space<vmem>>) semaphore(%run_scoped3A : memref<!tpu.dma_semaphore, #tpu.memory_space<semaphore_mem>>) {add = true}
        %dma_wait3A_159 = arith.constant 0 : i32
        %dma_wait3A_160 = tpu.memref_slice %arg11[%add3A_134, %dma_wait3A_159] : memref<40x128xi32, #tpu.memory_space<vmem>> -> memref<1x128xi32, #tpu.memory_space<vmem>>
        %dma_wait3A_161 = tpu.memref_squeeze %dma_wait3A_160 : memref<1x128xi32, #tpu.memory_space<vmem>> -> memref<128xi32, #tpu.memory_space<vmem>>
        %dma_wait3A_162 = arith.constant 0 : i32
        %dma_wait3A_163 = arith.constant 0 : i32
        %dma_wait3A_164 = tpu.memref_slice %arg16[%dma_wait3A_162, %dma_wait3A_163] : memref<10240x128xf32, #tpu.memory_space<vmem_shared>> -> memref<10240x128xf32, #tpu.memory_space<vmem_shared>>
        tpu.wait_indirect_dma semaphore(%run_scoped3A : memref<!tpu.dma_semaphore, #tpu.memory_space<semaphore_mem>>) src(%arg13 : memref<128x128xf32, #tpu.memory_space<vmem>>) dst(%dma_wait3A_164 : memref<10240x128xf32, #tpu.memory_space<vmem_shared>>)
        tpu.yield
      }) : () -> ()
      "tpu.region"() ({
        %run_scoped3A = tpu.sem_alloc : memref<!tpu.dma_semaphore, #tpu.memory_space<semaphore_mem>>
        %dma_start3A_153 = arith.constant 0 : i32
        %dma_start3A_154 = tpu.memref_slice %arg11[%add3A_134, %dma_start3A_153] : memref<40x128xi32, #tpu.memory_space<vmem>> -> memref<1x128xi32, #tpu.memory_space<vmem>>
        %dma_start3A_155 = tpu.memref_squeeze %dma_start3A_154 : memref<1x128xi32, #tpu.memory_space<vmem>> -> memref<128xi32, #tpu.memory_space<vmem>>
        %dma_start3A_156 = arith.constant 0 : i32
        %dma_start3A_157 = tpu.memref_slice %arg17[%dma_start3A_156] : memref<10240xf32, #tpu.memory_space<vmem_shared>> -> memref<10240xf32, #tpu.memory_space<vmem_shared>>
        tpu.enqueue_indirect_dma source(%arg15 : memref<128xf32, #tpu.memory_space<vmem>>) target(%dma_start3A_157 : memref<10240xf32, #tpu.memory_space<vmem_shared>>) offsets(%dma_start3A_155 : memref<128xi32, #tpu.memory_space<vmem>>) semaphore(%run_scoped3A : memref<!tpu.dma_semaphore, #tpu.memory_space<semaphore_mem>>) {add = true}
        %dma_wait3A_158 = arith.constant 0 : i32
        %dma_wait3A_159 = tpu.memref_slice %arg11[%add3A_134, %dma_wait3A_158] : memref<40x128xi32, #tpu.memory_space<vmem>> -> memref<1x128xi32, #tpu.memory_space<vmem>>
        %dma_wait3A_160 = tpu.memref_squeeze %dma_wait3A_159 : memref<1x128xi32, #tpu.memory_space<vmem>> -> memref<128xi32, #tpu.memory_space<vmem>>
        %dma_wait3A_161 = arith.constant 0 : i32
        %dma_wait3A_162 = tpu.memref_slice %arg17[%dma_wait3A_161] : memref<10240xf32, #tpu.memory_space<vmem_shared>> -> memref<10240xf32, #tpu.memory_space<vmem_shared>>
        tpu.wait_indirect_dma semaphore(%run_scoped3A : memref<!tpu.dma_semaphore, #tpu.memory_space<semaphore_mem>>) src(%arg15 : memref<128xf32, #tpu.memory_space<vmem>>) dst(%dma_wait3A_162 : memref<10240xf32, #tpu.memory_space<vmem_shared>>)
        tpu.yield
      }) : () -> ()
    }
    %scan3A_83 = arith.constant 20 : i32
    "tpu.region"() ({
      %run_scoped3A = tpu.sem_alloc : memref<!tpu.dma_semaphore, #tpu.memory_space<semaphore_mem>>
      %dma_start3A_112 = arith.constant 40 : i32
      %dma_start3A_113 = arith.constant 0 : i32
      %dma_start3A_114 = tpu.memref_slice %arg4[%add3A, %dma_start3A_112, %dma_start3A_113] : memref<32x80x128xi32, #tpu.memory_space<hbm>> -> memref<1x40x128xi32, #tpu.memory_space<hbm>>
      %dma_start3A_115 = tpu.memref_squeeze %dma_start3A_114 : memref<1x40x128xi32, #tpu.memory_space<hbm>> -> memref<40x128xi32, #tpu.memory_space<hbm>>
      %dma_start3A_116 = arith.constant 40 : i32
      %dma_start3A_117 = arith.constant 0 : i32
      %dma_start3A_118 = tpu.memref_slice %arg4[%add3A, %dma_start3A_116, %dma_start3A_117] : memref<32x80x128xi32, #tpu.memory_space<hbm>> -> memref<1x40x128xi32, #tpu.memory_space<hbm>>
      %dma_start3A_119 = tpu.memref_squeeze %dma_start3A_118 : memref<1x40x128xi32, #tpu.memory_space<hbm>> -> memref<40x128xi32, #tpu.memory_space<hbm>>
      tpu.enqueue_dma source(%dma_start3A_119 : memref<40x128xi32, #tpu.memory_space<hbm>>) target(%arg10 : memref<40x128xi32, #tpu.memory_space<vmem>>) target_semaphore(%run_scoped3A : memref<!tpu.dma_semaphore, #tpu.memory_space<semaphore_mem>>)
      %dma_wait3A = arith.constant 40 : i32
      %dma_wait3A_120 = arith.constant 0 : i32
      %dma_wait3A_121 = tpu.memref_slice %arg4[%add3A, %dma_wait3A, %dma_wait3A_120] : memref<32x80x128xi32, #tpu.memory_space<hbm>> -> memref<1x40x128xi32, #tpu.memory_space<hbm>>
      %dma_wait3A_122 = tpu.memref_squeeze %dma_wait3A_121 : memref<1x40x128xi32, #tpu.memory_space<hbm>> -> memref<40x128xi32, #tpu.memory_space<hbm>>
      %dma_wait3A_123 = arith.constant 40 : i32
      %dma_wait3A_124 = arith.constant 0 : i32
      %dma_wait3A_125 = tpu.memref_slice %arg4[%add3A, %dma_wait3A_123, %dma_wait3A_124] : memref<32x80x128xi32, #tpu.memory_space<hbm>> -> memref<1x40x128xi32, #tpu.memory_space<hbm>>
      %dma_wait3A_126 = tpu.memref_squeeze %dma_wait3A_125 : memref<1x40x128xi32, #tpu.memory_space<hbm>> -> memref<40x128xi32, #tpu.memory_space<hbm>>
      tpu.wait_dma2 semaphore(%run_scoped3A : memref<!tpu.dma_semaphore, #tpu.memory_space<semaphore_mem>>) src(%dma_wait3A_126 : memref<40x128xi32, #tpu.memory_space<hbm>>) dst(%arg10 : memref<40x128xi32, #tpu.memory_space<vmem>>)
      tpu.yield
    }) : () -> ()
    "tpu.region"() ({
      %run_scoped3A = tpu.sem_alloc : memref<!tpu.dma_semaphore, #tpu.memory_space<semaphore_mem>>
      %dma_start3A_112 = arith.constant 40 : i32
      %dma_start3A_113 = arith.constant 0 : i32
      %dma_start3A_114 = tpu.memref_slice %arg5[%add3A, %dma_start3A_112, %dma_start3A_113] : memref<32x80x128xi32, #tpu.memory_space<hbm>> -> memref<1x40x128xi32, #tpu.memory_space<hbm>>
      %dma_start3A_115 = tpu.memref_squeeze %dma_start3A_114 : memref<1x40x128xi32, #tpu.memory_space<hbm>> -> memref<40x128xi32, #tpu.memory_space<hbm>>
      %dma_start3A_116 = arith.constant 40 : i32
      %dma_start3A_117 = arith.constant 0 : i32
      %dma_start3A_118 = tpu.memref_slice %arg5[%add3A, %dma_start3A_116, %dma_start3A_117] : memref<32x80x128xi32, #tpu.memory_space<hbm>> -> memref<1x40x128xi32, #tpu.memory_space<hbm>>
      %dma_start3A_119 = tpu.memref_squeeze %dma_start3A_118 : memref<1x40x128xi32, #tpu.memory_space<hbm>> -> memref<40x128xi32, #tpu.memory_space<hbm>>
      tpu.enqueue_dma source(%dma_start3A_119 : memref<40x128xi32, #tpu.memory_space<hbm>>) target(%arg11 : memref<40x128xi32, #tpu.memory_space<vmem>>) target_semaphore(%run_scoped3A : memref<!tpu.dma_semaphore, #tpu.memory_space<semaphore_mem>>)
      %dma_wait3A = arith.constant 40 : i32
      %dma_wait3A_120 = arith.constant 0 : i32
      %dma_wait3A_121 = tpu.memref_slice %arg5[%add3A, %dma_wait3A, %dma_wait3A_120] : memref<32x80x128xi32, #tpu.memory_space<hbm>> -> memref<1x40x128xi32, #tpu.memory_space<hbm>>
      %dma_wait3A_122 = tpu.memref_squeeze %dma_wait3A_121 : memref<1x40x128xi32, #tpu.memory_space<hbm>> -> memref<40x128xi32, #tpu.memory_space<hbm>>
      %dma_wait3A_123 = arith.constant 40 : i32
      %dma_wait3A_124 = arith.constant 0 : i32
      %dma_wait3A_125 = tpu.memref_slice %arg5[%add3A, %dma_wait3A_123, %dma_wait3A_124] : memref<32x80x128xi32, #tpu.memory_space<hbm>> -> memref<1x40x128xi32, #tpu.memory_space<hbm>>
      %dma_wait3A_126 = tpu.memref_squeeze %dma_wait3A_125 : memref<1x40x128xi32, #tpu.memory_space<hbm>> -> memref<40x128xi32, #tpu.memory_space<hbm>>
      tpu.wait_dma2 semaphore(%run_scoped3A : memref<!tpu.dma_semaphore, #tpu.memory_space<semaphore_mem>>) src(%dma_wait3A_126 : memref<40x128xi32, #tpu.memory_space<hbm>>) dst(%arg11 : memref<40x128xi32, #tpu.memory_space<vmem>>)
      tpu.yield
    }) : () -> ()
    %dma_start3A_84 = arith.constant 0 : i32
    %dma_start3A_85 = arith.constant 0 : i32
    %dma_start3A_86 = tpu.memref_slice %arg10[%dma_start3A_84, %dma_start3A_85] : memref<40x128xi32, #tpu.memory_space<vmem>> -> memref<1x128xi32, #tpu.memory_space<vmem>>
    %dma_start3A_87 = tpu.memref_squeeze %dma_start3A_86 : memref<1x128xi32, #tpu.memory_space<vmem>> -> memref<128xi32, #tpu.memory_space<vmem>>
    %dma_start3A_88 = arith.constant 0 : i32
    %dma_start3A_89 = arith.constant 0 : i32
    %dma_start3A_90 = tpu.memref_slice %arg2[%dma_start3A_88, %dma_start3A_89] : memref<10240x128xf32, #tpu.memory_space<hbm>> -> memref<10240x128xf32, #tpu.memory_space<hbm>>
    tpu.enqueue_indirect_dma source(%dma_start3A_90 : memref<10240x128xf32, #tpu.memory_space<hbm>>) target(%arg12 : memref<128x128xf32, #tpu.memory_space<vmem>>) offsets(%dma_start3A_87 : memref<128xi32, #tpu.memory_space<vmem>>) semaphore(%arg18 : memref<!tpu.dma_semaphore, #tpu.memory_space<semaphore_mem>>)
    %dma_start3A_91 = arith.constant 0 : i32
    %dma_start3A_92 = arith.constant 0 : i32
    %dma_start3A_93 = tpu.memref_slice %arg10[%dma_start3A_91, %dma_start3A_92] : memref<40x128xi32, #tpu.memory_space<vmem>> -> memref<1x128xi32, #tpu.memory_space<vmem>>
    %dma_start3A_94 = tpu.memref_squeeze %dma_start3A_93 : memref<1x128xi32, #tpu.memory_space<vmem>> -> memref<128xi32, #tpu.memory_space<vmem>>
    %dma_start3A_95 = arith.constant 0 : i32
    %dma_start3A_96 = tpu.memref_slice %arg3[%dma_start3A_95] : memref<10240xf32, #tpu.memory_space<hbm>> -> memref<10240xf32, #tpu.memory_space<hbm>>
    tpu.enqueue_indirect_dma source(%dma_start3A_96 : memref<10240xf32, #tpu.memory_space<hbm>>) target(%arg14 : memref<128xf32, #tpu.memory_space<vmem>>) offsets(%dma_start3A_94 : memref<128xi32, #tpu.memory_space<vmem>>) semaphore(%arg18 : memref<!tpu.dma_semaphore, #tpu.memory_space<semaphore_mem>>)
    %scan3A_97 = arith.constant 0 : i32
    %scan3A_98 = arith.constant 0 : i32
    %scan3A_99 = arith.constant 20 : i32
    %scan3A_100 = arith.addi %scan3A_98, %scan3A_99 : i32
    %scan3A_101 = arith.constant 1 : i32
    scf.for %scan3A_112 = %scan3A_98 to %scan3A_100 step %scan3A_101  : i32 {
      %mul3A_113 = arith.constant 2 : i32
      %mul3A_114 = arith.muli %scan3A_112, %mul3A_113 : i32
      %add3A_115 = arith.constant 0 : i32
      %add3A_116 = arith.addi %mul3A_114, %add3A_115 : i32
      %add3A_117 = arith.constant 1 : i32
      %add3A_118 = arith.addi %add3A_116, %add3A_117 : i32
      %lt3A = arith.constant 40 : i32
      %lt3A_119 = arith.cmpi slt, %add3A_118, %lt3A : i32
      %convert_element_type3A = arith.extui %lt3A_119 : i1 to i32
      %cond3A = arith.constant 0 : i32
      %cond3A_120 = arith.cmpi ne, %convert_element_type3A, %cond3A : i32
      scf.if %cond3A_120 {
        %add3A_153 = arith.constant 1 : i32
        %add3A_154 = arith.addi %add3A_116, %add3A_153 : i32
        %dma_start3A_155 = arith.constant 0 : i32
        %dma_start3A_156 = tpu.memref_slice %arg10[%add3A_154, %dma_start3A_155] : memref<40x128xi32, #tpu.memory_space<vmem>> -> memref<1x128xi32, #tpu.memory_space<vmem>>
        %dma_start3A_157 = tpu.memref_squeeze %dma_start3A_156 : memref<1x128xi32, #tpu.memory_space<vmem>> -> memref<128xi32, #tpu.memory_space<vmem>>
        %dma_start3A_158 = arith.constant 0 : i32
        %dma_start3A_159 = arith.constant 0 : i32
        %dma_start3A_160 = tpu.memref_slice %arg2[%dma_start3A_158, %dma_start3A_159] : memref<10240x128xf32, #tpu.memory_space<hbm>> -> memref<10240x128xf32, #tpu.memory_space<hbm>>
        tpu.enqueue_indirect_dma source(%dma_start3A_160 : memref<10240x128xf32, #tpu.memory_space<hbm>>) target(%arg13 : memref<128x128xf32, #tpu.memory_space<vmem>>) offsets(%dma_start3A_157 : memref<128xi32, #tpu.memory_space<vmem>>) semaphore(%arg19 : memref<!tpu.dma_semaphore, #tpu.memory_space<semaphore_mem>>)
        %dma_start3A_161 = arith.constant 0 : i32
        %dma_start3A_162 = tpu.memref_slice %arg10[%add3A_154, %dma_start3A_161] : memref<40x128xi32, #tpu.memory_space<vmem>> -> memref<1x128xi32, #tpu.memory_space<vmem>>
        %dma_start3A_163 = tpu.memref_squeeze %dma_start3A_162 : memref<1x128xi32, #tpu.memory_space<vmem>> -> memref<128xi32, #tpu.memory_space<vmem>>
        %dma_start3A_164 = arith.constant 0 : i32
        %dma_start3A_165 = tpu.memref_slice %arg3[%dma_start3A_164] : memref<10240xf32, #tpu.memory_space<hbm>> -> memref<10240xf32, #tpu.memory_space<hbm>>
        tpu.enqueue_indirect_dma source(%dma_start3A_165 : memref<10240xf32, #tpu.memory_space<hbm>>) target(%arg15 : memref<128xf32, #tpu.memory_space<vmem>>) offsets(%dma_start3A_163 : memref<128xi32, #tpu.memory_space<vmem>>) semaphore(%arg19 : memref<!tpu.dma_semaphore, #tpu.memory_space<semaphore_mem>>)
      } else {
      }
      %dma_wait3A = arith.constant 0 : i32
      %dma_wait3A_121 = tpu.memref_slice %arg10[%add3A_116, %dma_wait3A] : memref<40x128xi32, #tpu.memory_space<vmem>> -> memref<1x128xi32, #tpu.memory_space<vmem>>
      %dma_wait3A_122 = tpu.memref_squeeze %dma_wait3A_121 : memref<1x128xi32, #tpu.memory_space<vmem>> -> memref<128xi32, #tpu.memory_space<vmem>>
      %dma_wait3A_123 = arith.constant 0 : i32
      %dma_wait3A_124 = arith.constant 0 : i32
      %dma_wait3A_125 = tpu.memref_slice %arg2[%dma_wait3A_123, %dma_wait3A_124] : memref<10240x128xf32, #tpu.memory_space<hbm>> -> memref<10240x128xf32, #tpu.memory_space<hbm>>
      tpu.wait_indirect_dma semaphore(%arg18 : memref<!tpu.dma_semaphore, #tpu.memory_space<semaphore_mem>>) src(%dma_wait3A_125 : memref<10240x128xf32, #tpu.memory_space<hbm>>) dst(%arg12 : memref<128x128xf32, #tpu.memory_space<vmem>>)
      %dma_wait3A_126 = arith.constant 0 : i32
      %dma_wait3A_127 = tpu.memref_slice %arg10[%add3A_116, %dma_wait3A_126] : memref<40x128xi32, #tpu.memory_space<vmem>> -> memref<1x128xi32, #tpu.memory_space<vmem>>
      %dma_wait3A_128 = tpu.memref_squeeze %dma_wait3A_127 : memref<1x128xi32, #tpu.memory_space<vmem>> -> memref<128xi32, #tpu.memory_space<vmem>>
      %dma_wait3A_129 = arith.constant 0 : i32
      %dma_wait3A_130 = tpu.memref_slice %arg3[%dma_wait3A_129] : memref<10240xf32, #tpu.memory_space<hbm>> -> memref<10240xf32, #tpu.memory_space<hbm>>
      tpu.wait_indirect_dma semaphore(%arg18 : memref<!tpu.dma_semaphore, #tpu.memory_space<semaphore_mem>>) src(%dma_wait3A_130 : memref<10240xf32, #tpu.memory_space<hbm>>) dst(%arg14 : memref<128xf32, #tpu.memory_space<vmem>>)
      "tpu.region"() ({
        %run_scoped3A = tpu.sem_alloc : memref<!tpu.dma_semaphore, #tpu.memory_space<semaphore_mem>>
        %dma_start3A_153 = arith.constant 0 : i32
        %dma_start3A_154 = tpu.memref_slice %arg11[%add3A_116, %dma_start3A_153] : memref<40x128xi32, #tpu.memory_space<vmem>> -> memref<1x128xi32, #tpu.memory_space<vmem>>
        %dma_start3A_155 = tpu.memref_squeeze %dma_start3A_154 : memref<1x128xi32, #tpu.memory_space<vmem>> -> memref<128xi32, #tpu.memory_space<vmem>>
        %dma_start3A_156 = arith.constant 0 : i32
        %dma_start3A_157 = arith.constant 0 : i32
        %dma_start3A_158 = tpu.memref_slice %arg16[%dma_start3A_156, %dma_start3A_157] : memref<10240x128xf32, #tpu.memory_space<vmem_shared>> -> memref<10240x128xf32, #tpu.memory_space<vmem_shared>>
        tpu.enqueue_indirect_dma source(%arg12 : memref<128x128xf32, #tpu.memory_space<vmem>>) target(%dma_start3A_158 : memref<10240x128xf32, #tpu.memory_space<vmem_shared>>) offsets(%dma_start3A_155 : memref<128xi32, #tpu.memory_space<vmem>>) semaphore(%run_scoped3A : memref<!tpu.dma_semaphore, #tpu.memory_space<semaphore_mem>>) {add = true}
        %dma_wait3A_159 = arith.constant 0 : i32
        %dma_wait3A_160 = tpu.memref_slice %arg11[%add3A_116, %dma_wait3A_159] : memref<40x128xi32, #tpu.memory_space<vmem>> -> memref<1x128xi32, #tpu.memory_space<vmem>>
        %dma_wait3A_161 = tpu.memref_squeeze %dma_wait3A_160 : memref<1x128xi32, #tpu.memory_space<vmem>> -> memref<128xi32, #tpu.memory_space<vmem>>
        %dma_wait3A_162 = arith.constant 0 : i32
        %dma_wait3A_163 = arith.constant 0 : i32
        %dma_wait3A_164 = tpu.memref_slice %arg16[%dma_wait3A_162, %dma_wait3A_163] : memref<10240x128xf32, #tpu.memory_space<vmem_shared>> -> memref<10240x128xf32, #tpu.memory_space<vmem_shared>>
        tpu.wait_indirect_dma semaphore(%run_scoped3A : memref<!tpu.dma_semaphore, #tpu.memory_space<semaphore_mem>>) src(%arg12 : memref<128x128xf32, #tpu.memory_space<vmem>>) dst(%dma_wait3A_164 : memref<10240x128xf32, #tpu.memory_space<vmem_shared>>)
        tpu.yield
      }) : () -> ()
      "tpu.region"() ({
        %run_scoped3A = tpu.sem_alloc : memref<!tpu.dma_semaphore, #tpu.memory_space<semaphore_mem>>
        %dma_start3A_153 = arith.constant 0 : i32
        %dma_start3A_154 = tpu.memref_slice %arg11[%add3A_116, %dma_start3A_153] : memref<40x128xi32, #tpu.memory_space<vmem>> -> memref<1x128xi32, #tpu.memory_space<vmem>>
        %dma_start3A_155 = tpu.memref_squeeze %dma_start3A_154 : memref<1x128xi32, #tpu.memory_space<vmem>> -> memref<128xi32, #tpu.memory_space<vmem>>
        %dma_start3A_156 = arith.constant 0 : i32
        %dma_start3A_157 = tpu.memref_slice %arg17[%dma_start3A_156] : memref<10240xf32, #tpu.memory_space<vmem_shared>> -> memref<10240xf32, #tpu.memory_space<vmem_shared>>
        tpu.enqueue_indirect_dma source(%arg14 : memref<128xf32, #tpu.memory_space<vmem>>) target(%dma_start3A_157 : memref<10240xf32, #tpu.memory_space<vmem_shared>>) offsets(%dma_start3A_155 : memref<128xi32, #tpu.memory_space<vmem>>) semaphore(%run_scoped3A : memref<!tpu.dma_semaphore, #tpu.memory_space<semaphore_mem>>) {add = true}
        %dma_wait3A_158 = arith.constant 0 : i32
        %dma_wait3A_159 = tpu.memref_slice %arg11[%add3A_116, %dma_wait3A_158] : memref<40x128xi32, #tpu.memory_space<vmem>> -> memref<1x128xi32, #tpu.memory_space<vmem>>
        %dma_wait3A_160 = tpu.memref_squeeze %dma_wait3A_159 : memref<1x128xi32, #tpu.memory_space<vmem>> -> memref<128xi32, #tpu.memory_space<vmem>>
        %dma_wait3A_161 = arith.constant 0 : i32
        %dma_wait3A_162 = tpu.memref_slice %arg17[%dma_wait3A_161] : memref<10240xf32, #tpu.memory_space<vmem_shared>> -> memref<10240xf32, #tpu.memory_space<vmem_shared>>
        tpu.wait_indirect_dma semaphore(%run_scoped3A : memref<!tpu.dma_semaphore, #tpu.memory_space<semaphore_mem>>) src(%arg14 : memref<128xf32, #tpu.memory_space<vmem>>) dst(%dma_wait3A_162 : memref<10240xf32, #tpu.memory_space<vmem_shared>>)
        tpu.yield
      }) : () -> ()
      %mul3A_131 = arith.constant 2 : i32
      %mul3A_132 = arith.muli %scan3A_112, %mul3A_131 : i32
      %add3A_133 = arith.constant 1 : i32
      %add3A_134 = arith.addi %mul3A_132, %add3A_133 : i32
      %add3A_135 = arith.constant 1 : i32
      %add3A_136 = arith.addi %add3A_134, %add3A_135 : i32
      %lt3A_137 = arith.constant 40 : i32
      %lt3A_138 = arith.cmpi slt, %add3A_136, %lt3A_137 : i32
      %convert_element_type3A_139 = arith.extui %lt3A_138 : i1 to i32
      %cond3A_140 = arith.constant 0 : i32
      %cond3A_141 = arith.cmpi ne, %convert_element_type3A_139, %cond3A_140 : i32
      scf.if %cond3A_141 {
        %add3A_153 = arith.constant 1 : i32
        %add3A_154 = arith.addi %add3A_134, %add3A_153 : i32
        %dma_start3A_155 = arith.constant 0 : i32
        %dma_start3A_156 = tpu.memref_slice %arg10[%add3A_154, %dma_start3A_155] : memref<40x128xi32, #tpu.memory_space<vmem>> -> memref<1x128xi32, #tpu.memory_space<vmem>>
        %dma_start3A_157 = tpu.memref_squeeze %dma_start3A_156 : memref<1x128xi32, #tpu.memory_space<vmem>> -> memref<128xi32, #tpu.memory_space<vmem>>
        %dma_start3A_158 = arith.constant 0 : i32
        %dma_start3A_159 = arith.constant 0 : i32
        %dma_start3A_160 = tpu.memref_slice %arg2[%dma_start3A_158, %dma_start3A_159] : memref<10240x128xf32, #tpu.memory_space<hbm>> -> memref<10240x128xf32, #tpu.memory_space<hbm>>
        tpu.enqueue_indirect_dma source(%dma_start3A_160 : memref<10240x128xf32, #tpu.memory_space<hbm>>) target(%arg12 : memref<128x128xf32, #tpu.memory_space<vmem>>) offsets(%dma_start3A_157 : memref<128xi32, #tpu.memory_space<vmem>>) semaphore(%arg18 : memref<!tpu.dma_semaphore, #tpu.memory_space<semaphore_mem>>)
        %dma_start3A_161 = arith.constant 0 : i32
        %dma_start3A_162 = tpu.memref_slice %arg10[%add3A_154, %dma_start3A_161] : memref<40x128xi32, #tpu.memory_space<vmem>> -> memref<1x128xi32, #tpu.memory_space<vmem>>
        %dma_start3A_163 = tpu.memref_squeeze %dma_start3A_162 : memref<1x128xi32, #tpu.memory_space<vmem>> -> memref<128xi32, #tpu.memory_space<vmem>>
        %dma_start3A_164 = arith.constant 0 : i32
        %dma_start3A_165 = tpu.memref_slice %arg3[%dma_start3A_164] : memref<10240xf32, #tpu.memory_space<hbm>> -> memref<10240xf32, #tpu.memory_space<hbm>>
        tpu.enqueue_indirect_dma source(%dma_start3A_165 : memref<10240xf32, #tpu.memory_space<hbm>>) target(%arg14 : memref<128xf32, #tpu.memory_space<vmem>>) offsets(%dma_start3A_163 : memref<128xi32, #tpu.memory_space<vmem>>) semaphore(%arg18 : memref<!tpu.dma_semaphore, #tpu.memory_space<semaphore_mem>>)
      } else {
      }
      %dma_wait3A_142 = arith.constant 0 : i32
      %dma_wait3A_143 = tpu.memref_slice %arg10[%add3A_134, %dma_wait3A_142] : memref<40x128xi32, #tpu.memory_space<vmem>> -> memref<1x128xi32, #tpu.memory_space<vmem>>
      %dma_wait3A_144 = tpu.memref_squeeze %dma_wait3A_143 : memref<1x128xi32, #tpu.memory_space<vmem>> -> memref<128xi32, #tpu.memory_space<vmem>>
      %dma_wait3A_145 = arith.constant 0 : i32
      %dma_wait3A_146 = arith.constant 0 : i32
      %dma_wait3A_147 = tpu.memref_slice %arg2[%dma_wait3A_145, %dma_wait3A_146] : memref<10240x128xf32, #tpu.memory_space<hbm>> -> memref<10240x128xf32, #tpu.memory_space<hbm>>
      tpu.wait_indirect_dma semaphore(%arg19 : memref<!tpu.dma_semaphore, #tpu.memory_space<semaphore_mem>>) src(%dma_wait3A_147 : memref<10240x128xf32, #tpu.memory_space<hbm>>) dst(%arg13 : memref<128x128xf32, #tpu.memory_space<vmem>>)
      %dma_wait3A_148 = arith.constant 0 : i32
      %dma_wait3A_149 = tpu.memref_slice %arg10[%add3A_134, %dma_wait3A_148] : memref<40x128xi32, #tpu.memory_space<vmem>> -> memref<1x128xi32, #tpu.memory_space<vmem>>
      %dma_wait3A_150 = tpu.memref_squeeze %dma_wait3A_149 : memref<1x128xi32, #tpu.memory_space<vmem>> -> memref<128xi32, #tpu.memory_space<vmem>>
      %dma_wait3A_151 = arith.constant 0 : i32
      %dma_wait3A_152 = tpu.memref_slice %arg3[%dma_wait3A_151] : memref<10240xf32, #tpu.memory_space<hbm>> -> memref<10240xf32, #tpu.memory_space<hbm>>
      tpu.wait_indirect_dma semaphore(%arg19 : memref<!tpu.dma_semaphore, #tpu.memory_space<semaphore_mem>>) src(%dma_wait3A_152 : memref<10240xf32, #tpu.memory_space<hbm>>) dst(%arg15 : memref<128xf32, #tpu.memory_space<vmem>>)
      "tpu.region"() ({
        %run_scoped3A = tpu.sem_alloc : memref<!tpu.dma_semaphore, #tpu.memory_space<semaphore_mem>>
        %dma_start3A_153 = arith.constant 0 : i32
        %dma_start3A_154 = tpu.memref_slice %arg11[%add3A_134, %dma_start3A_153] : memref<40x128xi32, #tpu.memory_space<vmem>> -> memref<1x128xi32, #tpu.memory_space<vmem>>
        %dma_start3A_155 = tpu.memref_squeeze %dma_start3A_154 : memref<1x128xi32, #tpu.memory_space<vmem>> -> memref<128xi32, #tpu.memory_space<vmem>>
        %dma_start3A_156 = arith.constant 0 : i32
        %dma_start3A_157 = arith.constant 0 : i32
        %dma_start3A_158 = tpu.memref_slice %arg16[%dma_start3A_156, %dma_start3A_157] : memref<10240x128xf32, #tpu.memory_space<vmem_shared>> -> memref<10240x128xf32, #tpu.memory_space<vmem_shared>>
        tpu.enqueue_indirect_dma source(%arg13 : memref<128x128xf32, #tpu.memory_space<vmem>>) target(%dma_start3A_158 : memref<10240x128xf32, #tpu.memory_space<vmem_shared>>) offsets(%dma_start3A_155 : memref<128xi32, #tpu.memory_space<vmem>>) semaphore(%run_scoped3A : memref<!tpu.dma_semaphore, #tpu.memory_space<semaphore_mem>>) {add = true}
        %dma_wait3A_159 = arith.constant 0 : i32
        %dma_wait3A_160 = tpu.memref_slice %arg11[%add3A_134, %dma_wait3A_159] : memref<40x128xi32, #tpu.memory_space<vmem>> -> memref<1x128xi32, #tpu.memory_space<vmem>>
        %dma_wait3A_161 = tpu.memref_squeeze %dma_wait3A_160 : memref<1x128xi32, #tpu.memory_space<vmem>> -> memref<128xi32, #tpu.memory_space<vmem>>
        %dma_wait3A_162 = arith.constant 0 : i32
        %dma_wait3A_163 = arith.constant 0 : i32
        %dma_wait3A_164 = tpu.memref_slice %arg16[%dma_wait3A_162, %dma_wait3A_163] : memref<10240x128xf32, #tpu.memory_space<vmem_shared>> -> memref<10240x128xf32, #tpu.memory_space<vmem_shared>>
        tpu.wait_indirect_dma semaphore(%run_scoped3A : memref<!tpu.dma_semaphore, #tpu.memory_space<semaphore_mem>>) src(%arg13 : memref<128x128xf32, #tpu.memory_space<vmem>>) dst(%dma_wait3A_164 : memref<10240x128xf32, #tpu.memory_space<vmem_shared>>)
        tpu.yield
      }) : () -> ()
      "tpu.region"() ({
        %run_scoped3A = tpu.sem_alloc : memref<!tpu.dma_semaphore, #tpu.memory_space<semaphore_mem>>
        %dma_start3A_153 = arith.constant 0 : i32
        %dma_start3A_154 = tpu.memref_slice %arg11[%add3A_134, %dma_start3A_153] : memref<40x128xi32, #tpu.memory_space<vmem>> -> memref<1x128xi32, #tpu.memory_space<vmem>>
        %dma_start3A_155 = tpu.memref_squeeze %dma_start3A_154 : memref<1x128xi32, #tpu.memory_space<vmem>> -> memref<128xi32, #tpu.memory_space<vmem>>
        %dma_start3A_156 = arith.constant 0 : i32
        %dma_start3A_157 = tpu.memref_slice %arg17[%dma_start3A_156] : memref<10240xf32, #tpu.memory_space<vmem_shared>> -> memref<10240xf32, #tpu.memory_space<vmem_shared>>
        tpu.enqueue_indirect_dma source(%arg15 : memref<128xf32, #tpu.memory_space<vmem>>) target(%dma_start3A_157 : memref<10240xf32, #tpu.memory_space<vmem_shared>>) offsets(%dma_start3A_155 : memref<128xi32, #tpu.memory_space<vmem>>) semaphore(%run_scoped3A : memref<!tpu.dma_semaphore, #tpu.memory_space<semaphore_mem>>) {add = true}
        %dma_wait3A_158 = arith.constant 0 : i32
        %dma_wait3A_159 = tpu.memref_slice %arg11[%add3A_134, %dma_wait3A_158] : memref<40x128xi32, #tpu.memory_space<vmem>> -> memref<1x128xi32, #tpu.memory_space<vmem>>
        %dma_wait3A_160 = tpu.memref_squeeze %dma_wait3A_159 : memref<1x128xi32, #tpu.memory_space<vmem>> -> memref<128xi32, #tpu.memory_space<vmem>>
        %dma_wait3A_161 = arith.constant 0 : i32
        %dma_wait3A_162 = tpu.memref_slice %arg17[%dma_wait3A_161] : memref<10240xf32, #tpu.memory_space<vmem_shared>> -> memref<10240xf32, #tpu.memory_space<vmem_shared>>
        tpu.wait_indirect_dma semaphore(%run_scoped3A : memref<!tpu.dma_semaphore, #tpu.memory_space<semaphore_mem>>) src(%arg15 : memref<128xf32, #tpu.memory_space<vmem>>) dst(%dma_wait3A_162 : memref<10240xf32, #tpu.memory_space<vmem_shared>>)
        tpu.yield
      }) : () -> ()
    }
    %scan3A_102 = arith.constant 20 : i32
    %barrier3A_103 = arith.constant 0 : index
    tpu.barrier barrier_id(%barrier3A_103)
    %mul3A_104 = arith.constant 640 : i32
    %mul3A_105 = arith.muli %arg1, %mul3A_104 : i32
    %mul3A_106 = arith.constant 640 : i32
    %mul3A_107 = arith.muli %arg1, %mul3A_106 : i32
    "tpu.region"() ({
      %run_scoped3A = tpu.sem_alloc : memref<!tpu.dma_semaphore, #tpu.memory_space<semaphore_mem>>
      %dma_start3A_112 = arith.constant 0 : i32
      %dma_start3A_113 = tpu.memref_slice %arg8[%arg0, %mul3A_107, %dma_start3A_112] : memref<2x10240x128xf32, #tpu.memory_space<hbm>> -> memref<1x640x128xf32, #tpu.memory_space<hbm>>
      %dma_start3A_114 = tpu.memref_squeeze %dma_start3A_113 : memref<1x640x128xf32, #tpu.memory_space<hbm>> -> memref<640x128xf32, #tpu.memory_space<hbm>>
      %dma_start3A_115 = arith.constant 0 : i32
      %dma_start3A_116 = tpu.memref_slice %arg16[%mul3A_105, %dma_start3A_115] : memref<10240x128xf32, #tpu.memory_space<vmem_shared>> -> memref<640x128xf32, #tpu.memory_space<vmem_shared>>
      tpu.enqueue_dma source(%dma_start3A_116 : memref<640x128xf32, #tpu.memory_space<vmem_shared>>) target(%dma_start3A_114 : memref<640x128xf32, #tpu.memory_space<hbm>>) target_semaphore(%run_scoped3A : memref<!tpu.dma_semaphore, #tpu.memory_space<semaphore_mem>>)
      %dma_wait3A = arith.constant 0 : i32
      %dma_wait3A_117 = tpu.memref_slice %arg8[%arg0, %mul3A_107, %dma_wait3A] : memref<2x10240x128xf32, #tpu.memory_space<hbm>> -> memref<1x640x128xf32, #tpu.memory_space<hbm>>
      %dma_wait3A_118 = tpu.memref_squeeze %dma_wait3A_117 : memref<1x640x128xf32, #tpu.memory_space<hbm>> -> memref<640x128xf32, #tpu.memory_space<hbm>>
      %dma_wait3A_119 = arith.constant 0 : i32
      %dma_wait3A_120 = tpu.memref_slice %arg16[%mul3A_105, %dma_wait3A_119] : memref<10240x128xf32, #tpu.memory_space<vmem_shared>> -> memref<640x128xf32, #tpu.memory_space<vmem_shared>>
      tpu.wait_dma2 semaphore(%run_scoped3A : memref<!tpu.dma_semaphore, #tpu.memory_space<semaphore_mem>>) src(%dma_wait3A_120 : memref<640x128xf32, #tpu.memory_space<vmem_shared>>) dst(%dma_wait3A_118 : memref<640x128xf32, #tpu.memory_space<hbm>>)
      tpu.yield
    }) : () -> ()
    %mul3A_108 = arith.constant 640 : i32
    %mul3A_109 = arith.muli %arg1, %mul3A_108 : i32
    %mul3A_110 = arith.constant 640 : i32
    %mul3A_111 = arith.muli %arg1, %mul3A_110 : i32
    "tpu.region"() ({
      %run_scoped3A = tpu.sem_alloc : memref<!tpu.dma_semaphore, #tpu.memory_space<semaphore_mem>>
      %dma_start3A_112 = tpu.memref_slice %arg9[%arg0, %mul3A_111] : memref<2x10240xf32, #tpu.memory_space<hbm>> -> memref<1x640xf32, #tpu.memory_space<hbm>>
      %dma_start3A_113 = tpu.memref_squeeze %dma_start3A_112 : memref<1x640xf32, #tpu.memory_space<hbm>> -> memref<640xf32, #tpu.memory_space<hbm>>
      %dma_start3A_114 = tpu.memref_slice %arg17[%mul3A_109] : memref<10240xf32, #tpu.memory_space<vmem_shared>> -> memref<640xf32, #tpu.memory_space<vmem_shared>>
      tpu.enqueue_dma source(%dma_start3A_114 : memref<640xf32, #tpu.memory_space<vmem_shared>>) target(%dma_start3A_113 : memref<640xf32, #tpu.memory_space<hbm>>) target_semaphore(%run_scoped3A : memref<!tpu.dma_semaphore, #tpu.memory_space<semaphore_mem>>)
      %dma_wait3A = tpu.memref_slice %arg9[%arg0, %mul3A_111] : memref<2x10240xf32, #tpu.memory_space<hbm>> -> memref<1x640xf32, #tpu.memory_space<hbm>>
      %dma_wait3A_115 = tpu.memref_squeeze %dma_wait3A : memref<1x640xf32, #tpu.memory_space<hbm>> -> memref<640xf32, #tpu.memory_space<hbm>>
      %dma_wait3A_116 = tpu.memref_slice %arg17[%mul3A_109] : memref<10240xf32, #tpu.memory_space<vmem_shared>> -> memref<640xf32, #tpu.memory_space<vmem_shared>>
      tpu.wait_dma2 semaphore(%run_scoped3A : memref<!tpu.dma_semaphore, #tpu.memory_space<semaphore_mem>>) src(%dma_wait3A_116 : memref<640xf32, #tpu.memory_space<vmem_shared>>) dst(%dma_wait3A_115 : memref<640xf32, #tpu.memory_space<hbm>>)
      tpu.yield
    }) : () -> ()
    return
  }
}

module attributes {stable_mosaic.version = 14 : i64} {
  func.func @_build_g_body(%arg0: i32, %arg1: memref<1024x144xf32, #tpu.memory_space<vmem>>, %arg2: memref<1x1xf32, #tpu.memory_space<vmem>>, %arg3: memref<1024x128xf32, #tpu.memory_space<vmem>>, %arg4: memref<1024x1xf32, #tpu.memory_space<vmem>>) attributes {dimension_semantics = [#tpu.dimension_semantics<arbitrary>], iteration_bounds = array<i64: 10>, scalar_prefetch = 0 : i64, scratch_operands = 0 : i64, tpu.core_type = #tpu.core_type<tc>, window_params = [{transform_indices = @transform_0, window_bounds = array<i64: 1024, 144>}, {pipeline_mode = #tpu.pipeline_mode<synchronous>, transform_indices = @transform_1, window_bounds = array<i64: 1, 1>}, {transform_indices = @transform_2, window_bounds = array<i64: 1024, 128>}, {transform_indices = @transform_3, window_bounds = array<i64: 1024, 1>}]} {
    %get3A = arith.constant 0 : index
    %get3A_0 = arith.constant 0 : index
    %get3A_1 = vector.load %arg1[%get3A, %get3A_0] : memref<1024x144xf32, #tpu.memory_space<vmem>>, vector<1024x144xf32>
    %slice3A = vector.extract_strided_slice %get3A_1 {offsets = [0, 128], sizes = [1024, 1], strides = [1, 1]} : vector<1024x144xf32> to vector<1024x1xf32>
    %get3A_2 = arith.constant 0 : index
    %get3A_3 = arith.constant 0 : index
    %get3A_4 = vector.load %arg2[%get3A_2, %get3A_3] : memref<1x1xf32, #tpu.memory_space<vmem>>, vector<1x1xf32>
    %sub3A = vector.broadcast %get3A_4 : vector<1x1xf32> to vector<1024x1xf32>
    %sub3A_5 = arith.subf %slice3A, %sub3A : vector<1024x1xf32>
    %exp3A = math.exp %sub3A_5 : vector<1024x1xf32>
    %iota3A = tpu.iota {dimensions = array<i32: 0>} : vector<1024x1xi32>
    %mul3A = arith.constant 1024 : i32
    %mul3A_6 = arith.muli %arg0, %mul3A : i32
    %add3A = vector.broadcast %mul3A_6 : i32 to vector<1024x1xi32>
    %add3A_7 = arith.addi %iota3A, %add3A : vector<1024x1xi32>
    %lt3A = arith.constant 10000 : i32
    %lt3A_8 = vector.broadcast %lt3A : i32 to vector<1024x1xi32>
    %lt3A_9 = arith.cmpi slt, %add3A_7, %lt3A_8 : vector<1024x1xi32>
    %jit3A = arith.constant 0.000000e+00 : f32
    %broadcast_in_dim3A = vector.broadcast %jit3A : f32 to vector<1024x1xf32>
    %select_n3A = arith.select %lt3A_9, %exp3A, %broadcast_in_dim3A : vector<1024x1xi1>, vector<1024x1xf32>
    %slice3A_10 = vector.extract_strided_slice %get3A_1 {offsets = [0, 0], sizes = [1024, 128], strides = [1, 1]} : vector<1024x144xf32> to vector<1024x128xf32>
    %mul3A_11 = vector.broadcast %select_n3A : vector<1024x1xf32> to vector<1024x128xf32>
    %mul3A_12 = arith.mulf %slice3A_10, %mul3A_11 : vector<1024x128xf32>
    %swap3A = arith.constant 0 : index
    %swap3A_13 = arith.constant 0 : index
    %swap3A_14 = vector.load %arg3[%swap3A, %swap3A_13] : memref<1024x128xf32, #tpu.memory_space<vmem>>, vector<1024x128xf32>
    tpu.vector_store %arg3[%swap3A, %swap3A_13], %mul3A_12 {strides = array<i32>} : memref<1024x128xf32, #tpu.memory_space<vmem>>, vector<1024x128xf32>,
    %swap3A_15 = arith.constant 0 : index
    %swap3A_16 = arith.constant 0 : index
    %swap3A_17 = vector.load %arg4[%swap3A_15, %swap3A_16] : memref<1024x1xf32, #tpu.memory_space<vmem>>, vector<1024x1xf32>
    tpu.vector_store %arg4[%swap3A_15, %swap3A_16], %select_n3A {strides = array<i32>} : memref<1024x1xf32, #tpu.memory_space<vmem>>, vector<1024x1xf32>,
    return
  }
  func.func @transform_0(%arg0: i32) -> (i32, i32) {
    %c0_i32 = arith.constant 0 : i32
    %c0_i32_0 = arith.constant 0 : i32
    return %arg0, %c0_i32 : i32, i32
  }
  func.func @transform_1(%arg0: i32) -> (i32, i32) {
    %c0_i32 = arith.constant 0 : i32
    %c0_i32_0 = arith.constant 0 : i32
    %c0_i32_1 = arith.constant 0 : i32
    return %c0_i32, %c0_i32_0 : i32, i32
  }
  func.func @transform_2(%arg0: i32) -> (i32, i32) {
    %c0_i32 = arith.constant 0 : i32
    %c0_i32_0 = arith.constant 0 : i32
    return %arg0, %c0_i32 : i32, i32
  }
  func.func @transform_3(%arg0: i32) -> (i32, i32) {
    %c0_i32 = arith.constant 0 : i32
    %c0_i32_0 = arith.constant 0 : i32
    return %arg0, %c0_i32 : i32, i32
  }
}

module attributes {stable_mosaic.version = 14 : i64} {
  func.func @_mm_max_body(%arg0: i32, %arg1: memref<1024x128xf32, #tpu.memory_space<vmem>>, %arg2: memref<128x144xf32, #tpu.memory_space<vmem>>, %arg3: memref<1x144xf32, #tpu.memory_space<vmem>>, %arg4: memref<1024x144xf32, #tpu.memory_space<vmem>>, %arg5: memref<1x1xf32, #tpu.memory_space<vmem>>) attributes {dimension_semantics = [#tpu.dimension_semantics<arbitrary>], iteration_bounds = array<i64: 10>, scalar_prefetch = 0 : i64, scratch_operands = 0 : i64, tpu.core_type = #tpu.core_type<tc>, window_params = [{transform_indices = @transform_0, window_bounds = array<i64: 1024, 128>}, {pipeline_mode = #tpu.pipeline_mode<synchronous>, transform_indices = @transform_1, window_bounds = array<i64: 128, 144>}, {pipeline_mode = #tpu.pipeline_mode<synchronous>, transform_indices = @transform_2, window_bounds = array<i64: 1, 144>}, {transform_indices = @transform_3, window_bounds = array<i64: 1024, 144>}, {pipeline_mode = #tpu.pipeline_mode<synchronous>, transform_indices = @transform_4, window_bounds = array<i64: 1, 1>}]} {
    %get3A = arith.constant 0 : index
    %get3A_0 = arith.constant 0 : index
    %get3A_1 = vector.load %arg1[%get3A, %get3A_0] : memref<1024x128xf32, #tpu.memory_space<vmem>>, vector<1024x128xf32>
    %get3A_2 = arith.constant 0 : index
    %get3A_3 = arith.constant 0 : index
    %get3A_4 = vector.load %arg2[%get3A_2, %get3A_3] : memref<128x144xf32, #tpu.memory_space<vmem>>, vector<128x144xf32>
    %dot_general3A = arith.constant dense<0.000000e+00> : vector<1024x144xf32>
    %dot_general3A_5 = tpu.matmul %get3A_1, %get3A_4, %dot_general3A {dimension_numbers = #tpu.dot_dimension_numbers<[1], [0], [0], [1], [0, 0, 1, 1], [], []>, transpose_lhs_hint = false} : vector<1024x128xf32>, vector<128x144xf32>, vector<1024x144xf32> -> vector<1024x144xf32>
    %get3A_6 = arith.constant 0 : index
    %get3A_7 = arith.constant 0 : index
    %get3A_8 = vector.load %arg3[%get3A_6, %get3A_7] : memref<1x144xf32, #tpu.memory_space<vmem>>, vector<1x144xf32>
    %add3A = vector.broadcast %get3A_8 : vector<1x144xf32> to vector<1024x144xf32>
    %add3A_9 = arith.addf %dot_general3A_5, %add3A : vector<1024x144xf32>
    %swap3A = arith.constant 0 : index
    %swap3A_10 = arith.constant 0 : index
    %swap3A_11 = vector.load %arg4[%swap3A, %swap3A_10] : memref<1024x144xf32, #tpu.memory_space<vmem>>, vector<1024x144xf32>
    tpu.vector_store %arg4[%swap3A, %swap3A_10], %add3A_9 {strides = array<i32>} : memref<1024x144xf32, #tpu.memory_space<vmem>>, vector<1024x144xf32>,
    %slice3A = vector.extract_strided_slice %add3A_9 {offsets = [0, 128], sizes = [1024, 1], strides = [1, 1]} : vector<1024x144xf32> to vector<1024x1xf32>
    %squeeze3A = vector.shape_cast %slice3A : vector<1024x1xf32> to vector<1024xf32>
    %reduce_max3A = vector.shape_cast %squeeze3A : vector<1024xf32> to vector<1x1024xf32>
    %reduce_max3A_12 = arith.constant dense<0xFF800000> : vector<1xf32>
    %reduce_max3A_13 = vector.multi_reduction <maximumf>, %reduce_max3A, %reduce_max3A_12 [1] : vector<1x1024xf32> to vector<1xf32>
    %reduce_max3A_14 = vector.shape_cast %reduce_max3A_13 : vector<1xf32> to vector<1x1xf32>
    %reduce_max3A_15 = vector.extract %reduce_max3A_14[0, 0] : f32 from vector<1x1xf32>
    %reshape3A = vector.broadcast %reduce_max3A_15 : f32 to vector<1x1xf32>
    %eq3A = arith.constant 0 : i32
    %eq3A_16 = arith.cmpi eq, %arg0, %eq3A : i32
    %convert_element_type3A = arith.extui %eq3A_16 : i1 to i32
    %cond3A = arith.constant 0 : i32
    %cond3A_17 = arith.cmpi ne, %convert_element_type3A, %cond3A : i32
    scf.if %cond3A_17 {
      %swap3A_22 = arith.constant 0 : index
      %swap3A_23 = arith.constant 0 : index
      %swap3A_24 = vector.load %arg5[%swap3A_22, %swap3A_23] : memref<1x1xf32, #tpu.memory_space<vmem>>, vector<1x1xf32>
      tpu.vector_store %arg5[%swap3A_22, %swap3A_23], %reshape3A {strides = array<i32>} : memref<1x1xf32, #tpu.memory_space<vmem>>, vector<1x1xf32>,
    } else {
    }
    %gt3A = arith.constant 0 : i32
    %gt3A_18 = arith.cmpi sgt, %arg0, %gt3A : i32
    %convert_element_type3A_19 = arith.extui %gt3A_18 : i1 to i32
    %cond3A_20 = arith.constant 0 : i32
    %cond3A_21 = arith.cmpi ne, %convert_element_type3A_19, %cond3A_20 : i32
    scf.if %cond3A_21 {
      %get3A_22 = arith.constant 0 : index
      %get3A_23 = arith.constant 0 : index
      %get3A_24 = vector.load %arg5[%get3A_22, %get3A_23] : memref<1x1xf32, #tpu.memory_space<vmem>>, vector<1x1xf32>
      %max3A = arith.maximumf %get3A_24, %reshape3A : vector<1x1xf32>
      %swap3A_25 = arith.constant 0 : index
      %swap3A_26 = arith.constant 0 : index
      %swap3A_27 = vector.load %arg5[%swap3A_25, %swap3A_26] : memref<1x1xf32, #tpu.memory_space<vmem>>, vector<1x1xf32>
      tpu.vector_store %arg5[%swap3A_25, %swap3A_26], %max3A {strides = array<i32>} : memref<1x1xf32, #tpu.memory_space<vmem>>, vector<1x1xf32>,
    } else {
    }
    return
  }
  func.func @transform_0(%arg0: i32) -> (i32, i32) {
    %c0_i32 = arith.constant 0 : i32
    %c0_i32_0 = arith.constant 0 : i32
    return %arg0, %c0_i32 : i32, i32
  }
  func.func @transform_1(%arg0: i32) -> (i32, i32) {
    %c0_i32 = arith.constant 0 : i32
    %c0_i32_0 = arith.constant 0 : i32
    %c0_i32_1 = arith.constant 0 : i32
    return %c0_i32, %c0_i32_0 : i32, i32
  }
  func.func @transform_2(%arg0: i32) -> (i32, i32) {
    %c0_i32 = arith.constant 0 : i32
    %c0_i32_0 = arith.constant 0 : i32
    %c0_i32_1 = arith.constant 0 : i32
    return %c0_i32, %c0_i32_0 : i32, i32
  }
  func.func @transform_3(%arg0: i32) -> (i32, i32) {
    %c0_i32 = arith.constant 0 : i32
    %c0_i32_0 = arith.constant 0 : i32
    return %arg0, %c0_i32 : i32, i32
  }
  func.func @transform_4(%arg0: i32) -> (i32, i32) {
    %c0_i32 = arith.constant 0 : i32
    %c0_i32_0 = arith.constant 0 : i32
    %c0_i32_1 = arith.constant 0 : i32
    return %c0_i32, %c0_i32_0 : i32, i32
  }
}

module attributes {stable_mosaic.version = 14 : i64} {
  func.func @_combine_mm_body(%arg0: i32, %arg1: memref<2x1024x128xf32, #tpu.memory_space<vmem>>, %arg2: memref<2x1024x1xf32, #tpu.memory_space<vmem>>, %arg3: memref<128x144xf32, #tpu.memory_space<vmem>>, %arg4: memref<1x144xf32, #tpu.memory_space<vmem>>, %arg5: memref<1024x144xf32, #tpu.memory_space<vmem>>, %arg6: memref<1x1xf32, #tpu.memory_space<vmem>>) attributes {dimension_semantics = [#tpu.dimension_semantics<arbitrary>], iteration_bounds = array<i64: 10>, scalar_prefetch = 0 : i64, scratch_operands = 0 : i64, tpu.core_type = #tpu.core_type<tc>, window_params = [{transform_indices = @transform_0, window_bounds = array<i64: 2, 1024, 128>}, {transform_indices = @transform_1, window_bounds = array<i64: 2, 1024, 1>}, {pipeline_mode = #tpu.pipeline_mode<synchronous>, transform_indices = @transform_2, window_bounds = array<i64: 128, 144>}, {pipeline_mode = #tpu.pipeline_mode<synchronous>, transform_indices = @transform_3, window_bounds = array<i64: 1, 144>}, {transform_indices = @transform_4, window_bounds = array<i64: 1024, 144>}, {pipeline_mode = #tpu.pipeline_mode<synchronous>, transform_indices = @transform_5, window_bounds = array<i64: 1, 1>}]} {
    %get3A = arith.constant 0 : index
    %get3A_0 = arith.constant 0 : index
    %get3A_1 = arith.constant 0 : index
    %get3A_2 = vector.load %arg1[%get3A, %get3A_0, %get3A_1] : memref<2x1024x128xf32, #tpu.memory_space<vmem>>, vector<2x1024x128xf32>
    %get3A_3 = arith.constant 0 : index
    %get3A_4 = arith.constant 0 : index
    %get3A_5 = arith.constant 0 : index
    %get3A_6 = vector.load %arg2[%get3A_3, %get3A_4, %get3A_5] : memref<2x1024x1xf32, #tpu.memory_space<vmem>>, vector<2x1024x1xf32>
    %slice3A = vector.extract_strided_slice %get3A_2 {offsets = [0, 0, 0], sizes = [1, 1024, 128], strides = [1, 1, 1]} : vector<2x1024x128xf32> to vector<1x1024x128xf32>
    %squeeze3A = vector.shape_cast %slice3A : vector<1x1024x128xf32> to vector<1024x128xf32>
    %slice3A_7 = vector.extract_strided_slice %get3A_2 {offsets = [1, 0, 0], sizes = [1, 1024, 128], strides = [1, 1, 1]} : vector<2x1024x128xf32> to vector<1x1024x128xf32>
    %squeeze3A_8 = vector.shape_cast %slice3A_7 : vector<1x1024x128xf32> to vector<1024x128xf32>
    %add3A = arith.addf %squeeze3A, %squeeze3A_8 : vector<1024x128xf32>
    %slice3A_9 = vector.extract_strided_slice %get3A_6 {offsets = [0, 0, 0], sizes = [1, 1024, 1], strides = [1, 1, 1]} : vector<2x1024x1xf32> to vector<1x1024x1xf32>
    %squeeze3A_10 = vector.shape_cast %slice3A_9 : vector<1x1024x1xf32> to vector<1024x1xf32>
    %slice3A_11 = vector.extract_strided_slice %get3A_6 {offsets = [1, 0, 0], sizes = [1, 1024, 1], strides = [1, 1, 1]} : vector<2x1024x1xf32> to vector<1x1024x1xf32>
    %squeeze3A_12 = vector.shape_cast %slice3A_11 : vector<1x1024x1xf32> to vector<1024x1xf32>
    %add3A_13 = arith.addf %squeeze3A_10, %squeeze3A_12 : vector<1024x1xf32>
    %gt3A = arith.constant 0.000000e+00 : f32
    %gt3A_14 = vector.broadcast %gt3A : f32 to vector<1024x1xf32>
    %gt3A_15 = arith.cmpf ogt, %add3A_13, %gt3A_14 : vector<1024x1xf32>
    %gt3A_16 = arith.constant 0.000000e+00 : f32
    %gt3A_17 = vector.broadcast %gt3A_16 : f32 to vector<1024x1xf32>
    %gt3A_18 = arith.cmpf ogt, %add3A_13, %gt3A_17 : vector<1024x1xf32>
    %jit3A = arith.constant 1.000000e+00 : f32
    %broadcast_in_dim3A = vector.broadcast %jit3A : f32 to vector<1024x1xf32>
    %select_n3A = arith.select %gt3A_18, %add3A_13, %broadcast_in_dim3A : vector<1024x1xi1>, vector<1024x1xf32>
    %div3A = vector.broadcast %select_n3A : vector<1024x1xf32> to vector<1024x128xf32>
    %div3A_19 = arith.divf %add3A, %div3A : vector<1024x128xf32>
    %jit3A_20 = arith.constant 0.000000e+00 : f32
    %broadcast_in_dim3A_21 = vector.shape_cast %gt3A_15 : vector<1024x1xi1> to vector<1024x1xi1>
    %broadcast_in_dim3A_22 = vector.broadcast %broadcast_in_dim3A_21 : vector<1024x1xi1> to vector<1024x128xi1>
    %broadcast_in_dim3A_23 = vector.broadcast %jit3A_20 : f32 to vector<1024x128xf32>
    %select_n3A_24 = arith.select %broadcast_in_dim3A_22, %div3A_19, %broadcast_in_dim3A_23 : vector<1024x128xi1>, vector<1024x128xf32>
    %ge3A = arith.constant 0.000000e+00 : f32
    %ge3A_25 = vector.broadcast %ge3A : f32 to vector<1024x128xf32>
    %ge3A_26 = arith.cmpf oge, %select_n3A_24, %ge3A_25 : vector<1024x128xf32>
    %mul3A = arith.constant 0.00999999977 : f32
    %mul3A_27 = vector.broadcast %mul3A : f32 to vector<1024x128xf32>
    %mul3A_28 = arith.mulf %mul3A_27, %select_n3A_24 : vector<1024x128xf32>
    %select_n3A_29 = arith.select %ge3A_26, %select_n3A_24, %mul3A_28 : vector<1024x128xi1>, vector<1024x128xf32>
    %get3A_30 = arith.constant 0 : index
    %get3A_31 = arith.constant 0 : index
    %get3A_32 = vector.load %arg3[%get3A_30, %get3A_31] : memref<128x144xf32, #tpu.memory_space<vmem>>, vector<128x144xf32>
    %dot_general3A = arith.constant dense<0.000000e+00> : vector<1024x144xf32>
    %dot_general3A_33 = tpu.matmul %select_n3A_29, %get3A_32, %dot_general3A {dimension_numbers = #tpu.dot_dimension_numbers<[1], [0], [0], [1], [0, 0, 1, 1], [], []>, transpose_lhs_hint = false} : vector<1024x128xf32>, vector<128x144xf32>, vector<1024x144xf32> -> vector<1024x144xf32>
    %get3A_34 = arith.constant 0 : index
    %get3A_35 = arith.constant 0 : index
    %get3A_36 = vector.load %arg4[%get3A_34, %get3A_35] : memref<1x144xf32, #tpu.memory_space<vmem>>, vector<1x144xf32>
    %add3A_37 = vector.broadcast %get3A_36 : vector<1x144xf32> to vector<1024x144xf32>
    %add3A_38 = arith.addf %dot_general3A_33, %add3A_37 : vector<1024x144xf32>
    %swap3A = arith.constant 0 : index
    %swap3A_39 = arith.constant 0 : index
    %swap3A_40 = vector.load %arg5[%swap3A, %swap3A_39] : memref<1024x144xf32, #tpu.memory_space<vmem>>, vector<1024x144xf32>
    tpu.vector_store %arg5[%swap3A, %swap3A_39], %add3A_38 {strides = array<i32>} : memref<1024x144xf32, #tpu.memory_space<vmem>>, vector<1024x144xf32>,
    %slice3A_41 = vector.extract_strided_slice %add3A_38 {offsets = [0, 128], sizes = [1024, 1], strides = [1, 1]} : vector<1024x144xf32> to vector<1024x1xf32>
    %squeeze3A_42 = vector.shape_cast %slice3A_41 : vector<1024x1xf32> to vector<1024xf32>
    %reduce_max3A = vector.shape_cast %squeeze3A_42 : vector<1024xf32> to vector<1x1024xf32>
    %reduce_max3A_43 = arith.constant dense<0xFF800000> : vector<1xf32>
    %reduce_max3A_44 = vector.multi_reduction <maximumf>, %reduce_max3A, %reduce_max3A_43 [1] : vector<1x1024xf32> to vector<1xf32>
    %reduce_max3A_45 = vector.shape_cast %reduce_max3A_44 : vector<1xf32> to vector<1x1xf32>
    %reduce_max3A_46 = vector.extract %reduce_max3A_45[0, 0] : f32 from vector<1x1xf32>
    %reshape3A = vector.broadcast %reduce_max3A_46 : f32 to vector<1x1xf32>
    %eq3A = arith.constant 0 : i32
    %eq3A_47 = arith.cmpi eq, %arg0, %eq3A : i32
    %convert_element_type3A = arith.extui %eq3A_47 : i1 to i32
    %cond3A = arith.constant 0 : i32
    %cond3A_48 = arith.cmpi ne, %convert_element_type3A, %cond3A : i32
    scf.if %cond3A_48 {
      %swap3A_54 = arith.constant 0 : index
      %swap3A_55 = arith.constant 0 : index
      %swap3A_56 = vector.load %arg6[%swap3A_54, %swap3A_55] : memref<1x1xf32, #tpu.memory_space<vmem>>, vector<1x1xf32>
      tpu.vector_store %arg6[%swap3A_54, %swap3A_55], %reshape3A {strides = array<i32>} : memref<1x1xf32, #tpu.memory_space<vmem>>, vector<1x1xf32>,
    } else {
    }
    %gt3A_49 = arith.constant 0 : i32
    %gt3A_50 = arith.cmpi sgt, %arg0, %gt3A_49 : i32
    %convert_element_type3A_51 = arith.extui %gt3A_50 : i1 to i32
    %cond3A_52 = arith.constant 0 : i32
    %cond3A_53 = arith.cmpi ne, %convert_element_type3A_51, %cond3A_52 : i32
    scf.if %cond3A_53 {
      %get3A_54 = arith.constant 0 : index
      %get3A_55 = arith.constant 0 : index
      %get3A_56 = vector.load %arg6[%get3A_54, %get3A_55] : memref<1x1xf32, #tpu.memory_space<vmem>>, vector<1x1xf32>
      %max3A = arith.maximumf %get3A_56, %reshape3A : vector<1x1xf32>
      %swap3A_57 = arith.constant 0 : index
      %swap3A_58 = arith.constant 0 : index
      %swap3A_59 = vector.load %arg6[%swap3A_57, %swap3A_58] : memref<1x1xf32, #tpu.memory_space<vmem>>, vector<1x1xf32>
      tpu.vector_store %arg6[%swap3A_57, %swap3A_58], %max3A {strides = array<i32>} : memref<1x1xf32, #tpu.memory_space<vmem>>, vector<1x1xf32>,
    } else {
    }
    return
  }
  func.func @transform_0(%arg0: i32) -> (i32, i32, i32) {
    %c0_i32 = arith.constant 0 : i32
    %c0_i32_0 = arith.constant 0 : i32
    %c0_i32_1 = arith.constant 0 : i32
    return %c0_i32, %arg0, %c0_i32_0 : i32, i32, i32
  }
  func.func @transform_1(%arg0: i32) -> (i32, i32, i32) {
    %c0_i32 = arith.constant 0 : i32
    %c0_i32_0 = arith.constant 0 : i32
    %c0_i32_1 = arith.constant 0 : i32
    return %c0_i32, %arg0, %c0_i32_0 : i32, i32, i32
  }
  func.func @transform_2(%arg0: i32) -> (i32, i32) {
    %c0_i32 = arith.constant 0 : i32
    %c0_i32_0 = arith.constant 0 : i32
    %c0_i32_1 = arith.constant 0 : i32
    return %c0_i32, %c0_i32_0 : i32, i32
  }
  func.func @transform_3(%arg0: i32) -> (i32, i32) {
    %c0_i32 = arith.constant 0 : i32
    %c0_i32_0 = arith.constant 0 : i32
    %c0_i32_1 = arith.constant 0 : i32
    return %c0_i32, %c0_i32_0 : i32, i32
  }
  func.func @transform_4(%arg0: i32) -> (i32, i32) {
    %c0_i32 = arith.constant 0 : i32
    %c0_i32_0 = arith.constant 0 : i32
    return %arg0, %c0_i32 : i32, i32
  }
  func.func @transform_5(%arg0: i32) -> (i32, i32) {
    %c0_i32 = arith.constant 0 : i32
    %c0_i32_0 = arith.constant 0 : i32
    %c0_i32_1 = arith.constant 0 : i32
    return %c0_i32, %c0_i32_0 : i32, i32
  }
}

module attributes {stable_mosaic.version = 14 : i64} {
  func.func @_final_body(%arg0: i32, %arg1: memref<2x1024x128xf32, #tpu.memory_space<vmem>>, %arg2: memref<2x1024x1xf32, #tpu.memory_space<vmem>>, %arg3: memref<128x128xf32, #tpu.memory_space<vmem>>, %arg4: memref<128x128xf32, #tpu.memory_space<vmem>>, %arg5: memref<1x128xf32, #tpu.memory_space<vmem>>, %arg6: memref<1x128xf32, #tpu.memory_space<vmem>>, %arg7: memref<1x128xf32, #tpu.memory_space<vmem>>, %arg8: memref<1x128xf32, #tpu.memory_space<vmem>>) attributes {dimension_semantics = [#tpu.dimension_semantics<arbitrary>], iteration_bounds = array<i64: 10>, scalar_prefetch = 0 : i64, scratch_operands = 1 : i64, tpu.core_type = #tpu.core_type<tc>, window_params = [{transform_indices = @transform_0, window_bounds = array<i64: 2, 1024, 128>}, {transform_indices = @transform_1, window_bounds = array<i64: 2, 1024, 1>}, {pipeline_mode = #tpu.pipeline_mode<synchronous>, transform_indices = @transform_2, window_bounds = array<i64: 128, 128>}, {pipeline_mode = #tpu.pipeline_mode<synchronous>, transform_indices = @transform_3, window_bounds = array<i64: 128, 128>}, {pipeline_mode = #tpu.pipeline_mode<synchronous>, transform_indices = @transform_4, window_bounds = array<i64: 1, 128>}, {pipeline_mode = #tpu.pipeline_mode<synchronous>, transform_indices = @transform_5, window_bounds = array<i64: 1, 128>}, {pipeline_mode = #tpu.pipeline_mode<synchronous>, transform_indices = @transform_6, window_bounds = array<i64: 1, 128>}]} {
    %get3A = arith.constant 0 : index
    %get3A_0 = arith.constant 0 : index
    %get3A_1 = arith.constant 0 : index
    %get3A_2 = vector.load %arg1[%get3A, %get3A_0, %get3A_1] : memref<2x1024x128xf32, #tpu.memory_space<vmem>>, vector<2x1024x128xf32>
    %get3A_3 = arith.constant 0 : index
    %get3A_4 = arith.constant 0 : index
    %get3A_5 = arith.constant 0 : index
    %get3A_6 = vector.load %arg2[%get3A_3, %get3A_4, %get3A_5] : memref<2x1024x1xf32, #tpu.memory_space<vmem>>, vector<2x1024x1xf32>
    %slice3A = vector.extract_strided_slice %get3A_2 {offsets = [0, 0, 0], sizes = [1, 1024, 128], strides = [1, 1, 1]} : vector<2x1024x128xf32> to vector<1x1024x128xf32>
    %squeeze3A = vector.shape_cast %slice3A : vector<1x1024x128xf32> to vector<1024x128xf32>
    %slice3A_7 = vector.extract_strided_slice %get3A_2 {offsets = [1, 0, 0], sizes = [1, 1024, 128], strides = [1, 1, 1]} : vector<2x1024x128xf32> to vector<1x1024x128xf32>
    %squeeze3A_8 = vector.shape_cast %slice3A_7 : vector<1x1024x128xf32> to vector<1024x128xf32>
    %add3A = arith.addf %squeeze3A, %squeeze3A_8 : vector<1024x128xf32>
    %slice3A_9 = vector.extract_strided_slice %get3A_6 {offsets = [0, 0, 0], sizes = [1, 1024, 1], strides = [1, 1, 1]} : vector<2x1024x1xf32> to vector<1x1024x1xf32>
    %squeeze3A_10 = vector.shape_cast %slice3A_9 : vector<1x1024x1xf32> to vector<1024x1xf32>
    %slice3A_11 = vector.extract_strided_slice %get3A_6 {offsets = [1, 0, 0], sizes = [1, 1024, 1], strides = [1, 1, 1]} : vector<2x1024x1xf32> to vector<1x1024x1xf32>
    %squeeze3A_12 = vector.shape_cast %slice3A_11 : vector<1x1024x1xf32> to vector<1024x1xf32>
    %add3A_13 = arith.addf %squeeze3A_10, %squeeze3A_12 : vector<1024x1xf32>
    %gt3A = arith.constant 0.000000e+00 : f32
    %gt3A_14 = vector.broadcast %gt3A : f32 to vector<1024x1xf32>
    %gt3A_15 = arith.cmpf ogt, %add3A_13, %gt3A_14 : vector<1024x1xf32>
    %gt3A_16 = arith.constant 0.000000e+00 : f32
    %gt3A_17 = vector.broadcast %gt3A_16 : f32 to vector<1024x1xf32>
    %gt3A_18 = arith.cmpf ogt, %add3A_13, %gt3A_17 : vector<1024x1xf32>
    %jit3A = arith.constant 1.000000e+00 : f32
    %broadcast_in_dim3A = vector.broadcast %jit3A : f32 to vector<1024x1xf32>
    %select_n3A = arith.select %gt3A_18, %add3A_13, %broadcast_in_dim3A : vector<1024x1xi1>, vector<1024x1xf32>
    %div3A = vector.broadcast %select_n3A : vector<1024x1xf32> to vector<1024x128xf32>
    %div3A_19 = arith.divf %add3A, %div3A : vector<1024x128xf32>
    %jit3A_20 = arith.constant 0.000000e+00 : f32
    %broadcast_in_dim3A_21 = vector.shape_cast %gt3A_15 : vector<1024x1xi1> to vector<1024x1xi1>
    %broadcast_in_dim3A_22 = vector.broadcast %broadcast_in_dim3A_21 : vector<1024x1xi1> to vector<1024x128xi1>
    %broadcast_in_dim3A_23 = vector.broadcast %jit3A_20 : f32 to vector<1024x128xf32>
    %select_n3A_24 = arith.select %broadcast_in_dim3A_22, %div3A_19, %broadcast_in_dim3A_23 : vector<1024x128xi1>, vector<1024x128xf32>
    %ge3A = arith.constant 0.000000e+00 : f32
    %ge3A_25 = vector.broadcast %ge3A : f32 to vector<1024x128xf32>
    %ge3A_26 = arith.cmpf oge, %select_n3A_24, %ge3A_25 : vector<1024x128xf32>
    %mul3A = arith.constant 0.00999999977 : f32
    %mul3A_27 = vector.broadcast %mul3A : f32 to vector<1024x128xf32>
    %mul3A_28 = arith.mulf %mul3A_27, %select_n3A_24 : vector<1024x128xf32>
    %select_n3A_29 = arith.select %ge3A_26, %select_n3A_24, %mul3A_28 : vector<1024x128xi1>, vector<1024x128xf32>
    %reduce_sum3A = arith.constant dense<0.000000e+00> : vector<128xf32>
    %reduce_sum3A_30 = vector.multi_reduction <add>, %select_n3A_29, %reduce_sum3A [0] : vector<1024x128xf32> to vector<128xf32>
    %broadcast_in_dim3A_31 = vector.shape_cast %reduce_sum3A_30 : vector<128xf32> to vector<1x128xf32>
    %eq3A = arith.constant 0 : i32
    %eq3A_32 = arith.cmpi eq, %arg0, %eq3A : i32
    %convert_element_type3A = arith.extui %eq3A_32 : i1 to i32
    %cond3A = arith.constant 0 : i32
    %cond3A_33 = arith.cmpi ne, %convert_element_type3A, %cond3A : i32
    scf.if %cond3A_33 {
      %swap3A = arith.constant 0 : index
      %swap3A_44 = arith.constant 0 : index
      %swap3A_45 = vector.load %arg8[%swap3A, %swap3A_44] : memref<1x128xf32, #tpu.memory_space<vmem>>, vector<1x128xf32>
      tpu.vector_store %arg8[%swap3A, %swap3A_44], %broadcast_in_dim3A_31 {strides = array<i32>} : memref<1x128xf32, #tpu.memory_space<vmem>>, vector<1x128xf32>,
    } else {
    }
    %gt3A_34 = arith.constant 0 : i32
    %gt3A_35 = arith.cmpi sgt, %arg0, %gt3A_34 : i32
    %convert_element_type3A_36 = arith.extui %gt3A_35 : i1 to i32
    %cond3A_37 = arith.constant 0 : i32
    %cond3A_38 = arith.cmpi ne, %convert_element_type3A_36, %cond3A_37 : i32
    scf.if %cond3A_38 {
      %get3A_44 = arith.constant 0 : index
      %get3A_45 = arith.constant 0 : index
      %get3A_46 = vector.load %arg8[%get3A_44, %get3A_45] : memref<1x128xf32, #tpu.memory_space<vmem>>, vector<1x128xf32>
      %add3A_47 = arith.addf %get3A_46, %broadcast_in_dim3A_31 : vector<1x128xf32>
      %swap3A = arith.constant 0 : index
      %swap3A_48 = arith.constant 0 : index
      %swap3A_49 = vector.load %arg8[%swap3A, %swap3A_48] : memref<1x128xf32, #tpu.memory_space<vmem>>, vector<1x128xf32>
      tpu.vector_store %arg8[%swap3A, %swap3A_48], %add3A_47 {strides = array<i32>} : memref<1x128xf32, #tpu.memory_space<vmem>>, vector<1x128xf32>,
    } else {
    }
    %eq3A_39 = arith.constant 9 : i32
    %eq3A_40 = arith.cmpi eq, %arg0, %eq3A_39 : i32
    %convert_element_type3A_41 = arith.extui %eq3A_40 : i1 to i32
    %cond3A_42 = arith.constant 0 : i32
    %cond3A_43 = arith.cmpi ne, %convert_element_type3A_41, %cond3A_42 : i32
    scf.if %cond3A_43 {
      %get3A_44 = arith.constant 0 : index
      %get3A_45 = arith.constant 0 : index
      %get3A_46 = vector.load %arg8[%get3A_44, %get3A_45] : memref<1x128xf32, #tpu.memory_space<vmem>>, vector<1x128xf32>
      %get3A_47 = arith.constant 0 : index
      %get3A_48 = arith.constant 0 : index
      %get3A_49 = vector.load %arg3[%get3A_47, %get3A_48] : memref<128x128xf32, #tpu.memory_space<vmem>>, vector<128x128xf32>
      %dot_general3A = arith.constant dense<0.000000e+00> : vector<1x128xf32>
      %dot_general3A_50 = tpu.matmul %get3A_46, %get3A_49, %dot_general3A {dimension_numbers = #tpu.dot_dimension_numbers<[1], [0], [0], [1], [0, 0, 1, 1], [], []>, transpose_lhs_hint = false} : vector<1x128xf32>, vector<128x128xf32>, vector<1x128xf32> -> vector<1x128xf32>
      %get3A_51 = arith.constant 0 : index
      %get3A_52 = arith.constant 0 : index
      %get3A_53 = vector.load %arg5[%get3A_51, %get3A_52] : memref<1x128xf32, #tpu.memory_space<vmem>>, vector<1x128xf32>
      %get3A_54 = arith.constant 0 : index
      %get3A_55 = arith.constant 0 : index
      %get3A_56 = vector.load %arg4[%get3A_54, %get3A_55] : memref<128x128xf32, #tpu.memory_space<vmem>>, vector<128x128xf32>
      %dot_general3A_57 = arith.constant dense<0.000000e+00> : vector<1x128xf32>
      %dot_general3A_58 = tpu.matmul %get3A_53, %get3A_56, %dot_general3A_57 {dimension_numbers = #tpu.dot_dimension_numbers<[1], [0], [0], [1], [0, 0, 1, 1], [], []>, transpose_lhs_hint = false} : vector<1x128xf32>, vector<128x128xf32>, vector<1x128xf32> -> vector<1x128xf32>
      %add3A_59 = arith.addf %dot_general3A_50, %dot_general3A_58 : vector<1x128xf32>
      %get3A_60 = arith.constant 0 : index
      %get3A_61 = arith.constant 0 : index
      %get3A_62 = vector.load %arg6[%get3A_60, %get3A_61] : memref<1x128xf32, #tpu.memory_space<vmem>>, vector<1x128xf32>
      %add3A_63 = arith.addf %add3A_59, %get3A_62 : vector<1x128xf32>
      %swap3A = arith.constant 0 : index
      %swap3A_64 = arith.constant 0 : index
      %swap3A_65 = vector.load %arg7[%swap3A, %swap3A_64] : memref<1x128xf32, #tpu.memory_space<vmem>>, vector<1x128xf32>
      tpu.vector_store %arg7[%swap3A, %swap3A_64], %add3A_63 {strides = array<i32>} : memref<1x128xf32, #tpu.memory_space<vmem>>, vector<1x128xf32>,
    } else {
    }
    return
  }
  func.func @transform_0(%arg0: i32) -> (i32, i32, i32) {
    %c0_i32 = arith.constant 0 : i32
    %c0_i32_0 = arith.constant 0 : i32
    %c0_i32_1 = arith.constant 0 : i32
    return %c0_i32, %arg0, %c0_i32_0 : i32, i32, i32
  }
  func.func @transform_1(%arg0: i32) -> (i32, i32, i32) {
    %c0_i32 = arith.constant 0 : i32
    %c0_i32_0 = arith.constant 0 : i32
    %c0_i32_1 = arith.constant 0 : i32
    return %c0_i32, %arg0, %c0_i32_0 : i32, i32, i32
  }
  func.func @transform_2(%arg0: i32) -> (i32, i32) {
    %c0_i32 = arith.constant 0 : i32
    %c0_i32_0 = arith.constant 0 : i32
    %c0_i32_1 = arith.constant 0 : i32
    return %c0_i32, %c0_i32_0 : i32, i32
  }
  func.func @transform_3(%arg0: i32) -> (i32, i32) {
    %c0_i32 = arith.constant 0 : i32
    %c0_i32_0 = arith.constant 0 : i32
    %c0_i32_1 = arith.constant 0 : i32
    return %c0_i32, %c0_i32_0 : i32, i32
  }
  func.func @transform_4(%arg0: i32) -> (i32, i32) {
    %c0_i32 = arith.constant 0 : i32
    %c0_i32_0 = arith.constant 0 : i32
    %c0_i32_1 = arith.constant 0 : i32
    return %c0_i32, %c0_i32_0 : i32, i32
  }
  func.func @transform_5(%arg0: i32) -> (i32, i32) {
    %c0_i32 = arith.constant 0 : i32
    %c0_i32_0 = arith.constant 0 : i32
    %c0_i32_1 = arith.constant 0 : i32
    return %c0_i32, %c0_i32_0 : i32, i32
  }
  func.func @transform_6(%arg0: i32) -> (i32, i32) {
    %c0_i32 = arith.constant 0 : i32
    %c0_i32_0 = arith.constant 0 : i32
    %c0_i32_1 = arith.constant 0 : i32
    return %c0_i32, %c0_i32_0 : i32, i32
  }
}

</mosaic_0001>

<sc_bundles>
// kernel: kernel.12.cloned.1.call-start
scs
__scs_entry_jumppad:
0x0: {  	(pc) =	sbr.rel $0x88, $3  }
0x1: {  	(tag) =	ssettag $0x0;
	lr =	simm.s32 $0x1  }
0x2: {  	[smem:$0x3F96] =	sst lr;
	_ =	strace $0xD0000000  }
0x3: {  	_ = 	snop  }
0x4: {  	_ = 	snop  }
0x5: {  	_ = 	snop  }
0x6: {  	_ = 	snop  }
0x7: {  	_ = 	snop  }
__scs_overlays_trampoline_lowered:
0x8: {  	[smem:$0x3FA5] =	sst s0  }
0x9: {  	[smem:$0x3FA6] =	sst s1  }
0xa: {  	[smem:$0x3FA7] =	sst s2  }
0xb: {  	[smem:$0x3FA8] =	sst s3  }
0xc: {  	[smem:$0x3FA9] =	sst s4  }
0xd: {  	[smem:$0x3FAA] =	sst s5  }
0xe: {  	[smem:$0x3FAB] =	sst s6  }
0xf: {  	[smem:$0x3FAC] =	sst s7  }
0x10: {  	[smem:$0x3FAD] =	sst s8  }
0x11: {  	[smem:$0x3FAE] =	sst s9;
	s0 =	simm.s32 @!p0 $0x0  }
0x12: {  	s1 =	sld [smem:$0x3F94];
	s0 =	simm.s32 @p0 $0x1  }
0x13: {  	[smem:$0x3FAF] =	sst s0;
	s0 =	simm.s32 @!p1 $0x0  }
0x14: {  	s2 =	sld [smem:$0x3F93];
	s0 =	simm.s32 @p1 $0x1  }
0x15: {  	[smem:$0x3FB0] =	sst s0;
	s0 =	simm.s32 @!p2 $0x0  }
0x16: {  	s3 =	sld [smem:$0x3FDB];
	s0 =	simm.s32 @p2 $0x1  }
0x17: {  	s4 =	simm.s32 $0x1BF5;
	[smem:$0x3FB2] =	sst s0  }
0x18: {  	s0 =	sld [smem:$0x3F95];
	_ =	swait.ge [sflag:s4], $0x0  }
0x19: {  	s7 =	sld [smem:$0x3F96]  }
0x1a: {  	s8 =	sadd.s32 $0xFFFFE003, lr  }
0x1b: {  	s9 =	sadd.s32 $0xFFFFFEF7, lr;
	s5 =	simm.s32 $0xFFFFFFFF;
	p2 =	slt.u32 s8, $0xFFFFF086  }
0x1c: {  	p1 =	slt.u32 s9, $0xF7A;
	s5 =	simm.s32 @!p2 $0x0  }
0x1d: {  	s5 =	simm.s32 @p1 $0x1;
	p0 =	seq.s32 s7, s2  }
0x1e: {  	s7 =	smul.u32 @!p0 $0xF7A, s2;
	p2 =	seq.s32 @!p0 s5, $0x0  }
0x1f: {  	s9 =	smul.u32 $0xF7A, s1;
	s8 =	simm.s32 @!p0 $0x1BF5;
	p2 =	por !p2, p0  }
0x20: {  	[sflag:s8] =	ssyncset.s32 @!p0 $0xFFFFF086;
	s6 =	sadd.s32 @!p0 s3, s7;
	s7 =	simm.s32 @!p0 $0x108  }
0x21: {  	s3 =	sadd.s32 s3, s9;
	s6 =	sadd.s32 @!p0 $0x88, s6;
	s7 =	simm.s32 @p2 $0x1082  }
0x22: {  	[simem:s7], [sflag:s8] =	dma.local @!p0 [hbm:s6], $0xF7A  }
0x23: {  	s9 =	sor.u32 $0xD0000000, s2;
	s6 =	simm.s32 $0x108;
	_ =	swait.ge @!p0 [sflag:s8], $0x0  }
0x24: {  	s3 =	sadd.s32 $0x88, s3;
	s6 =	simm.s32 @!p1 $0x1082;
	[sflag:s4] =	ssyncset.s32 $0xFFFFF086  }
0x25: {  	[simem:s6], [sflag:s4] =	dma.local [hbm:s3], $0xF7A  }
0x26: {  	[smem:$0x3F96] =	sst s1;
	(tag) =	ssettag s2;
	_ =	strace s9  }
0x27: {  	s1 =	sld [smem:$0x3FA6]  }
0x28: {  	s2 =	sld [smem:$0x3FA7]  }
0x29: {  	s4 =	sld [smem:$0x3FA9]  }
0x2a: {  	p0 =	seq.s32 s5, $0x0;
	s5 =	sld [smem:$0x3FAA]  }
0x2b: {  	s6 =	sld [smem:$0x3FAB]  }
0x2c: {  	s7 =	sld [smem:$0x3FAC]  }
0x2d: {  	s3 =	simm.s32 $0x108;
	s8 =	sld [smem:$0x3FAD]  }
0x2e: {  	s3 =	simm.s32 @!p0 $0x1082;
	s9 =	sld [smem:$0x3FAE]  }
0x2f: {  	lr =	sadd.s32 s0, s3;
	s0 =	sld [smem:$0x3FA5]  }
0x30: {  	s3 =	sld [smem:$0x3FA8]  }
0x31: {  	[smem:$0x3FB1] =	sst s10  }
0x32: {  	s10 =	sld [smem:$0x3FAF];
	_ =	sdelay $0x3  }
0x33: {  	p0 =	seq.s32 s10, $0x1;
	s10 =	sld [smem:$0x3FB1];
	_ =	sdelay $0x3  }
0x34: {  	[smem:$0x3FB1] =	sst s10  }
0x35: {  	s10 =	sld [smem:$0x3FB0];
	_ =	sdelay $0x3  }
0x36: {  	p1 =	seq.s32 s10, $0x1;
	s10 =	sld [smem:$0x3FB1];
	_ =	sdelay $0x3  }
0x37: {  	[smem:$0x3FB1] =	sst s10  }
0x38: {  	s10 =	sld [smem:$0x3FB2]  }
0x39: {  	_ = 	snop;
	(pc) =	sbr.ind lr, $3  }
0x3a: {  	_ = 	snop  }
0x3b: {  	_ = 	snop  }
0x3c: {  	p2 =	seq.s32 s10, $0x1;
	s10 =	sld [smem:$0x3FB1]  }
0x3d: {  	_ =	shalt  }
0x3e: {  	_ =	shalt  }
0x3f: {  	_ =	shalt  }
0x40: {  	_ =	shalt  }
0x41: {  	_ =	shalt  }
0x42: {  	_ =	shalt  }
0x43: {  	_ =	shalt  }
0x44: {  	_ =	shalt  }
0x45: {  	_ =	shalt  }
0x46: {  	_ =	shalt  }
0x47: {  	_ =	shalt  }
0x48: {  	_ =	shalt  }
0x49: {  	_ =	shalt  }
0x4a: {  	_ =	shalt  }
0x4b: {  	_ =	shalt  }
0x4c: {  	_ =	shalt  }
0x4d: {  	_ =	shalt  }
0x4e: {  	_ =	shalt  }
0x4f: {  	_ =	shalt  }
0x50: {  	_ =	shalt  }
0x51: {  	_ =	shalt  }
0x52: {  	_ =	shalt  }
0x53: {  	_ =	shalt  }
0x54: {  	_ =	shalt  }
0x55: {  	_ =	shalt  }
0x56: {  	_ =	shalt  }
0x57: {  	_ =	shalt  }
0x58: {  	_ =	shalt  }
0x59: {  	_ =	shalt  }
0x5a: {  	_ =	shalt  }
0x5b: {  	_ =	shalt  }
0x5c: {  	_ =	shalt  }
0x5d: {  	_ =	shalt  }
0x5e: {  	_ =	shalt  }
0x5f: {  	_ =	shalt  }
0x60: {  	_ =	shalt  }
0x61: {  	_ =	shalt  }
0x62: {  	_ =	shalt  }
0x63: {  	_ =	shalt  }
0x64: {  	_ =	shalt  }
0x65: {  	_ =	shalt  }
0x66: {  	_ =	shalt  }
0x67: {  	_ =	shalt  }
0x68: {  	_ =	shalt  }
0x69: {  	_ =	shalt  }
0x6a: {  	_ =	shalt  }
0x6b: {  	_ =	shalt  }
0x6c: {  	_ =	shalt  }
0x6d: {  	_ =	shalt  }
0x6e: {  	_ =	shalt  }
0x6f: {  	_ =	shalt  }
0x70: {  	_ =	shalt  }
0x71: {  	_ =	shalt  }
0x72: {  	_ =	shalt  }
0x73: {  	_ =	shalt  }
0x74: {  	_ =	shalt  }
0x75: {  	_ =	shalt  }
0x76: {  	_ =	shalt  }
0x77: {  	_ =	shalt  }
0x78: {  	_ =	shalt  }
0x79: {  	_ =	shalt  }
0x7a: {  	_ =	shalt  }
0x7b: {  	_ =	shalt  }
0x7c: {  	_ =	shalt  }
0x7d: {  	_ =	shalt  }
0x7e: {  	_ =	shalt  }
0x7f: {  	_ =	shalt  }
0x80: {  	_ =	shalt  }
0x81: {  	_ =	shalt  }
0x82: {  	_ =	shalt  }
0x83: {  	_ =	shalt  }
0x84: {  	_ =	shalt  }
0x85: {  	_ =	shalt  }
0x86: {  	_ =	shalt  }
0x87: {  	_ =	shalt  }
.Lfunc_end0:
.L_simem_size_0:
called_computation.1_lowered:
.L_overlay_start_0:
0x88: {  	s2 =	sld [smem:$0x3FD9]  }
0x89: {  	s3 =	sld [smem:$0x3FFE];
	_ =	sdelay $0x1  }
0x8a: {  	s1 =	srdreg.scid  }
0x8b: {  	s0 =	sand.u32 $0x1, s1  }
0x8c: {  	s16 =	sshll.u32 s0, $0xA;
	s2 =	sadd.s32 s3, s2  }
0x8d: {  	s2 =	sadd.s32 s2, s16  }
0x8e: {  	[smem:$0x3FBD] =	sst s2  }
0x8f: {  	_ = 	snop  }
0x90: {  	(tm) =	ssettm $0x1  }
0x91: {  	s17 =	sld [smem:$0x3FFB];
	_ =	sdelay $0x3  }
0x92: {  	_ =	strace s17  }
0x93: {  	s2 =	sld [smem:$0x3FFC];
	_ =	sdelay $0x3  }
0x94: {  	_ =	strace s2  }
0x95: {  	s2 =	sld [smem:$0x3FFD];
	_ =	sdelay $0x3  }
0x96: {  	_ =	strace s2  }
0x97: {  	_ =	strace $0x8FFFFFFF  }
0x98: {  	s18 =	sld [smem:$0x3FDB];
	_ =	sdelay $0x1  }
0x99: {  	s19 =	simm.s32 $_scs_section_size  }
0x9a: {  	s4 =	simm.s32 $_size__tile_overlayer_lowered;
	s5 =	simm.s32 $_tile_overlayer_lowered  }
0x9b: {  	s22 =	simm.s32 $0x1BFF;
	s21 =	sshll.u32 s5, $0x1;
	s2 =	sadd.s32 s19, s18  }
0x9c: {  	s6 =	simm.s32 $0x0;
	s20 =	sshll.u32 s4, $0x1;
	s4 =	sadd.s32 s21, s2  }
0x9d: {  	[timem:s6], [sflag:s22] =	dma.local [hbm:s4], s20  }
0x9e: {  	_ =	swait.ge [sflag:s22], s20  }
0x9f: {  	s3 =	ssub.s32 $0x0, s20;
	[sflag:s22] =	ssyncset.done $0x0  }
0xa0: {  	[sflag:s22] =	ssyncadd.s32 s3;
	_ =	sdelay $0x1  }
0xa1: {  	s23 =	simm.s32 $0x1B8B  }
0xa2: {  	_ =	swait.ge [sflag:s23], $0x1  }
0xa3: {  	[sflag:s23] =	ssyncset.done $0x0  }
0xa4: {  	s25 =	simm.s32 $0x1B8E;
	s24 =	sld [smem:$0x3FFE];
	[sflag:s23] =	ssyncadd.s32 $0xFFFFFFFF  }
0xa5: {  	s26 =	simm.s32 $execute0_lowered;
	[smem:$0x3FD2] =	sst s25  }
0xa6: {  	s4 =	sshll.u32 s26, $0x1;
	_ =	strace $0x80000049;
	[dreg:$0x1] =	wrdreg $0xFFFFFFFF  }
0xa7: {  	s28 =	simm.s32 $_size_execute0_lowered;
	s2 =	sadd.s32 s2, s4;
	[dreg:$0x0] =	wrdreg $0x0  }
0xa8: {  	s4 =	sshll.u32 s28, $0x1;
	[dreg:$0x2] =	wrdreg s2  }
0xa9: {  	[dreg:$0x3] =	wrdreg s4  }
0xaa: {  	[dreg:$0x4] =	wrdreg $0xC0  }
0xab: {  	_ =	task [dreg:s6], $0x5FFFF  }
0xac: {  	[dreg:$0x1] =	wrdreg $0xFFFFFFFF  }
0xad: {  	[dreg:$0x0] =	wrdreg $0x60  }
0xae: {  	[dreg:$0x2] =	wrdreg s24  }
0xaf: {  	[dreg:$0x3] =	wrdreg $0xA9000  }
0xb0: {  	[dreg:$0x4] =	wrdreg $0x1E9000  }
0xb1: {  	[dreg:$0x5] =	wrdreg $0x9  }
0xb2: {  	_ =	task.clear_ibuf [dreg:s6], $0x6FFFF;
	_ =	strace $0x90000049  }
0xb3: {  	s29 =	simm.s32 $0x9;
	_ =	strace $0x8000004B  }
0xb4: {  	_ =	swait.ge [sflag:s29], $0x1  }
0xb5: {  	[sflag:s29] =	ssyncadd.s32 $0xFFFFFFFF  }
0xb6: {  	_ =	strace $0x9000004B  }
0xb7: {  	_ =	sfence  }
0xb8: {  	s30 =	sld [smem:$0x0];
	_ =	sdelay $0x2  }
0xb9: {  	s31 =	sshll.u32 s1, $0xD;
	s1 =	sshrl.u32 s1, $0x2  }
0xba: {  	s3 =	sand.u32 $0x4000, s31;
	s1 =	sadd.s32 s1, s30  }
0xbb: {  	s0 =	sor.u32 s3, s0;
	s1 =	sshll.u32 s1, $0x11  }
0xbc: {  	s0 =	sor.u32 s1, s0  }
0xbd: {  	s0 =	sadd.s32 $0x8F2B, s0  }
0xbe: {  	[sflag:s0] =	ssyncadd.remote.s32 $0x1  }
0xbf: {  	_ =	sfence.sel $0xFFFF  }
0xc0: {  	[dreg:$0x0] =	wrdreg $0xFFFFFFFF;
	(pc) =	sbr.abs _section_cstart, $3  }
0xc1: {  	[dreg:$0x1] =	wrdreg $0xFFFFFFFF  }
0xc2: {  	_ =	task.clear_ibuf [dreg:s6], $0x2FFFF;
	_ =	strace $0x9FFFFFFF  }
0xc3: {  	(tm) =	ssettm $0x7FFFFFFF  }
tec
execute0_lowered:
.L_overlay_start_1:
0x0: {  	(tag) =	ssettag $0x1  }
0x1: {  	s0 =	rddreg [dreg:$0x0]  }
0x2: {  	s1 =	rddreg [dreg:$0x1]  }
0x3: {  	s2 =	rddreg [dreg:$0x2];
	s4 =	simm.s32 $0x0;
	s3 =	srdreg.scid  }
0x4: {  	s20 =	stileid.u32;
	[smem:$0x7FF] =	sst s4  }
0x5: {  	s3 =	sand.u32 $0x1, s3;
	s5 =	sadd.s32 $0x15E00, s0;
	s9 =	smul.u32 $0x14000, s20  }
0x6: {  	s6 =	sadd.s32 $0x3DE00, s0;
	s11 =	sadd.s32 $0x1E00, s0;
	s22 =	smul.u32 $0x500, s20  }
0x7: {  	s12 =	sadd.s32 $0xBE00, s0;
	s7 =	sadd.s32 $0x3E400, s0;
	s14 =	smul.u32 $0x50000, s20  }
0x8: {  	s10 =	sadd.s32 $0x3E800, s0;
	s26 =	sshll.u32 s20, $0x6;
	s8 =	smul.u32 $0x140000, s3  }
0x9: {  	_ =	strace $0x8000004A;
	[dreg:$0x4] =	wrdreg s10;
	s23 =	sshll.u32 s3, $0x7  }
0xa: {  	s24 =	ssub.s32 $0x2, s3;
	s3 =	sshll.u32 s3, $0x4;
	s10 =	sor.u32 $0x1C03, s26  }
0xb: {  	s13 =	sshrl.u32 s24, $0x1;
	s3 =	sor.u32 s20, s3;
	s25 =	sshrl.u32 s14, $0x2  }
0xc: {  	s20 =	smul.u32 $0xA00, s20;
	s8 =	sadd.s32 s9, s8;
	s9 =	sor.u32 s23, s22  }
0xd: {  	s13 =	ssub.s32 s24, s13;
	s3 =	smul.u32 $0x2800, s3;
	s8 =	sshrl.u32 s8, $0x3  }
0xe: {  	s9 =	sshrl.u32 s9, $0x3;
	s13 =	smax.u32 s13, $0x1;
	s8 =	sadd.s32 s8, s0  }
0xf: {  	s0 =	sadd.s32 s9, s0;
	s9 =	sadd.s32 s25, s1;
	s3 =	sshrl.u32 s3, $0x3  }
0x10: {  	[dreg:$0xc] =	wrdreg s13;
	s13 =	simm.s32 $0x80;
	s28 =	sadd.s32 $0x1400, s9  }
0x11: {  	s15 =	sadd.s32 $0x2800, s9;
	s16 =	sadd.s32 $0x3C00, s9;
	s22 =	sadd.s32 s11, s3  }
0x12: {  	s21 =	sadd.s32 $0x280, s3;
	s3 =	sadd.s32 s12, s3;
	[dreg:$0x5] =	wrdreg s22  }
0x13: {  	s17 =	sadd.s32 $0x5000, s9;
	s8 =	sadd.s32 $0x3F400, s8;
	[dreg:$0x6] =	wrdreg s3  }
0x14: {  	s18 =	sadd.s32 $0x6400, s9;
	s0 =	sadd.s32 $0x3EA00, s0;
	[dreg:$0xa] =	wrdreg s8  }
0x15: {  	s19 =	sadd.s32 $0x7800, s9;
	s29 =	sadd.s32 s11, s21;
	[dreg:$0xb] =	wrdreg s0  }
0x16: {  	s31 =	sadd.s32 $0x8C00, s9;
	s30 =	sadd.s32 s12, s21;
	[dreg:$0x7] =	wrdreg s29  }
0x17: {  	s23 =	sadd.s32 $0xC800, s9;
	s14 =	sshrl.u32 s28, $0x3;
	[dreg:$0x8] =	wrdreg s30  }
0x18: {  	s24 =	sadd.s32 $0xDC00, s9;
	s15 =	sshrl.u32 s15, $0x3;
	[dreg:$0xd] =	wrdreg s14  }
0x19: {  	s25 =	sadd.s32 $0xF000, s9;
	s16 =	sshrl.u32 s16, $0x3;
	[dreg:$0xe] =	wrdreg s15  }
0x1a: {  	s12 =	sshrl.u32 s20, $0x2;
	s17 =	sshrl.u32 s17, $0x3;
	[dreg:$0xf] =	wrdreg s16  }
0x1b: {  	s18 =	sshrl.u32 s18, $0x3;
	s19 =	sshrl.u32 s19, $0x3;
	[dreg:$0x10] =	wrdreg s17  }
0x1c: {  	s20 =	sadd.s32 $0xA000, s9;
	s21 =	sadd.s32 $0xB400, s9;
	[dreg:$0x11] =	wrdreg s18  }
0x1d: {  	s3 =	sshrl.u32 s31, $0x3;
	s26 =	sshrl.u32 s24, $0x3;
	[dreg:$0x12] =	wrdreg s19  }
0x1e: {  	s28 =	sshrl.u32 s25, $0x3;
	s31 =	sadd.s32 $0x12C00, s9;
	[dreg:$0x13] =	wrdreg s3  }
0x1f: {  	s11 =	sadd.s32 s12, s2;
	s0 =	sshrl.u32 s20, $0x3;
	[dreg:$0x17] =	wrdreg s26  }
0x20: {  	s22 =	sshrl.u32 s21, $0x3;
	[dreg:$0x18] =	wrdreg s28;
	s29 =	sadd.s32 $0x10400, s9  }
0x21: {  	s30 =	sadd.s32 $0x11800, s9;
	s8 =	sshrl.u32 s31, $0x3;
	s12 =	simm.s32 $0x1400  }
0x22: {  	s14 =	simm.s32 $0x2800;
	s15 =	simm.s32 $0xA800;
	s16 =	simm.s32 $0x6800  }
0x23: {  	s17 =	simm.s32 $0xA880;
	s18 =	simm.s32 $0x1;
	[dreg:$0x9] =	wrdreg s11  }
0x24: {  	s19 =	simm.s32 $0x2;
	s20 =	simm.s32 $0x1380;
	[dreg:$0x14] =	wrdreg s0  }
0x25: {  	s21 =	simm.s32 $0x2700;
	[dreg:$0x15] =	wrdreg s22;
	s0 =	sshrl.u32 s23, $0x3  }
0x26: {  	s3 =	sshrl.u32 s30, $0x3;
	s11 =	simm.s32 $0x3;
	s22 =	simm.s32 $0x2780  }
0x27: {  	s23 =	simm.s32 $0x0;
	[dreg:$0x16] =	wrdreg s0;
	s0 =	sshrl.u32 s29, $0x3  }
.LBB2_1:
0x28: {  	s24 =	sshrl.u32 s9, $0x3  }
0x29: {  	[spmem:s24], [sflag:s10] =	dma.local [hbm:s7], $0x280  }
0x2a: {  	_ =	swait.ge [sflag:s11], $0x280  }
0x2b: {  	[sflag:s11] =	ssyncset.done $0x0  }
0x2c: {  	s25 =	rddreg [dreg:$0xd];
	[sflag:s11] =	ssyncadd.s32 $0xFFFFFD80  }
0x2d: {  	[spmem:s25], [sflag:s10] =	dma.local [hbm:s7], $0x280  }
0x2e: {  	_ =	swait.ge [sflag:s11], $0x280  }
0x2f: {  	[sflag:s11] =	ssyncset.done $0x0  }
0x30: {  	s29 =	rddreg [dreg:$0xe];
	[sflag:s11] =	ssyncadd.s32 $0xFFFFFD80  }
0x31: {  	[spmem:s29], [sflag:s10] =	dma.local [hbm:s7], $0x280  }
0x32: {  	_ =	swait.ge [sflag:s11], $0x280  }
0x33: {  	[sflag:s11] =	ssyncset.done $0x0  }
0x34: {  	s30 =	rddreg [dreg:$0xf];
	[sflag:s11] =	ssyncadd.s32 $0xFFFFFD80  }
0x35: {  	[spmem:s30], [sflag:s10] =	dma.local [hbm:s7], $0x280  }
0x36: {  	_ =	swait.ge [sflag:s11], $0x280  }
0x37: {  	[sflag:s11] =	ssyncset.done $0x0  }
0x38: {  	s31 =	rddreg [dreg:$0x10];
	[sflag:s11] =	ssyncadd.s32 $0xFFFFFD80  }
0x39: {  	[spmem:s31], [sflag:s10] =	dma.local [hbm:s7], $0x280  }
0x3a: {  	_ =	swait.ge [sflag:s11], $0x280  }
0x3b: {  	[sflag:s11] =	ssyncset.done $0x0  }
0x3c: {  	s26 =	rddreg [dreg:$0x11];
	[sflag:s11] =	ssyncadd.s32 $0xFFFFFD80  }
0x3d: {  	[spmem:s26], [sflag:s10] =	dma.local [hbm:s7], $0x280  }
0x3e: {  	_ =	swait.ge [sflag:s11], $0x280  }
0x3f: {  	[sflag:s11] =	ssyncset.done $0x0  }
0x40: {  	s29 =	rddreg [dreg:$0x12];
	[sflag:s11] =	ssyncadd.s32 $0xFFFFFD80  }
0x41: {  	[spmem:s29], [sflag:s10] =	dma.local [hbm:s7], $0x280  }
0x42: {  	_ =	swait.ge [sflag:s11], $0x280  }
0x43: {  	[sflag:s11] =	ssyncset.done $0x0  }
0x44: {  	s30 =	rddreg [dreg:$0x13];
	[sflag:s11] =	ssyncadd.s32 $0xFFFFFD80  }
0x45: {  	[spmem:s30], [sflag:s10] =	dma.local [hbm:s7], $0x280  }
0x46: {  	_ =	swait.ge [sflag:s11], $0x280  }
0x47: {  	[sflag:s11] =	ssyncset.done $0x0  }
0x48: {  	s31 =	rddreg [dreg:$0x14];
	[sflag:s11] =	ssyncadd.s32 $0xFFFFFD80  }
0x49: {  	[spmem:s31], [sflag:s10] =	dma.local [hbm:s7], $0x280  }
0x4a: {  	_ =	swait.ge [sflag:s11], $0x280  }
0x4b: {  	[sflag:s11] =	ssyncset.done $0x0  }
0x4c: {  	s26 =	rddreg [dreg:$0x15];
	[sflag:s11] =	ssyncadd.s32 $0xFFFFFD80  }
0x4d: {  	[spmem:s26], [sflag:s10] =	dma.local [hbm:s7], $0x280  }
0x4e: {  	_ =	swait.ge [sflag:s11], $0x280  }
0x4f: {  	[sflag:s11] =	ssyncset.done $0x0  }
0x50: {  	s29 =	rddreg [dreg:$0x16];
	[sflag:s11] =	ssyncadd.s32 $0xFFFFFD80  }
0x51: {  	[spmem:s29], [sflag:s10] =	dma.local [hbm:s7], $0x280  }
0x52: {  	_ =	swait.ge [sflag:s11], $0x280  }
0x53: {  	[sflag:s11] =	ssyncset.done $0x0  }
0x54: {  	s30 =	rddreg [dreg:$0x17];
	[sflag:s11] =	ssyncadd.s32 $0xFFFFFD80  }
0x55: {  	[spmem:s30], [sflag:s10] =	dma.local [hbm:s7], $0x280  }
0x56: {  	_ =	swait.ge [sflag:s11], $0x280  }
0x57: {  	[sflag:s11] =	ssyncset.done $0x0  }
0x58: {  	s31 =	rddreg [dreg:$0x18];
	[sflag:s11] =	ssyncadd.s32 $0xFFFFFD80  }
0x59: {  	[spmem:s31], [sflag:s10] =	dma.local [hbm:s7], $0x280  }
0x5a: {  	_ =	swait.ge [sflag:s11], $0x280  }
0x5b: {  	[sflag:s11] =	ssyncset.done $0x0  }
0x5c: {  	[sflag:s11] =	ssyncadd.s32 $0xFFFFFD80  }
0x5d: {  	[spmem:s0], [sflag:s10] =	dma.local [hbm:s7], $0x280  }
0x5e: {  	_ =	swait.ge [sflag:s11], $0x280  }
0x5f: {  	[sflag:s11] =	ssyncset.done $0x0  }
0x60: {  	[sflag:s11] =	ssyncadd.s32 $0xFFFFFD80  }
0x61: {  	[spmem:s3], [sflag:s10] =	dma.local [hbm:s7], $0x280  }
0x62: {  	_ =	swait.ge [sflag:s11], $0x280  }
0x63: {  	[sflag:s11] =	ssyncset.done $0x0  }
0x64: {  	[sflag:s11] =	ssyncadd.s32 $0xFFFFFD80  }
0x65: {  	[spmem:s8], [sflag:s10] =	dma.local [hbm:s7], $0x280  }
0x66: {  	_ =	swait.ge [sflag:s11], $0x280  }
0x67: {  	[sflag:s11] =	ssyncset.done $0x0;
	s26 =	rddreg [dreg:$0x9]  }
0x68: {  	[sflag:s11] =	ssyncadd.s32 $0xFFFFFD80;
	s25 =	sshrl.u32 s26, $0x3;
	s26 =	rddreg [dreg:$0x4]  }
0x69: {  	[spmem:s25], [sflag:s10] =	dma.local [hbm:s26], $0x50  }
0x6a: {  	_ =	swait.ge [sflag:s11], $0x50  }
0x6b: {  	[sflag:s11] =	ssyncset.done $0x0  }
0x6c: {  	[sflag:s11] =	ssyncadd.s32 $0xFFFFFFB0  }
0x6d: {  	[bflag:$0x0] =	sbarrier.arrive $0xFFFF  }
0x6e: {  	s29 =	rddreg [dreg:$0x5]  }
0x6f: {  	[tilespmem:s4], [sflag:$0x3] =	stream.linear.gather [hbm4b:s29+s4], $0x1400, $0x38;
	[tilespmem:$0x1EB80] =	vst v63  }
0x70: {  	_ =	swait.ge [sflag:s11], $0x1400  }
0x71: {  	[sflag:s11] =	ssyncset.done $0x0  }
0x72: {  	s30 =	rddreg [dreg:$0x6];
	[sflag:s11] =	ssyncadd.s32 $0xFFFFEC00  }
0x73: {  	[tilespmem:s12], [sflag:$0x3] =	stream.linear.gather [hbm4b:s30+s4], $0x1400, $0x38;
	[tilespmem:$0x1EB80] =	vst v63  }
0x74: {  	_ =	swait.ge [sflag:s11], $0x1400  }
0x75: {  	[sflag:s11] =	ssyncset.done $0x0  }
0x76: {  	[sflag:s11] =	ssyncadd.s32 $0xFFFFEC00  }
0x77: {  	[tilespmem:s14], [sflag:$0x1] =	stream.indirect.gather [hbm4b:s5+s13], $0x80, s4, s13, $0xb8;
	[tilespmem:$0x1EB80] =	vst v63  }
0x78: {  	_ = 	snop  }
0x79: {  	[tilespmem:s15], [sflag:$0x1] =	stream.indirect.gather [hbm4b:s6+s13], $0x1, s4, s13, $0xb8;
	[tilespmem:$0x1EB80] =	vst v63  }
0x7a: {  	s31 =	simm.s32 $0x80  }
0x7b: {  	[tilespmem:s16], [sflag:$0x2] =	stream.indirect.gather [hbm4b:s5+s13], $0x80, s31, s13, $0xb8;
	[tilespmem:$0x1EB80] =	vst v63  }
0x7c: {  	_ = 	snop  }
0x7d: {  	[tilespmem:s17], [sflag:$0x2] =	stream.indirect.gather [hbm4b:s6+s13], $0x1, s31, s13, $0xb8;
	[tilespmem:$0x1EB80] =	vst v63  }
0x7e: {  	_ =	swait.ge [sflag:s18], $0x4000  }
0x7f: {  	[sflag:s18] =	ssyncset.done $0x0  }
0x80: {  	[sflag:s18] =	ssyncadd.s32 $0xFFFFC000  }
0x81: {  	_ =	swait.ge [sflag:s18], $0x80  }
0x82: {  	[sflag:s18] =	ssyncset.done $0x0  }
0x83: {  	s29 =	simm.s32 $0x1400;
	[sflag:s18] =	ssyncadd.s32 $0xFFFFFF80  }
0x84: {  	[spmem:s1] =	stream.indirect.scatter.add.f32 [tilespmem:s14], [sflag:$0x3], $0x80, s29, s13, $0xb8;
	[tilespmem:$0x1EB80] =	vst v63  }
0x85: {  	_ =	swait.ge [sflag:s11], $0x4000  }
0x86: {  	[sflag:s11] =	ssyncset.done $0x0  }
0x87: {  	[sflag:s11] =	ssyncadd.s32 $0xFFFFC000  }
0x88: {  	[spmem:s2] =	stream.indirect.scatter.add.f32 [tilespmem:s15], [sflag:$0x3], $0x1, s29, s13, $0xb8;
	[tilespmem:$0x1EB80] =	vst v63  }
0x89: {  	_ =	swait.ge [sflag:s11], $0x80  }
0x8a: {  	[sflag:s11] =	ssyncset.done $0x0  }
0x8b: {  	s30 =	simm.s32 $0x100;
	[sflag:s11] =	ssyncadd.s32 $0xFFFFFF80  }
0x8c: {  	[tilespmem:s14], [sflag:$0x1] =	stream.indirect.gather [hbm4b:s5+s13], $0x80, s30, s13, $0xb8;
	[tilespmem:$0x1EB80] =	vst v63  }
0x8d: {  	_ = 	snop  }
0x8e: {  	[tilespmem:s15], [sflag:$0x1] =	stream.indirect.gather [hbm4b:s6+s13], $0x1, s30, s13, $0xb8;
	[tilespmem:$0x1EB80] =	vst v63  }
0x8f: {  	_ =	swait.ge [sflag:s19], $0x4000  }
0x90: {  	[sflag:s19] =	ssyncset.done $0x0  }
0x91: {  	[sflag:s19] =	ssyncadd.s32 $0xFFFFC000  }
0x92: {  	_ =	swait.ge [sflag:s19], $0x80  }
0x93: {  	[sflag:s19] =	ssyncset.done $0x0  }
0x94: {  	s31 =	simm.s32 $0x1480;
	[sflag:s19] =	ssyncadd.s32 $0xFFFFFF80  }
0x95: {  	[spmem:s1] =	stream.indirect.scatter.add.f32 [tilespmem:s16], [sflag:$0x3], $0x80, s31, s13, $0xb8;
	[tilespmem:$0x1EB80] =	vst v63  }
0x96: {  	_ =	swait.ge [sflag:s11], $0x4000  }
0x97: {  	[sflag:s11] =	ssyncset.done $0x0  }
0x98: {  	[sflag:s11] =	ssyncadd.s32 $0xFFFFC000  }
0x99: {  	[spmem:s2] =	stream.indirect.scatter.add.f32 [tilespmem:s17], [sflag:$0x3], $0x1, s31, s13, $0xb8;
	[tilespmem:$0x1EB80] =	vst v63  }
0x9a: {  	_ =	swait.ge [sflag:s11], $0x80  }
0x9b: {  	s28 =	simm.s32 $0x800;
	s26 =	simm.s32 $0x100;
	[sflag:s11] =	ssyncset.done $0x0  }
.LBB2_2:
0x9c: {  	s31 =	sadd.s32 $0x80, s26  }
0x9d: {  	[sflag:s11] =	ssyncadd.s32 $0xFFFFFF80;
	s29 =	smov.u32 s28;
	s30 =	sadd.s32 $0x400, s28  }
0x9e: {  	[tilespmem:s16], [sflag:$0x2] =	stream.indirect.gather [hbm4b:s5+s13], $0x80, s31, s13, $0xb8;
	[tilespmem:$0x1EB80] =	vst v63  }
0x9f: {  	p0 =	sne.s32 s28, $0x4800  }
0xa0: {  	[tilespmem:s17], [sflag:$0x2] =	stream.indirect.gather [hbm4b:s6+s13], $0x1, s31, s13, $0xb8;
	[tilespmem:$0x1EB80] =	vst v63  }
0xa1: {  	_ =	swait.ge [sflag:s18], $0x4000  }
0xa2: {  	[sflag:s18] =	ssyncset.done $0x0  }
0xa3: {  	[sflag:s18] =	ssyncadd.s32 $0xFFFFC000  }
0xa4: {  	_ =	swait.ge [sflag:s18], $0x80  }
0xa5: {  	[sflag:s18] =	ssyncset.done $0x0  }
0xa6: {  	s28 =	sadd.s32 $0x1400, s26;
	[sflag:s18] =	ssyncadd.s32 $0xFFFFFF80  }
0xa7: {  	[spmem:s1] =	stream.indirect.scatter.add.f32 [tilespmem:s14], [sflag:$0x3], $0x80, s28, s13, $0xb8;
	[tilespmem:$0x1EB80] =	vst v63  }
0xa8: {  	_ =	swait.ge [sflag:s11], $0x4000  }
0xa9: {  	[sflag:s11] =	ssyncset.done $0x0  }
0xaa: {  	[sflag:s11] =	ssyncadd.s32 $0xFFFFC000  }
0xab: {  	[spmem:s2] =	stream.indirect.scatter.add.f32 [tilespmem:s15], [sflag:$0x3], $0x1, s28, s13, $0xb8;
	[tilespmem:$0x1EB80] =	vst v63  }
0xac: {  	_ =	swait.ge [sflag:s11], $0x80  }
0xad: {  	[sflag:s11] =	ssyncset.done $0x0  }
0xae: {  	s28 =	sadd.s32 $0x100, s26;
	[sflag:s11] =	ssyncadd.s32 $0xFFFFFF80  }
0xaf: {  	[tilespmem:s14], [sflag:$0x1] =	stream.indirect.gather [hbm4b:s5+s13], $0x80, s28, s13, $0xb8;
	[tilespmem:$0x1EB80] =	vst v63  }
0xb0: {  	_ = 	snop  }
0xb1: {  	[tilespmem:s15], [sflag:$0x1] =	stream.indirect.gather [hbm4b:s6+s13], $0x1, s28, s13, $0xb8;
	[tilespmem:$0x1EB80] =	vst v63  }
0xb2: {  	_ =	swait.ge [sflag:s19], $0x4000  }
0xb3: {  	[sflag:s19] =	ssyncset.done $0x0  }
0xb4: {  	[sflag:s19] =	ssyncadd.s32 $0xFFFFC000  }
0xb5: {  	_ =	swait.ge [sflag:s19], $0x80  }
0xb6: {  	[sflag:s19] =	ssyncset.done $0x0  }
0xb7: {  	s26 =	sadd.s32 $0x1480, s26;
	[sflag:s19] =	ssyncadd.s32 $0xFFFFFF80  }
0xb8: {  	[spmem:s1] =	stream.indirect.scatter.add.f32 [tilespmem:s16], [sflag:$0x3], $0x80, s26, s13, $0xb8;
	[tilespmem:$0x1EB80] =	vst v63  }
0xb9: {  	_ =	swait.ge [sflag:s11], $0x4000  }
.Ltmp0:
0xba: {  	[sflag:s11] =	ssyncset.done $0x0;
	(pc) =	sbr.rel @p0 .LBB2_2-.Ltmp0, $4  }
0xbb: {  	[sflag:s11] =	ssyncadd.s32 $0xFFFFC000  }
0xbc: {  	[spmem:s2] =	stream.indirect.scatter.add.f32 [tilespmem:s17], [sflag:$0x3], $0x1, s26, s13, $0xb8;
	[tilespmem:$0x1EB80] =	vst v63  }
0xbd: {  	_ =	swait.ge [sflag:s11], $0x80  }
0xbe: {  	s28 =	smov.u32 s30;
	s26 =	sshra.s32 s29, $0x2;
	[sflag:s11] =	ssyncset.done $0x0  }
0xbf: {  	s28 =	sadd.s32 $0x80, s26;
	[sflag:s11] =	ssyncadd.s32 $0xFFFFFF80  }
0xc0: {  	[tilespmem:s16], [sflag:$0x2] =	stream.indirect.gather [hbm4b:s5+s13], $0x80, s28, s13, $0xb8;
	[tilespmem:$0x1EB80] =	vst v63  }
0xc1: {  	_ = 	snop  }
0xc2: {  	[tilespmem:s17], [sflag:$0x2] =	stream.indirect.gather [hbm4b:s6+s13], $0x1, s28, s13, $0xb8;
	[tilespmem:$0x1EB80] =	vst v63  }
0xc3: {  	_ =	swait.ge [sflag:s18], $0x4000  }
0xc4: {  	[sflag:s18] =	ssyncset.done $0x0  }
0xc5: {  	[sflag:s18] =	ssyncadd.s32 $0xFFFFC000  }
0xc6: {  	_ =	swait.ge [sflag:s18], $0x80  }
0xc7: {  	[sflag:s18] =	ssyncset.done $0x0  }
0xc8: {  	s29 =	sadd.s32 $0x1400, s26;
	[sflag:s18] =	ssyncadd.s32 $0xFFFFFF80  }
0xc9: {  	[spmem:s1] =	stream.indirect.scatter.add.f32 [tilespmem:s14], [sflag:$0x3], $0x80, s29, s13, $0xb8;
	[tilespmem:$0x1EB80] =	vst v63  }
0xca: {  	_ =	swait.ge [sflag:s11], $0x4000  }
0xcb: {  	[sflag:s11] =	ssyncset.done $0x0  }
0xcc: {  	[sflag:s11] =	ssyncadd.s32 $0xFFFFC000  }
0xcd: {  	[spmem:s2] =	stream.indirect.scatter.add.f32 [tilespmem:s15], [sflag:$0x3], $0x1, s29, s13, $0xb8;
	[tilespmem:$0x1EB80] =	vst v63  }
0xce: {  	_ =	swait.ge [sflag:s11], $0x80  }
0xcf: {  	[sflag:s11] =	ssyncset.done $0x0  }
0xd0: {  	s31 =	sadd.s32 $0x100, s26;
	[sflag:s11] =	ssyncadd.s32 $0xFFFFFF80  }
0xd1: {  	[tilespmem:s14], [sflag:$0x1] =	stream.indirect.gather [hbm4b:s5+s13], $0x80, s31, s13, $0xb8;
	[tilespmem:$0x1EB80] =	vst v63  }
0xd2: {  	_ = 	snop  }
0xd3: {  	[tilespmem:s15], [sflag:$0x1] =	stream.indirect.gather [hbm4b:s6+s13], $0x1, s31, s13, $0xb8;
	[tilespmem:$0x1EB80] =	vst v63  }
0xd4: {  	_ =	swait.ge [sflag:s19], $0x4000  }
0xd5: {  	[sflag:s19] =	ssyncset.done $0x0  }
0xd6: {  	[sflag:s19] =	ssyncadd.s32 $0xFFFFC000  }
0xd7: {  	_ =	swait.ge [sflag:s19], $0x80  }
0xd8: {  	[sflag:s19] =	ssyncset.done $0x0  }
0xd9: {  	s29 =	sadd.s32 $0x1480, s26;
	[sflag:s19] =	ssyncadd.s32 $0xFFFFFF80  }
0xda: {  	[spmem:s1] =	stream.indirect.scatter.add.f32 [tilespmem:s16], [sflag:$0x3], $0x80, s29, s13, $0xb8;
	[tilespmem:$0x1EB80] =	vst v63  }
0xdb: {  	_ =	swait.ge [sflag:s11], $0x4000  }
0xdc: {  	[sflag:s11] =	ssyncset.done $0x0  }
0xdd: {  	[sflag:s11] =	ssyncadd.s32 $0xFFFFC000  }
0xde: {  	[spmem:s2] =	stream.indirect.scatter.add.f32 [tilespmem:s17], [sflag:$0x3], $0x1, s29, s13, $0xb8;
	[tilespmem:$0x1EB80] =	vst v63  }
0xdf: {  	_ =	swait.ge [sflag:s11], $0x80  }
0xe0: {  	[sflag:s11] =	ssyncset.done $0x0  }
0xe1: {  	[sflag:s11] =	ssyncadd.s32 $0xFFFFFF80  }
0xe2: {  	[tilespmem:s16], [sflag:$0x2] =	stream.indirect.gather [hbm4b:s5+s13], $0x80, s20, s13, $0xb8;
	[tilespmem:$0x1EB80] =	vst v63  }
0xe3: {  	_ = 	snop  }
0xe4: {  	[tilespmem:s17], [sflag:$0x2] =	stream.indirect.gather [hbm4b:s6+s13], $0x1, s20, s13, $0xb8;
	[tilespmem:$0x1EB80] =	vst v63  }
0xe5: {  	_ =	swait.ge [sflag:s18], $0x4000  }
0xe6: {  	[sflag:s18] =	ssyncset.done $0x0  }
0xe7: {  	[sflag:s18] =	ssyncadd.s32 $0xFFFFC000  }
0xe8: {  	_ =	swait.ge [sflag:s18], $0x80  }
0xe9: {  	[sflag:s18] =	ssyncset.done $0x0  }
0xea: {  	[sflag:s18] =	ssyncadd.s32 $0xFFFFFF80  }
0xeb: {  	[spmem:s1] =	stream.indirect.scatter.add.f32 [tilespmem:s14], [sflag:$0x3], $0x80, s21, s13, $0xb8;
	[tilespmem:$0x1EB80] =	vst v63  }
0xec: {  	_ =	swait.ge [sflag:s11], $0x4000  }
0xed: {  	[sflag:s11] =	ssyncset.done $0x0  }
0xee: {  	[sflag:s11] =	ssyncadd.s32 $0xFFFFC000  }
0xef: {  	[spmem:s2] =	stream.indirect.scatter.add.f32 [tilespmem:s15], [sflag:$0x3], $0x1, s21, s13, $0xb8;
	[tilespmem:$0x1EB80] =	vst v63  }
0xf0: {  	_ =	swait.ge [sflag:s11], $0x80  }
0xf1: {  	[sflag:s11] =	ssyncset.done $0x0  }
0xf2: {  	[sflag:s11] =	ssyncadd.s32 $0xFFFFFF80  }
0xf3: {  	_ =	swait.ge [sflag:s19], $0x4000  }
0xf4: {  	[sflag:s19] =	ssyncset.done $0x0  }
0xf5: {  	[sflag:s19] =	ssyncadd.s32 $0xFFFFC000  }
0xf6: {  	_ =	swait.ge [sflag:s19], $0x80  }
0xf7: {  	[sflag:s19] =	ssyncset.done $0x0  }
0xf8: {  	[sflag:s19] =	ssyncadd.s32 $0xFFFFFF80  }
0xf9: {  	[spmem:s1] =	stream.indirect.scatter.add.f32 [tilespmem:s16], [sflag:$0x3], $0x80, s22, s13, $0xb8;
	[tilespmem:$0x1EB80] =	vst v63  }
0xfa: {  	_ =	swait.ge [sflag:s11], $0x4000  }
0xfb: {  	[sflag:s11] =	ssyncset.done $0x0  }
0xfc: {  	[sflag:s11] =	ssyncadd.s32 $0xFFFFC000  }
0xfd: {  	[spmem:s2] =	stream.indirect.scatter.add.f32 [tilespmem:s17], [sflag:$0x3], $0x1, s22, s13, $0xb8;
	[tilespmem:$0x1EB80] =	vst v63  }
0xfe: {  	_ =	swait.ge [sflag:s11], $0x80  }
0xff: {  	[sflag:s11] =	ssyncset.done $0x0  }
0x100: {  	s26 =	simm.s32 $0x0;
	s31 =	rddreg [dreg:$0x7];
	[sflag:s11] =	ssyncadd.s32 $0xFFFFFF80  }
0x101: {  	[tilespmem:s26], [sflag:$0x3] =	stream.linear.gather [hbm4b:s31+s26], $0x1400, $0x38;
	[tilespmem:$0x1EB80] =	vst v63  }
0x102: {  	_ =	swait.ge [sflag:s11], $0x1400  }
0x103: {  	[sflag:s11] =	ssyncset.done $0x0  }
0x104: {  	s29 =	rddreg [dreg:$0x8];
	[sflag:s11] =	ssyncadd.s32 $0xFFFFEC00  }
0x105: {  	[tilespmem:s12], [sflag:$0x3] =	stream.linear.gather [hbm4b:s29+s26], $0x1400, $0x38;
	[tilespmem:$0x1EB80] =	vst v63  }
0x106: {  	_ =	swait.ge [sflag:s11], $0x1400  }
0x107: {  	[sflag:s11] =	ssyncset.done $0x0  }
0x108: {  	[sflag:s11] =	ssyncadd.s32 $0xFFFFEC00  }
0x109: {  	[tilespmem:s14], [sflag:$0x1] =	stream.indirect.gather [hbm4b:s5+s13], $0x80, s26, s13, $0xb8;
	[tilespmem:$0x1EB80] =	vst v63  }
0x10a: {  	_ = 	snop  }
0x10b: {  	[tilespmem:s15], [sflag:$0x1] =	stream.indirect.gather [hbm4b:s6+s13], $0x1, s26, s13, $0xb8;
	[tilespmem:$0x1EB80] =	vst v63  }
0x10c: {  	s31 =	simm.s32 $0x80  }
0x10d: {  	[tilespmem:s16], [sflag:$0x2] =	stream.indirect.gather [hbm4b:s5+s13], $0x80, s31, s13, $0xb8;
	[tilespmem:$0x1EB80] =	vst v63  }
0x10e: {  	_ = 	snop  }
0x10f: {  	[tilespmem:s17], [sflag:$0x2] =	stream.indirect.gather [hbm4b:s6+s13], $0x1, s31, s13, $0xb8;
	[tilespmem:$0x1EB80] =	vst v63  }
0x110: {  	_ =	swait.ge [sflag:s18], $0x4000  }
0x111: {  	[sflag:s18] =	ssyncset.done $0x0  }
0x112: {  	[sflag:s18] =	ssyncadd.s32 $0xFFFFC000  }
0x113: {  	_ =	swait.ge [sflag:s18], $0x80  }
0x114: {  	[sflag:s18] =	ssyncset.done $0x0  }
0x115: {  	s28 =	simm.s32 $0x1400;
	[sflag:s18] =	ssyncadd.s32 $0xFFFFFF80  }
0x116: {  	[spmem:s1] =	stream.indirect.scatter.add.f32 [tilespmem:s14], [sflag:$0x3], $0x80, s28, s13, $0xb8;
	[tilespmem:$0x1EB80] =	vst v63  }
0x117: {  	_ =	swait.ge [sflag:s11], $0x4000  }
0x118: {  	[sflag:s11] =	ssyncset.done $0x0  }
0x119: {  	[sflag:s11] =	ssyncadd.s32 $0xFFFFC000  }
0x11a: {  	[spmem:s2] =	stream.indirect.scatter.add.f32 [tilespmem:s15], [sflag:$0x3], $0x1, s28, s13, $0xb8;
	[tilespmem:$0x1EB80] =	vst v63  }
0x11b: {  	_ =	swait.ge [sflag:s11], $0x80  }
0x11c: {  	[sflag:s11] =	ssyncset.done $0x0  }
0x11d: {  	s29 =	simm.s32 $0x100;
	[sflag:s11] =	ssyncadd.s32 $0xFFFFFF80  }
0x11e: {  	[tilespmem:s14], [sflag:$0x1] =	stream.indirect.gather [hbm4b:s5+s13], $0x80, s29, s13, $0xb8;
	[tilespmem:$0x1EB80] =	vst v63  }
0x11f: {  	_ = 	snop  }
0x120: {  	[tilespmem:s15], [sflag:$0x1] =	stream.indirect.gather [hbm4b:s6+s13], $0x1, s29, s13, $0xb8;
	[tilespmem:$0x1EB80] =	vst v63  }
0x121: {  	_ =	swait.ge [sflag:s19], $0x4000  }
0x122: {  	[sflag:s19] =	ssyncset.done $0x0  }
0x123: {  	[sflag:s19] =	ssyncadd.s32 $0xFFFFC000  }
0x124: {  	_ =	swait.ge [sflag:s19], $0x80  }
0x125: {  	[sflag:s19] =	ssyncset.done $0x0  }
0x126: {  	s31 =	simm.s32 $0x1480;
	[sflag:s19] =	ssyncadd.s32 $0xFFFFFF80  }
0x127: {  	[spmem:s1] =	stream.indirect.scatter.add.f32 [tilespmem:s16], [sflag:$0x3], $0x80, s31, s13, $0xb8;
	[tilespmem:$0x1EB80] =	vst v63  }
0x128: {  	_ =	swait.ge [sflag:s11], $0x4000  }
0x129: {  	[sflag:s11] =	ssyncset.done $0x0  }
0x12a: {  	[sflag:s11] =	ssyncadd.s32 $0xFFFFC000  }
0x12b: {  	[spmem:s2] =	stream.indirect.scatter.add.f32 [tilespmem:s17], [sflag:$0x3], $0x1, s31, s13, $0xb8;
	[tilespmem:$0x1EB80] =	vst v63  }
0x12c: {  	_ =	swait.ge [sflag:s11], $0x80  }
0x12d: {  	s30 =	simm.s32 $0x800;
	s26 =	simm.s32 $0x100;
	[sflag:s11] =	ssyncset.done $0x0  }
.LBB2_4:
0x12e: {  	s31 =	sadd.s32 $0x80, s26  }
0x12f: {  	[sflag:s11] =	ssyncadd.s32 $0xFFFFFF80;
	s29 =	smov.u32 s30;
	s28 =	sadd.s32 $0x400, s30  }
0x130: {  	[tilespmem:s16], [sflag:$0x2] =	stream.indirect.gather [hbm4b:s5+s13], $0x80, s31, s13, $0xb8;
	[tilespmem:$0x1EB80] =	vst v63  }
0x131: {  	p0 =	sne.s32 s30, $0x4800  }
0x132: {  	[tilespmem:s17], [sflag:$0x2] =	stream.indirect.gather [hbm4b:s6+s13], $0x1, s31, s13, $0xb8;
	[tilespmem:$0x1EB80] =	vst v63  }
0x133: {  	_ =	swait.ge [sflag:s18], $0x4000  }
0x134: {  	[sflag:s18] =	ssyncset.done $0x0  }
0x135: {  	[sflag:s18] =	ssyncadd.s32 $0xFFFFC000  }
0x136: {  	_ =	swait.ge [sflag:s18], $0x80  }
0x137: {  	[sflag:s18] =	ssyncset.done $0x0  }
0x138: {  	s30 =	sadd.s32 $0x1400, s26;
	[sflag:s18] =	ssyncadd.s32 $0xFFFFFF80  }
0x139: {  	[spmem:s1] =	stream.indirect.scatter.add.f32 [tilespmem:s14], [sflag:$0x3], $0x80, s30, s13, $0xb8;
	[tilespmem:$0x1EB80] =	vst v63  }
0x13a: {  	_ =	swait.ge [sflag:s11], $0x4000  }
0x13b: {  	[sflag:s11] =	ssyncset.done $0x0  }
0x13c: {  	[sflag:s11] =	ssyncadd.s32 $0xFFFFC000  }
0x13d: {  	[spmem:s2] =	stream.indirect.scatter.add.f32 [tilespmem:s15], [sflag:$0x3], $0x1, s30, s13, $0xb8;
	[tilespmem:$0x1EB80] =	vst v63  }
0x13e: {  	_ =	swait.ge [sflag:s11], $0x80  }
0x13f: {  	[sflag:s11] =	ssyncset.done $0x0  }
0x140: {  	s30 =	sadd.s32 $0x100, s26;
	[sflag:s11] =	ssyncadd.s32 $0xFFFFFF80  }
0x141: {  	[tilespmem:s14], [sflag:$0x1] =	stream.indirect.gather [hbm4b:s5+s13], $0x80, s30, s13, $0xb8;
	[tilespmem:$0x1EB80] =	vst v63  }
0x142: {  	_ = 	snop  }
0x143: {  	[tilespmem:s15], [sflag:$0x1] =	stream.indirect.gather [hbm4b:s6+s13], $0x1, s30, s13, $0xb8;
	[tilespmem:$0x1EB80] =	vst v63  }
0x144: {  	_ =	swait.ge [sflag:s19], $0x4000  }
0x145: {  	[sflag:s19] =	ssyncset.done $0x0  }
0x146: {  	[sflag:s19] =	ssyncadd.s32 $0xFFFFC000  }
0x147: {  	_ =	swait.ge [sflag:s19], $0x80  }
0x148: {  	[sflag:s19] =	ssyncset.done $0x0  }
0x149: {  	s26 =	sadd.s32 $0x1480, s26;
	[sflag:s19] =	ssyncadd.s32 $0xFFFFFF80  }
0x14a: {  	[spmem:s1] =	stream.indirect.scatter.add.f32 [tilespmem:s16], [sflag:$0x3], $0x80, s26, s13, $0xb8;
	[tilespmem:$0x1EB80] =	vst v63  }
0x14b: {  	_ =	swait.ge [sflag:s11], $0x4000  }
.Ltmp1:
0x14c: {  	[sflag:s11] =	ssyncset.done $0x0;
	(pc) =	sbr.rel @p0 .LBB2_4-.Ltmp1, $4  }
0x14d: {  	[sflag:s11] =	ssyncadd.s32 $0xFFFFC000  }
0x14e: {  	[spmem:s2] =	stream.indirect.scatter.add.f32 [tilespmem:s17], [sflag:$0x3], $0x1, s26, s13, $0xb8;
	[tilespmem:$0x1EB80] =	vst v63  }
0x14f: {  	_ =	swait.ge [sflag:s11], $0x80  }
0x150: {  	s30 =	smov.u32 s28;
	s26 =	sshra.s32 s29, $0x2;
	[sflag:s11] =	ssyncset.done $0x0  }
0x151: {  	s28 =	sadd.s32 $0x80, s26;
	[sflag:s11] =	ssyncadd.s32 $0xFFFFFF80  }
0x152: {  	[tilespmem:s16], [sflag:$0x2] =	stream.indirect.gather [hbm4b:s5+s13], $0x80, s28, s13, $0xb8;
	[tilespmem:$0x1EB80] =	vst v63  }
0x153: {  	_ = 	snop  }
0x154: {  	[tilespmem:s17], [sflag:$0x2] =	stream.indirect.gather [hbm4b:s6+s13], $0x1, s28, s13, $0xb8;
	[tilespmem:$0x1EB80] =	vst v63  }
0x155: {  	_ =	swait.ge [sflag:s18], $0x4000  }
0x156: {  	[sflag:s18] =	ssyncset.done $0x0  }
0x157: {  	[sflag:s18] =	ssyncadd.s32 $0xFFFFC000  }
0x158: {  	_ =	swait.ge [sflag:s18], $0x80  }
0x159: {  	[sflag:s18] =	ssyncset.done $0x0  }
0x15a: {  	s31 =	sadd.s32 $0x1400, s26;
	[sflag:s18] =	ssyncadd.s32 $0xFFFFFF80  }
0x15b: {  	[spmem:s1] =	stream.indirect.scatter.add.f32 [tilespmem:s14], [sflag:$0x3], $0x80, s31, s13, $0xb8;
	[tilespmem:$0x1EB80] =	vst v63  }
0x15c: {  	_ =	swait.ge [sflag:s11], $0x4000  }
0x15d: {  	[sflag:s11] =	ssyncset.done $0x0  }
0x15e: {  	[sflag:s11] =	ssyncadd.s32 $0xFFFFC000  }
0x15f: {  	[spmem:s2] =	stream.indirect.scatter.add.f32 [tilespmem:s15], [sflag:$0x3], $0x1, s31, s13, $0xb8;
	[tilespmem:$0x1EB80] =	vst v63  }
0x160: {  	_ =	swait.ge [sflag:s11], $0x80  }
0x161: {  	[sflag:s11] =	ssyncset.done $0x0  }
0x162: {  	s29 =	sadd.s32 $0x100, s26;
	[sflag:s11] =	ssyncadd.s32 $0xFFFFFF80  }
0x163: {  	[tilespmem:s14], [sflag:$0x1] =	stream.indirect.gather [hbm4b:s5+s13], $0x80, s29, s13, $0xb8;
	[tilespmem:$0x1EB80] =	vst v63  }
0x164: {  	_ = 	snop  }
0x165: {  	[tilespmem:s15], [sflag:$0x1] =	stream.indirect.gather [hbm4b:s6+s13], $0x1, s29, s13, $0xb8;
	[tilespmem:$0x1EB80] =	vst v63  }
0x166: {  	_ =	swait.ge [sflag:s19], $0x4000  }
0x167: {  	[sflag:s19] =	ssyncset.done $0x0  }
0x168: {  	[sflag:s19] =	ssyncadd.s32 $0xFFFFC000  }
0x169: {  	_ =	swait.ge [sflag:s19], $0x80  }
0x16a: {  	[sflag:s19] =	ssyncset.done $0x0  }
0x16b: {  	s30 =	sadd.s32 $0x1480, s26;
	[sflag:s19] =	ssyncadd.s32 $0xFFFFFF80  }
0x16c: {  	[spmem:s1] =	stream.indirect.scatter.add.f32 [tilespmem:s16], [sflag:$0x3], $0x80, s30, s13, $0xb8;
	[tilespmem:$0x1EB80] =	vst v63  }
0x16d: {  	_ =	swait.ge [sflag:s11], $0x4000  }
0x16e: {  	[sflag:s11] =	ssyncset.done $0x0  }
0x16f: {  	[sflag:s11] =	ssyncadd.s32 $0xFFFFC000  }
0x170: {  	[spmem:s2] =	stream.indirect.scatter.add.f32 [tilespmem:s17], [sflag:$0x3], $0x1, s30, s13, $0xb8;
	[tilespmem:$0x1EB80] =	vst v63  }
0x171: {  	_ =	swait.ge [sflag:s11], $0x80  }
0x172: {  	[sflag:s11] =	ssyncset.done $0x0  }
0x173: {  	[sflag:s11] =	ssyncadd.s32 $0xFFFFFF80  }
0x174: {  	[tilespmem:s16], [sflag:$0x2] =	stream.indirect.gather [hbm4b:s5+s13], $0x80, s20, s13, $0xb8;
	[tilespmem:$0x1EB80] =	vst v63  }
0x175: {  	_ = 	snop  }
0x176: {  	[tilespmem:s17], [sflag:$0x2] =	stream.indirect.gather [hbm4b:s6+s13], $0x1, s20, s13, $0xb8;
	[tilespmem:$0x1EB80] =	vst v63  }
0x177: {  	_ =	swait.ge [sflag:s18], $0x4000  }
0x178: {  	[sflag:s18] =	ssyncset.done $0x0  }
0x179: {  	[sflag:s18] =	ssyncadd.s32 $0xFFFFC000  }
0x17a: {  	_ =	swait.ge [sflag:s18], $0x80  }
0x17b: {  	[sflag:s18] =	ssyncset.done $0x0  }
0x17c: {  	[sflag:s18] =	ssyncadd.s32 $0xFFFFFF80  }
0x17d: {  	[spmem:s1] =	stream.indirect.scatter.add.f32 [tilespmem:s14], [sflag:$0x3], $0x80, s21, s13, $0xb8;
	[tilespmem:$0x1EB80] =	vst v63  }
0x17e: {  	_ =	swait.ge [sflag:s11], $0x4000  }
0x17f: {  	[sflag:s11] =	ssyncset.done $0x0  }
0x180: {  	[sflag:s11] =	ssyncadd.s32 $0xFFFFC000  }
0x181: {  	[spmem:s2] =	stream.indirect.scatter.add.f32 [tilespmem:s15], [sflag:$0x3], $0x1, s21, s13, $0xb8;
	[tilespmem:$0x1EB80] =	vst v63  }
0x182: {  	_ =	swait.ge [sflag:s11], $0x80  }
0x183: {  	[sflag:s11] =	ssyncset.done $0x0  }
0x184: {  	[sflag:s11] =	ssyncadd.s32 $0xFFFFFF80  }
0x185: {  	_ =	swait.ge [sflag:s19], $0x4000  }
0x186: {  	[sflag:s19] =	ssyncset.done $0x0  }
0x187: {  	[sflag:s19] =	ssyncadd.s32 $0xFFFFC000  }
0x188: {  	_ =	swait.ge [sflag:s19], $0x80  }
0x189: {  	[sflag:s19] =	ssyncset.done $0x0  }
0x18a: {  	[sflag:s19] =	ssyncadd.s32 $0xFFFFFF80  }
0x18b: {  	[spmem:s1] =	stream.indirect.scatter.add.f32 [tilespmem:s16], [sflag:$0x3], $0x80, s22, s13, $0xb8;
	[tilespmem:$0x1EB80] =	vst v63  }
0x18c: {  	_ =	swait.ge [sflag:s11], $0x4000  }
0x18d: {  	[sflag:s11] =	ssyncset.done $0x0  }
0x18e: {  	[sflag:s11] =	ssyncadd.s32 $0xFFFFC000  }
0x18f: {  	[spmem:s2] =	stream.indirect.scatter.add.f32 [tilespmem:s17], [sflag:$0x3], $0x1, s22, s13, $0xb8;
	[tilespmem:$0x1EB80] =	vst v63  }
0x190: {  	_ =	swait.ge [sflag:s11], $0x80  }
0x191: {  	[sflag:s11] =	ssyncset.done $0x0  }
0x192: {  	[sflag:s11] =	ssyncadd.s32 $0xFFFFFF80  }
0x193: {  	[bflag:$0x0] =	sbarrier.arrive $0xFFFF  }
0x194: {  	s31 =	rddreg [dreg:$0xa]  }
0x195: {  	[hbm:s31], [sflag:s10] =	dma.local [spmem:s24], $0x2800  }
0x196: {  	_ =	swait.ge [sflag:s11], $0x2800  }
0x197: {  	s29 =	simm.s32 $0x20;
	[sflag:s11] =	ssyncset.done $0x0  }
0x198: {  	s30 =	simm.s32 $0x10;
	s26 =	rddreg [dreg:$0xb];
	[sflag:s11] =	ssyncadd.s32 $0xFFFFD800  }
0x199: {  	[hbm:s26@s29], [sflag:s10] =	dma.strided [spmem:s25@s30], $0x50, s18, $0x10   }
0x19a: {  	_ =	swait.ge [sflag:s11], $0x50  }
0x19b: {  	s23 =	sadd.s32 $0x1, s23;
	s31 =	rddreg [dreg:$0xc]  }
0x19c: {  	p0 =	sne.s32 s23, s31  }
.Ltmp2:
0x19d: {  	_ = 	snop;
	(pc) =	sbr.rel @p0 .LBB2_1-.Ltmp2, $3  }
0x19e: {  	_ =	sdelay $0x1  }
0x19f: {  	[sflag:s11] =	ssyncset.done $0x0  }
0x1a0: {  	[sflag:s11] =	ssyncadd.s32 $0xFFFFFFB0  }
0x1a1: {  	_ =	sfence.sel $0x180000  }
0x1a2: {  	[bflag:$0x0] =	sbarrier.arrive $0xFFFF  }
0x1a3: {  	_ =	strace $0x9000004A  }
0x1a4: {  	s0 =	stileid.u32;
	[bflag:$0x2] =	sbarrier.arrive $0xFFFF  }
0x1a5: {  	p0 =	sne.s32 s0, $0x0;
	s0 =	rddreg [dreg:$0x3]  }
0x1a6: {  	s0 =	sadd.s32 @!p0 $0x100000, s0  }
0x1a7: {  	[sflag:s0] =	ssyncadd.tile.s32 @!p0 $0x1;
	_ =	shalt  }
.Lfunc_end2:
_tile_overlayer_lowered:
.L_overlay_start_2:
0x1a8: {  	(tag) =	ssettag $0x2  }
0x1a9: {  	s0 =	rddreg [dreg:$0x0];
	s2 =	stileid.u32  }
0x1aa: {  	s1 =	rddreg [dreg:$0x1];
	p0 =	sne.s32 s2, $0x0  }
0x1ab: {  	s3 =	rddreg [dreg:$0x2];
	[bflag:$0x3] =	sbarrier.arrive $0xFFFF;
	s2 =	simm.s32 @!p0 $0x1C03  }
0x1ac: {  	[timem:s3], [sflag:s2] =	dma.local @!p0 [hbm:s0], s1  }
0x1ad: {  	s0 =	simm.s32 @!p0 $0x3  }
0x1ae: {  	_ =	swait.ge @!p0 [sflag:s0], s1  }
0x1af: {  	s1 =	ssub.s32 @!p0 $0x0, s1;
	[sflag:s0] =	ssyncset.done @!p0 $0x0  }
0x1b0: {  	[sflag:s0] =	ssyncadd.s32 @!p0 s1  }
0x1b1: {  	[bflag:$0x3] =	sbarrier.arrive $0xFFFF  }
0x1b2: {  	_ =	shalt  }

// kernel: kernel.9.cloned.1.call-start
scs
__scs_entry_jumppad:
0x0: {  	(pc) =	sbr.rel $0x88, $3  }
0x1: {  	(tag) =	ssettag $0x0;
	lr =	simm.s32 $0x1  }
0x2: {  	[smem:$0x3F96] =	sst lr;
	_ =	strace $0xD0000000  }
0x3: {  	_ = 	snop  }
0x4: {  	_ = 	snop  }
0x5: {  	_ = 	snop  }
0x6: {  	_ = 	snop  }
0x7: {  	_ = 	snop  }
__scs_overlays_trampoline_lowered:
0x8: {  	[smem:$0x3FA5] =	sst s0  }
0x9: {  	[smem:$0x3FA6] =	sst s1  }
0xa: {  	[smem:$0x3FA7] =	sst s2  }
0xb: {  	[smem:$0x3FA8] =	sst s3  }
0xc: {  	[smem:$0x3FA9] =	sst s4  }
0xd: {  	[smem:$0x3FAA] =	sst s5  }
0xe: {  	[smem:$0x3FAB] =	sst s6  }
0xf: {  	[smem:$0x3FAC] =	sst s7  }
0x10: {  	[smem:$0x3FAD] =	sst s8  }
0x11: {  	[smem:$0x3FAE] =	sst s9;
	s0 =	simm.s32 @!p0 $0x0  }
0x12: {  	s1 =	sld [smem:$0x3F94];
	s0 =	simm.s32 @p0 $0x1  }
0x13: {  	[smem:$0x3FAF] =	sst s0;
	s0 =	simm.s32 @!p1 $0x0  }
0x14: {  	s2 =	sld [smem:$0x3F93];
	s0 =	simm.s32 @p1 $0x1  }
0x15: {  	[smem:$0x3FB0] =	sst s0;
	s0 =	simm.s32 @!p2 $0x0  }
0x16: {  	s3 =	sld [smem:$0x3FDB];
	s0 =	simm.s32 @p2 $0x1  }
0x17: {  	s4 =	simm.s32 $0x1BF5;
	[smem:$0x3FB2] =	sst s0  }
0x18: {  	s0 =	sld [smem:$0x3F95];
	_ =	swait.ge [sflag:s4], $0x0  }
0x19: {  	s7 =	sld [smem:$0x3F96]  }
0x1a: {  	s8 =	sadd.s32 $0xFFFFE003, lr  }
0x1b: {  	s9 =	sadd.s32 $0xFFFFFEF7, lr;
	s5 =	simm.s32 $0xFFFFFFFF;
	p2 =	slt.u32 s8, $0xFFFFF086  }
0x1c: {  	p1 =	slt.u32 s9, $0xF7A;
	s5 =	simm.s32 @!p2 $0x0  }
0x1d: {  	s5 =	simm.s32 @p1 $0x1;
	p0 =	seq.s32 s7, s2  }
0x1e: {  	s7 =	smul.u32 @!p0 $0xF7A, s2;
	p2 =	seq.s32 @!p0 s5, $0x0  }
0x1f: {  	s9 =	smul.u32 $0xF7A, s1;
	s8 =	simm.s32 @!p0 $0x1BF5;
	p2 =	por !p2, p0  }
0x20: {  	[sflag:s8] =	ssyncset.s32 @!p0 $0xFFFFF086;
	s6 =	sadd.s32 @!p0 s3, s7;
	s7 =	simm.s32 @!p0 $0x108  }
0x21: {  	s3 =	sadd.s32 s3, s9;
	s6 =	sadd.s32 @!p0 $0x88, s6;
	s7 =	simm.s32 @p2 $0x1082  }
0x22: {  	[simem:s7], [sflag:s8] =	dma.local @!p0 [hbm:s6], $0xF7A  }
0x23: {  	s9 =	sor.u32 $0xD0000000, s2;
	s6 =	simm.s32 $0x108;
	_ =	swait.ge @!p0 [sflag:s8], $0x0  }
0x24: {  	s3 =	sadd.s32 $0x88, s3;
	s6 =	simm.s32 @!p1 $0x1082;
	[sflag:s4] =	ssyncset.s32 $0xFFFFF086  }
0x25: {  	[simem:s6], [sflag:s4] =	dma.local [hbm:s3], $0xF7A  }
0x26: {  	[smem:$0x3F96] =	sst s1;
	(tag) =	ssettag s2;
	_ =	strace s9  }
0x27: {  	s1 =	sld [smem:$0x3FA6]  }
0x28: {  	s2 =	sld [smem:$0x3FA7]  }
0x29: {  	s4 =	sld [smem:$0x3FA9]  }
0x2a: {  	p0 =	seq.s32 s5, $0x0;
	s5 =	sld [smem:$0x3FAA]  }
0x2b: {  	s6 =	sld [smem:$0x3FAB]  }
0x2c: {  	s7 =	sld [smem:$0x3FAC]  }
0x2d: {  	s3 =	simm.s32 $0x108;
	s8 =	sld [smem:$0x3FAD]  }
0x2e: {  	s3 =	simm.s32 @!p0 $0x1082;
	s9 =	sld [smem:$0x3FAE]  }
0x2f: {  	lr =	sadd.s32 s0, s3;
	s0 =	sld [smem:$0x3FA5]  }
0x30: {  	s3 =	sld [smem:$0x3FA8]  }
0x31: {  	[smem:$0x3FB1] =	sst s10  }
0x32: {  	s10 =	sld [smem:$0x3FAF];
	_ =	sdelay $0x3  }
0x33: {  	p0 =	seq.s32 s10, $0x1;
	s10 =	sld [smem:$0x3FB1];
	_ =	sdelay $0x3  }
0x34: {  	[smem:$0x3FB1] =	sst s10  }
0x35: {  	s10 =	sld [smem:$0x3FB0];
	_ =	sdelay $0x3  }
0x36: {  	p1 =	seq.s32 s10, $0x1;
	s10 =	sld [smem:$0x3FB1];
	_ =	sdelay $0x3  }
0x37: {  	[smem:$0x3FB1] =	sst s10  }
0x38: {  	s10 =	sld [smem:$0x3FB2]  }
0x39: {  	_ = 	snop;
	(pc) =	sbr.ind lr, $3  }
0x3a: {  	_ = 	snop  }
0x3b: {  	_ = 	snop  }
0x3c: {  	p2 =	seq.s32 s10, $0x1;
	s10 =	sld [smem:$0x3FB1]  }
0x3d: {  	_ =	shalt  }
0x3e: {  	_ =	shalt  }
0x3f: {  	_ =	shalt  }
0x40: {  	_ =	shalt  }
0x41: {  	_ =	shalt  }
0x42: {  	_ =	shalt  }
0x43: {  	_ =	shalt  }
0x44: {  	_ =	shalt  }
0x45: {  	_ =	shalt  }
0x46: {  	_ =	shalt  }
0x47: {  	_ =	shalt  }
0x48: {  	_ =	shalt  }
0x49: {  	_ =	shalt  }
0x4a: {  	_ =	shalt  }
0x4b: {  	_ =	shalt  }
0x4c: {  	_ =	shalt  }
0x4d: {  	_ =	shalt  }
0x4e: {  	_ =	shalt  }
0x4f: {  	_ =	shalt  }
0x50: {  	_ =	shalt  }
0x51: {  	_ =	shalt  }
0x52: {  	_ =	shalt  }
0x53: {  	_ =	shalt  }
0x54: {  	_ =	shalt  }
0x55: {  	_ =	shalt  }
0x56: {  	_ =	shalt  }
0x57: {  	_ =	shalt  }
0x58: {  	_ =	shalt  }
0x59: {  	_ =	shalt  }
0x5a: {  	_ =	shalt  }
0x5b: {  	_ =	shalt  }
0x5c: {  	_ =	shalt  }
0x5d: {  	_ =	shalt  }
0x5e: {  	_ =	shalt  }
0x5f: {  	_ =	shalt  }
0x60: {  	_ =	shalt  }
0x61: {  	_ =	shalt  }
0x62: {  	_ =	shalt  }
0x63: {  	_ =	shalt  }
0x64: {  	_ =	shalt  }
0x65: {  	_ =	shalt  }
0x66: {  	_ =	shalt  }
0x67: {  	_ =	shalt  }
0x68: {  	_ =	shalt  }
0x69: {  	_ =	shalt  }
0x6a: {  	_ =	shalt  }
0x6b: {  	_ =	shalt  }
0x6c: {  	_ =	shalt  }
0x6d: {  	_ =	shalt  }
0x6e: {  	_ =	shalt  }
0x6f: {  	_ =	shalt  }
0x70: {  	_ =	shalt  }
0x71: {  	_ =	shalt  }
0x72: {  	_ =	shalt  }
0x73: {  	_ =	shalt  }
0x74: {  	_ =	shalt  }
0x75: {  	_ =	shalt  }
0x76: {  	_ =	shalt  }
0x77: {  	_ =	shalt  }
0x78: {  	_ =	shalt  }
0x79: {  	_ =	shalt  }
0x7a: {  	_ =	shalt  }
0x7b: {  	_ =	shalt  }
0x7c: {  	_ =	shalt  }
0x7d: {  	_ =	shalt  }
0x7e: {  	_ =	shalt  }
0x7f: {  	_ =	shalt  }
0x80: {  	_ =	shalt  }
0x81: {  	_ =	shalt  }
0x82: {  	_ =	shalt  }
0x83: {  	_ =	shalt  }
0x84: {  	_ =	shalt  }
0x85: {  	_ =	shalt  }
0x86: {  	_ =	shalt  }
0x87: {  	_ =	shalt  }
.Lfunc_end0:
.L_simem_size_0:
called_computation_lowered:
.L_overlay_start_0:
0x88: {  	s2 =	sld [smem:$0x3FD9]  }
0x89: {  	s3 =	sld [smem:$0x3FFE];
	_ =	sdelay $0x1  }
0x8a: {  	s1 =	srdreg.scid  }
0x8b: {  	s0 =	sand.u32 $0x1, s1  }
0x8c: {  	s16 =	sshll.u32 s0, $0xA;
	s2 =	sadd.s32 s3, s2  }
0x8d: {  	s2 =	sadd.s32 s2, s16  }
0x8e: {  	[smem:$0x3FBD] =	sst s2  }
0x8f: {  	_ = 	snop  }
0x90: {  	(tm) =	ssettm $0x1  }
0x91: {  	s17 =	sld [smem:$0x3FFB];
	_ =	sdelay $0x3  }
0x92: {  	_ =	strace s17  }
0x93: {  	s2 =	sld [smem:$0x3FFC];
	_ =	sdelay $0x3  }
0x94: {  	_ =	strace s2  }
0x95: {  	s2 =	sld [smem:$0x3FFD];
	_ =	sdelay $0x3  }
0x96: {  	_ =	strace s2  }
0x97: {  	_ =	strace $0x8FFFFFFF  }
0x98: {  	s18 =	sld [smem:$0x3FDB];
	_ =	sdelay $0x1  }
0x99: {  	s19 =	simm.s32 $_scs_section_size  }
0x9a: {  	s4 =	simm.s32 $_size__tile_overlayer_lowered;
	s5 =	simm.s32 $_tile_overlayer_lowered  }
0x9b: {  	s22 =	simm.s32 $0x1BFF;
	s21 =	sshll.u32 s5, $0x1;
	s2 =	sadd.s32 s19, s18  }
0x9c: {  	s6 =	simm.s32 $0x0;
	s20 =	sshll.u32 s4, $0x1;
	s4 =	sadd.s32 s21, s2  }
0x9d: {  	[timem:s6], [sflag:s22] =	dma.local [hbm:s4], s20  }
0x9e: {  	_ =	swait.ge [sflag:s22], s20  }
0x9f: {  	s3 =	ssub.s32 $0x0, s20;
	[sflag:s22] =	ssyncset.done $0x0  }
0xa0: {  	[sflag:s22] =	ssyncadd.s32 s3;
	_ =	sdelay $0x1  }
0xa1: {  	s23 =	simm.s32 $0x1B8B  }
0xa2: {  	_ =	swait.ge [sflag:s23], $0x1  }
0xa3: {  	[sflag:s23] =	ssyncset.done $0x0  }
0xa4: {  	s25 =	simm.s32 $0x1B8E;
	s24 =	sld [smem:$0x3FFE];
	[sflag:s23] =	ssyncadd.s32 $0xFFFFFFFF  }
0xa5: {  	s26 =	simm.s32 $execute0_lowered;
	[smem:$0x3FD2] =	sst s25  }
0xa6: {  	s4 =	sshll.u32 s26, $0x1;
	_ =	strace $0x80000046;
	[dreg:$0x1] =	wrdreg $0xFFFFFFFF  }
0xa7: {  	s28 =	simm.s32 $_size_execute0_lowered;
	s2 =	sadd.s32 s2, s4;
	[dreg:$0x0] =	wrdreg $0x0  }
0xa8: {  	s4 =	sshll.u32 s28, $0x1;
	[dreg:$0x2] =	wrdreg s2  }
0xa9: {  	[dreg:$0x3] =	wrdreg s4  }
0xaa: {  	[dreg:$0x4] =	wrdreg $0xC0  }
0xab: {  	_ =	task [dreg:s6], $0x5FFFF  }
0xac: {  	[dreg:$0x1] =	wrdreg $0xFFFFFFFF  }
0xad: {  	[dreg:$0x0] =	wrdreg $0x60  }
0xae: {  	[dreg:$0x2] =	wrdreg s24  }
0xaf: {  	[dreg:$0x3] =	wrdreg $0xA9000  }
0xb0: {  	[dreg:$0x4] =	wrdreg $0x1E9000  }
0xb1: {  	[dreg:$0x5] =	wrdreg $0x9  }
0xb2: {  	_ =	task.clear_ibuf [dreg:s6], $0x6FFFF;
	_ =	strace $0x90000046  }
0xb3: {  	s29 =	simm.s32 $0x9;
	_ =	strace $0x80000048  }
0xb4: {  	_ =	swait.ge [sflag:s29], $0x1  }
0xb5: {  	[sflag:s29] =	ssyncadd.s32 $0xFFFFFFFF  }
0xb6: {  	_ =	strace $0x90000048  }
0xb7: {  	_ =	sfence  }
0xb8: {  	s30 =	sld [smem:$0x0];
	_ =	sdelay $0x2  }
0xb9: {  	s31 =	sshll.u32 s1, $0xD;
	s1 =	sshrl.u32 s1, $0x2  }
0xba: {  	s3 =	sand.u32 $0x4000, s31;
	s1 =	sadd.s32 s1, s30  }
0xbb: {  	s0 =	sor.u32 s3, s0;
	s1 =	sshll.u32 s1, $0x11  }
0xbc: {  	s0 =	sor.u32 s1, s0  }
0xbd: {  	s0 =	sadd.s32 $0x8F2B, s0  }
0xbe: {  	[sflag:s0] =	ssyncadd.remote.s32 $0x1  }
0xbf: {  	_ =	sfence.sel $0xFFFF  }
0xc0: {  	[dreg:$0x0] =	wrdreg $0xFFFFFFFF;
	(pc) =	sbr.abs _section_cstart, $3  }
0xc1: {  	[dreg:$0x1] =	wrdreg $0xFFFFFFFF  }
0xc2: {  	_ =	task.clear_ibuf [dreg:s6], $0x2FFFF;
	_ =	strace $0x9FFFFFFF  }
0xc3: {  	(tm) =	ssettm $0x7FFFFFFF  }
tec
execute0_lowered:
.L_overlay_start_1:
0x0: {  	(tag) =	ssettag $0x1  }
0x1: {  	s0 =	rddreg [dreg:$0x0]  }
0x2: {  	s1 =	rddreg [dreg:$0x1]  }
0x3: {  	s2 =	rddreg [dreg:$0x2];
	s4 =	simm.s32 $0x0;
	s3 =	srdreg.scid  }
0x4: {  	s20 =	stileid.u32;
	[smem:$0x7FF] =	sst s4  }
0x5: {  	s3 =	sand.u32 $0x1, s3;
	s5 =	sadd.s32 $0x15E00, s0;
	s9 =	smul.u32 $0x14000, s20  }
0x6: {  	s6 =	sadd.s32 $0x3DE00, s0;
	s11 =	sadd.s32 $0x1E00, s0;
	s22 =	smul.u32 $0x500, s20  }
0x7: {  	s12 =	sadd.s32 $0xBE00, s0;
	s7 =	sadd.s32 $0x3E400, s0;
	s14 =	smul.u32 $0x50000, s20  }
0x8: {  	s10 =	sadd.s32 $0x3E800, s0;
	s26 =	sshll.u32 s20, $0x6;
	s8 =	smul.u32 $0x140000, s3  }
0x9: {  	_ =	strace $0x80000047;
	[dreg:$0x4] =	wrdreg s10;
	s23 =	sshll.u32 s3, $0x7  }
0xa: {  	s24 =	ssub.s32 $0x2, s3;
	s3 =	sshll.u32 s3, $0x4;
	s10 =	sor.u32 $0x1C03, s26  }
0xb: {  	s13 =	sshrl.u32 s24, $0x1;
	s3 =	sor.u32 s20, s3;
	s25 =	sshrl.u32 s14, $0x2  }
0xc: {  	s20 =	smul.u32 $0xA00, s20;
	s8 =	sadd.s32 s9, s8;
	s9 =	sor.u32 s23, s22  }
0xd: {  	s13 =	ssub.s32 s24, s13;
	s3 =	smul.u32 $0x2800, s3;
	s8 =	sshrl.u32 s8, $0x3  }
0xe: {  	s9 =	sshrl.u32 s9, $0x3;
	s13 =	smax.u32 s13, $0x1;
	s8 =	sadd.s32 s8, s0  }
0xf: {  	s0 =	sadd.s32 s9, s0;
	s9 =	sadd.s32 s25, s1;
	s3 =	sshrl.u32 s3, $0x3  }
0x10: {  	[dreg:$0xc] =	wrdreg s13;
	s13 =	simm.s32 $0x80;
	s28 =	sadd.s32 $0x1400, s9  }
0x11: {  	s15 =	sadd.s32 $0x2800, s9;
	s16 =	sadd.s32 $0x3C00, s9;
	s22 =	sadd.s32 s11, s3  }
0x12: {  	s21 =	sadd.s32 $0x280, s3;
	s3 =	sadd.s32 s12, s3;
	[dreg:$0x5] =	wrdreg s22  }
0x13: {  	s17 =	sadd.s32 $0x5000, s9;
	s8 =	sadd.s32 $0x3F400, s8;
	[dreg:$0x6] =	wrdreg s3  }
0x14: {  	s18 =	sadd.s32 $0x6400, s9;
	s0 =	sadd.s32 $0x3EA00, s0;
	[dreg:$0xa] =	wrdreg s8  }
0x15: {  	s19 =	sadd.s32 $0x7800, s9;
	s29 =	sadd.s32 s11, s21;
	[dreg:$0xb] =	wrdreg s0  }
0x16: {  	s31 =	sadd.s32 $0x8C00, s9;
	s30 =	sadd.s32 s12, s21;
	[dreg:$0x7] =	wrdreg s29  }
0x17: {  	s23 =	sadd.s32 $0xC800, s9;
	s14 =	sshrl.u32 s28, $0x3;
	[dreg:$0x8] =	wrdreg s30  }
0x18: {  	s24 =	sadd.s32 $0xDC00, s9;
	s15 =	sshrl.u32 s15, $0x3;
	[dreg:$0xd] =	wrdreg s14  }
0x19: {  	s25 =	sadd.s32 $0xF000, s9;
	s16 =	sshrl.u32 s16, $0x3;
	[dreg:$0xe] =	wrdreg s15  }
0x1a: {  	s12 =	sshrl.u32 s20, $0x2;
	s17 =	sshrl.u32 s17, $0x3;
	[dreg:$0xf] =	wrdreg s16  }
0x1b: {  	s18 =	sshrl.u32 s18, $0x3;
	s19 =	sshrl.u32 s19, $0x3;
	[dreg:$0x10] =	wrdreg s17  }
0x1c: {  	s20 =	sadd.s32 $0xA000, s9;
	s21 =	sadd.s32 $0xB400, s9;
	[dreg:$0x11] =	wrdreg s18  }
0x1d: {  	s3 =	sshrl.u32 s31, $0x3;
	s26 =	sshrl.u32 s24, $0x3;
	[dreg:$0x12] =	wrdreg s19  }
0x1e: {  	s28 =	sshrl.u32 s25, $0x3;
	s31 =	sadd.s32 $0x12C00, s9;
	[dreg:$0x13] =	wrdreg s3  }
0x1f: {  	s11 =	sadd.s32 s12, s2;
	s0 =	sshrl.u32 s20, $0x3;
	[dreg:$0x17] =	wrdreg s26  }
0x20: {  	s22 =	sshrl.u32 s21, $0x3;
	[dreg:$0x18] =	wrdreg s28;
	s29 =	sadd.s32 $0x10400, s9  }
0x21: {  	s30 =	sadd.s32 $0x11800, s9;
	s8 =	sshrl.u32 s31, $0x3;
	s12 =	simm.s32 $0x1400  }
0x22: {  	s14 =	simm.s32 $0x2800;
	s15 =	simm.s32 $0xA800;
	s16 =	simm.s32 $0x6800  }
0x23: {  	s17 =	simm.s32 $0xA880;
	s18 =	simm.s32 $0x1;
	[dreg:$0x9] =	wrdreg s11  }
0x24: {  	s19 =	simm.s32 $0x2;
	s20 =	simm.s32 $0x1380;
	[dreg:$0x14] =	wrdreg s0  }
0x25: {  	s21 =	simm.s32 $0x2700;
	[dreg:$0x15] =	wrdreg s22;
	s0 =	sshrl.u32 s23, $0x3  }
0x26: {  	s3 =	sshrl.u32 s30, $0x3;
	s11 =	simm.s32 $0x3;
	s22 =	simm.s32 $0x2780  }
0x27: {  	s23 =	simm.s32 $0x0;
	[dreg:$0x16] =	wrdreg s0;
	s0 =	sshrl.u32 s29, $0x3  }
.LBB2_1:
0x28: {  	s24 =	sshrl.u32 s9, $0x3  }
0x29: {  	[spmem:s24], [sflag:s10] =	dma.local [hbm:s7], $0x280  }
0x2a: {  	_ =	swait.ge [sflag:s11], $0x280  }
0x2b: {  	[sflag:s11] =	ssyncset.done $0x0  }
0x2c: {  	s25 =	rddreg [dreg:$0xd];
	[sflag:s11] =	ssyncadd.s32 $0xFFFFFD80  }
0x2d: {  	[spmem:s25], [sflag:s10] =	dma.local [hbm:s7], $0x280  }
0x2e: {  	_ =	swait.ge [sflag:s11], $0x280  }
0x2f: {  	[sflag:s11] =	ssyncset.done $0x0  }
0x30: {  	s29 =	rddreg [dreg:$0xe];
	[sflag:s11] =	ssyncadd.s32 $0xFFFFFD80  }
0x31: {  	[spmem:s29], [sflag:s10] =	dma.local [hbm:s7], $0x280  }
0x32: {  	_ =	swait.ge [sflag:s11], $0x280  }
0x33: {  	[sflag:s11] =	ssyncset.done $0x0  }
0x34: {  	s30 =	rddreg [dreg:$0xf];
	[sflag:s11] =	ssyncadd.s32 $0xFFFFFD80  }
0x35: {  	[spmem:s30], [sflag:s10] =	dma.local [hbm:s7], $0x280  }
0x36: {  	_ =	swait.ge [sflag:s11], $0x280  }
0x37: {  	[sflag:s11] =	ssyncset.done $0x0  }
0x38: {  	s31 =	rddreg [dreg:$0x10];
	[sflag:s11] =	ssyncadd.s32 $0xFFFFFD80  }
0x39: {  	[spmem:s31], [sflag:s10] =	dma.local [hbm:s7], $0x280  }
0x3a: {  	_ =	swait.ge [sflag:s11], $0x280  }
0x3b: {  	[sflag:s11] =	ssyncset.done $0x0  }
0x3c: {  	s26 =	rddreg [dreg:$0x11];
	[sflag:s11] =	ssyncadd.s32 $0xFFFFFD80  }
0x3d: {  	[spmem:s26], [sflag:s10] =	dma.local [hbm:s7], $0x280  }
0x3e: {  	_ =	swait.ge [sflag:s11], $0x280  }
0x3f: {  	[sflag:s11] =	ssyncset.done $0x0  }
0x40: {  	s29 =	rddreg [dreg:$0x12];
	[sflag:s11] =	ssyncadd.s32 $0xFFFFFD80  }
0x41: {  	[spmem:s29], [sflag:s10] =	dma.local [hbm:s7], $0x280  }
0x42: {  	_ =	swait.ge [sflag:s11], $0x280  }
0x43: {  	[sflag:s11] =	ssyncset.done $0x0  }
0x44: {  	s30 =	rddreg [dreg:$0x13];
	[sflag:s11] =	ssyncadd.s32 $0xFFFFFD80  }
0x45: {  	[spmem:s30], [sflag:s10] =	dma.local [hbm:s7], $0x280  }
0x46: {  	_ =	swait.ge [sflag:s11], $0x280  }
0x47: {  	[sflag:s11] =	ssyncset.done $0x0  }
0x48: {  	s31 =	rddreg [dreg:$0x14];
	[sflag:s11] =	ssyncadd.s32 $0xFFFFFD80  }
0x49: {  	[spmem:s31], [sflag:s10] =	dma.local [hbm:s7], $0x280  }
0x4a: {  	_ =	swait.ge [sflag:s11], $0x280  }
0x4b: {  	[sflag:s11] =	ssyncset.done $0x0  }
0x4c: {  	s26 =	rddreg [dreg:$0x15];
	[sflag:s11] =	ssyncadd.s32 $0xFFFFFD80  }
0x4d: {  	[spmem:s26], [sflag:s10] =	dma.local [hbm:s7], $0x280  }
0x4e: {  	_ =	swait.ge [sflag:s11], $0x280  }
0x4f: {  	[sflag:s11] =	ssyncset.done $0x0  }
0x50: {  	s29 =	rddreg [dreg:$0x16];
	[sflag:s11] =	ssyncadd.s32 $0xFFFFFD80  }
0x51: {  	[spmem:s29], [sflag:s10] =	dma.local [hbm:s7], $0x280  }
0x52: {  	_ =	swait.ge [sflag:s11], $0x280  }
0x53: {  	[sflag:s11] =	ssyncset.done $0x0  }
0x54: {  	s30 =	rddreg [dreg:$0x17];
	[sflag:s11] =	ssyncadd.s32 $0xFFFFFD80  }
0x55: {  	[spmem:s30], [sflag:s10] =	dma.local [hbm:s7], $0x280  }
0x56: {  	_ =	swait.ge [sflag:s11], $0x280  }
0x57: {  	[sflag:s11] =	ssyncset.done $0x0  }
0x58: {  	s31 =	rddreg [dreg:$0x18];
	[sflag:s11] =	ssyncadd.s32 $0xFFFFFD80  }
0x59: {  	[spmem:s31], [sflag:s10] =	dma.local [hbm:s7], $0x280  }
0x5a: {  	_ =	swait.ge [sflag:s11], $0x280  }
0x5b: {  	[sflag:s11] =	ssyncset.done $0x0  }
0x5c: {  	[sflag:s11] =	ssyncadd.s32 $0xFFFFFD80  }
0x5d: {  	[spmem:s0], [sflag:s10] =	dma.local [hbm:s7], $0x280  }
0x5e: {  	_ =	swait.ge [sflag:s11], $0x280  }
0x5f: {  	[sflag:s11] =	ssyncset.done $0x0  }
0x60: {  	[sflag:s11] =	ssyncadd.s32 $0xFFFFFD80  }
0x61: {  	[spmem:s3], [sflag:s10] =	dma.local [hbm:s7], $0x280  }
0x62: {  	_ =	swait.ge [sflag:s11], $0x280  }
0x63: {  	[sflag:s11] =	ssyncset.done $0x0  }
0x64: {  	[sflag:s11] =	ssyncadd.s32 $0xFFFFFD80  }
0x65: {  	[spmem:s8], [sflag:s10] =	dma.local [hbm:s7], $0x280  }
0x66: {  	_ =	swait.ge [sflag:s11], $0x280  }
0x67: {  	[sflag:s11] =	ssyncset.done $0x0;
	s26 =	rddreg [dreg:$0x9]  }
0x68: {  	[sflag:s11] =	ssyncadd.s32 $0xFFFFFD80;
	s25 =	sshrl.u32 s26, $0x3;
	s26 =	rddreg [dreg:$0x4]  }
0x69: {  	[spmem:s25], [sflag:s10] =	dma.local [hbm:s26], $0x50  }
0x6a: {  	_ =	swait.ge [sflag:s11], $0x50  }
0x6b: {  	[sflag:s11] =	ssyncset.done $0x0  }
0x6c: {  	[sflag:s11] =	ssyncadd.s32 $0xFFFFFFB0  }
0x6d: {  	[bflag:$0x0] =	sbarrier.arrive $0xFFFF  }
0x6e: {  	s29 =	rddreg [dreg:$0x5]  }
0x6f: {  	[tilespmem:s4], [sflag:$0x3] =	stream.linear.gather [hbm4b:s29+s4], $0x1400, $0x38;
	[tilespmem:$0x1EB80] =	vst v63  }
0x70: {  	_ =	swait.ge [sflag:s11], $0x1400  }
0x71: {  	[sflag:s11] =	ssyncset.done $0x0  }
0x72: {  	s30 =	rddreg [dreg:$0x6];
	[sflag:s11] =	ssyncadd.s32 $0xFFFFEC00  }
0x73: {  	[tilespmem:s12], [sflag:$0x3] =	stream.linear.gather [hbm4b:s30+s4], $0x1400, $0x38;
	[tilespmem:$0x1EB80] =	vst v63  }
0x74: {  	_ =	swait.ge [sflag:s11], $0x1400  }
0x75: {  	[sflag:s11] =	ssyncset.done $0x0  }
0x76: {  	[sflag:s11] =	ssyncadd.s32 $0xFFFFEC00  }
0x77: {  	[tilespmem:s14], [sflag:$0x1] =	stream.indirect.gather [hbm4b:s5+s13], $0x80, s4, s13, $0xb8;
	[tilespmem:$0x1EB80] =	vst v63  }
0x78: {  	_ = 	snop  }
0x79: {  	[tilespmem:s15], [sflag:$0x1] =	stream.indirect.gather [hbm4b:s6+s13], $0x1, s4, s13, $0xb8;
	[tilespmem:$0x1EB80] =	vst v63  }
0x7a: {  	s31 =	simm.s32 $0x80  }
0x7b: {  	[tilespmem:s16], [sflag:$0x2] =	stream.indirect.gather [hbm4b:s5+s13], $0x80, s31, s13, $0xb8;
	[tilespmem:$0x1EB80] =	vst v63  }
0x7c: {  	_ = 	snop  }
0x7d: {  	[tilespmem:s17], [sflag:$0x2] =	stream.indirect.gather [hbm4b:s6+s13], $0x1, s31, s13, $0xb8;
	[tilespmem:$0x1EB80] =	vst v63  }
0x7e: {  	_ =	swait.ge [sflag:s18], $0x4000  }
0x7f: {  	[sflag:s18] =	ssyncset.done $0x0  }
0x80: {  	[sflag:s18] =	ssyncadd.s32 $0xFFFFC000  }
0x81: {  	_ =	swait.ge [sflag:s18], $0x80  }
0x82: {  	[sflag:s18] =	ssyncset.done $0x0  }
0x83: {  	s29 =	simm.s32 $0x1400;
	[sflag:s18] =	ssyncadd.s32 $0xFFFFFF80  }
0x84: {  	[spmem:s1] =	stream.indirect.scatter.add.f32 [tilespmem:s14], [sflag:$0x3], $0x80, s29, s13, $0xb8;
	[tilespmem:$0x1EB80] =	vst v63  }
0x85: {  	_ =	swait.ge [sflag:s11], $0x4000  }
0x86: {  	[sflag:s11] =	ssyncset.done $0x0  }
0x87: {  	[sflag:s11] =	ssyncadd.s32 $0xFFFFC000  }
0x88: {  	[spmem:s2] =	stream.indirect.scatter.add.f32 [tilespmem:s15], [sflag:$0x3], $0x1, s29, s13, $0xb8;
	[tilespmem:$0x1EB80] =	vst v63  }
0x89: {  	_ =	swait.ge [sflag:s11], $0x80  }
0x8a: {  	[sflag:s11] =	ssyncset.done $0x0  }
0x8b: {  	s30 =	simm.s32 $0x100;
	[sflag:s11] =	ssyncadd.s32 $0xFFFFFF80  }
0x8c: {  	[tilespmem:s14], [sflag:$0x1] =	stream.indirect.gather [hbm4b:s5+s13], $0x80, s30, s13, $0xb8;
	[tilespmem:$0x1EB80] =	vst v63  }
0x8d: {  	_ = 	snop  }
0x8e: {  	[tilespmem:s15], [sflag:$0x1] =	stream.indirect.gather [hbm4b:s6+s13], $0x1, s30, s13, $0xb8;
	[tilespmem:$0x1EB80] =	vst v63  }
0x8f: {  	_ =	swait.ge [sflag:s19], $0x4000  }
0x90: {  	[sflag:s19] =	ssyncset.done $0x0  }
0x91: {  	[sflag:s19] =	ssyncadd.s32 $0xFFFFC000  }
0x92: {  	_ =	swait.ge [sflag:s19], $0x80  }
0x93: {  	[sflag:s19] =	ssyncset.done $0x0  }
0x94: {  	s31 =	simm.s32 $0x1480;
	[sflag:s19] =	ssyncadd.s32 $0xFFFFFF80  }
0x95: {  	[spmem:s1] =	stream.indirect.scatter.add.f32 [tilespmem:s16], [sflag:$0x3], $0x80, s31, s13, $0xb8;
	[tilespmem:$0x1EB80] =	vst v63  }
0x96: {  	_ =	swait.ge [sflag:s11], $0x4000  }
0x97: {  	[sflag:s11] =	ssyncset.done $0x0  }
0x98: {  	[sflag:s11] =	ssyncadd.s32 $0xFFFFC000  }
0x99: {  	[spmem:s2] =	stream.indirect.scatter.add.f32 [tilespmem:s17], [sflag:$0x3], $0x1, s31, s13, $0xb8;
	[tilespmem:$0x1EB80] =	vst v63  }
0x9a: {  	_ =	swait.ge [sflag:s11], $0x80  }
0x9b: {  	s28 =	simm.s32 $0x800;
	s26 =	simm.s32 $0x100;
	[sflag:s11] =	ssyncset.done $0x0  }
.LBB2_2:
0x9c: {  	s31 =	sadd.s32 $0x80, s26  }
0x9d: {  	[sflag:s11] =	ssyncadd.s32 $0xFFFFFF80;
	s29 =	smov.u32 s28;
	s30 =	sadd.s32 $0x400, s28  }
0x9e: {  	[tilespmem:s16], [sflag:$0x2] =	stream.indirect.gather [hbm4b:s5+s13], $0x80, s31, s13, $0xb8;
	[tilespmem:$0x1EB80] =	vst v63  }
0x9f: {  	p0 =	sne.s32 s28, $0x4800  }
0xa0: {  	[tilespmem:s17], [sflag:$0x2] =	stream.indirect.gather [hbm4b:s6+s13], $0x1, s31, s13, $0xb8;
	[tilespmem:$0x1EB80] =	vst v63  }
0xa1: {  	_ =	swait.ge [sflag:s18], $0x4000  }
0xa2: {  	[sflag:s18] =	ssyncset.done $0x0  }
0xa3: {  	[sflag:s18] =	ssyncadd.s32 $0xFFFFC000  }
0xa4: {  	_ =	swait.ge [sflag:s18], $0x80  }
0xa5: {  	[sflag:s18] =	ssyncset.done $0x0  }
0xa6: {  	s28 =	sadd.s32 $0x1400, s26;
	[sflag:s18] =	ssyncadd.s32 $0xFFFFFF80  }
0xa7: {  	[spmem:s1] =	stream.indirect.scatter.add.f32 [tilespmem:s14], [sflag:$0x3], $0x80, s28, s13, $0xb8;
	[tilespmem:$0x1EB80] =	vst v63  }
0xa8: {  	_ =	swait.ge [sflag:s11], $0x4000  }
0xa9: {  	[sflag:s11] =	ssyncset.done $0x0  }
0xaa: {  	[sflag:s11] =	ssyncadd.s32 $0xFFFFC000  }
0xab: {  	[spmem:s2] =	stream.indirect.scatter.add.f32 [tilespmem:s15], [sflag:$0x3], $0x1, s28, s13, $0xb8;
	[tilespmem:$0x1EB80] =	vst v63  }
0xac: {  	_ =	swait.ge [sflag:s11], $0x80  }
0xad: {  	[sflag:s11] =	ssyncset.done $0x0  }
0xae: {  	s28 =	sadd.s32 $0x100, s26;
	[sflag:s11] =	ssyncadd.s32 $0xFFFFFF80  }
0xaf: {  	[tilespmem:s14], [sflag:$0x1] =	stream.indirect.gather [hbm4b:s5+s13], $0x80, s28, s13, $0xb8;
	[tilespmem:$0x1EB80] =	vst v63  }
0xb0: {  	_ = 	snop  }
0xb1: {  	[tilespmem:s15], [sflag:$0x1] =	stream.indirect.gather [hbm4b:s6+s13], $0x1, s28, s13, $0xb8;
	[tilespmem:$0x1EB80] =	vst v63  }
0xb2: {  	_ =	swait.ge [sflag:s19], $0x4000  }
0xb3: {  	[sflag:s19] =	ssyncset.done $0x0  }
0xb4: {  	[sflag:s19] =	ssyncadd.s32 $0xFFFFC000  }
0xb5: {  	_ =	swait.ge [sflag:s19], $0x80  }
0xb6: {  	[sflag:s19] =	ssyncset.done $0x0  }
0xb7: {  	s26 =	sadd.s32 $0x1480, s26;
	[sflag:s19] =	ssyncadd.s32 $0xFFFFFF80  }
0xb8: {  	[spmem:s1] =	stream.indirect.scatter.add.f32 [tilespmem:s16], [sflag:$0x3], $0x80, s26, s13, $0xb8;
	[tilespmem:$0x1EB80] =	vst v63  }
0xb9: {  	_ =	swait.ge [sflag:s11], $0x4000  }
.Ltmp0:
0xba: {  	[sflag:s11] =	ssyncset.done $0x0;
	(pc) =	sbr.rel @p0 .LBB2_2-.Ltmp0, $4  }
0xbb: {  	[sflag:s11] =	ssyncadd.s32 $0xFFFFC000  }
0xbc: {  	[spmem:s2] =	stream.indirect.scatter.add.f32 [tilespmem:s17], [sflag:$0x3], $0x1, s26, s13, $0xb8;
	[tilespmem:$0x1EB80] =	vst v63  }
0xbd: {  	_ =	swait.ge [sflag:s11], $0x80  }
0xbe: {  	s28 =	smov.u32 s30;
	s26 =	sshra.s32 s29, $0x2;
	[sflag:s11] =	ssyncset.done $0x0  }
0xbf: {  	s28 =	sadd.s32 $0x80, s26;
	[sflag:s11] =	ssyncadd.s32 $0xFFFFFF80  }
0xc0: {  	[tilespmem:s16], [sflag:$0x2] =	stream.indirect.gather [hbm4b:s5+s13], $0x80, s28, s13, $0xb8;
	[tilespmem:$0x1EB80] =	vst v63  }
0xc1: {  	_ = 	snop  }
0xc2: {  	[tilespmem:s17], [sflag:$0x2] =	stream.indirect.gather [hbm4b:s6+s13], $0x1, s28, s13, $0xb8;
	[tilespmem:$0x1EB80] =	vst v63  }
0xc3: {  	_ =	swait.ge [sflag:s18], $0x4000  }
0xc4: {  	[sflag:s18] =	ssyncset.done $0x0  }
0xc5: {  	[sflag:s18] =	ssyncadd.s32 $0xFFFFC000  }
0xc6: {  	_ =	swait.ge [sflag:s18], $0x80  }
0xc7: {  	[sflag:s18] =	ssyncset.done $0x0  }
0xc8: {  	s29 =	sadd.s32 $0x1400, s26;
	[sflag:s18] =	ssyncadd.s32 $0xFFFFFF80  }
0xc9: {  	[spmem:s1] =	stream.indirect.scatter.add.f32 [tilespmem:s14], [sflag:$0x3], $0x80, s29, s13, $0xb8;
	[tilespmem:$0x1EB80] =	vst v63  }
0xca: {  	_ =	swait.ge [sflag:s11], $0x4000  }
0xcb: {  	[sflag:s11] =	ssyncset.done $0x0  }
0xcc: {  	[sflag:s11] =	ssyncadd.s32 $0xFFFFC000  }
0xcd: {  	[spmem:s2] =	stream.indirect.scatter.add.f32 [tilespmem:s15], [sflag:$0x3], $0x1, s29, s13, $0xb8;
	[tilespmem:$0x1EB80] =	vst v63  }
0xce: {  	_ =	swait.ge [sflag:s11], $0x80  }
0xcf: {  	[sflag:s11] =	ssyncset.done $0x0  }
0xd0: {  	s31 =	sadd.s32 $0x100, s26;
	[sflag:s11] =	ssyncadd.s32 $0xFFFFFF80  }
0xd1: {  	[tilespmem:s14], [sflag:$0x1] =	stream.indirect.gather [hbm4b:s5+s13], $0x80, s31, s13, $0xb8;
	[tilespmem:$0x1EB80] =	vst v63  }
0xd2: {  	_ = 	snop  }
0xd3: {  	[tilespmem:s15], [sflag:$0x1] =	stream.indirect.gather [hbm4b:s6+s13], $0x1, s31, s13, $0xb8;
	[tilespmem:$0x1EB80] =	vst v63  }
0xd4: {  	_ =	swait.ge [sflag:s19], $0x4000  }
0xd5: {  	[sflag:s19] =	ssyncset.done $0x0  }
0xd6: {  	[sflag:s19] =	ssyncadd.s32 $0xFFFFC000  }
0xd7: {  	_ =	swait.ge [sflag:s19], $0x80  }
0xd8: {  	[sflag:s19] =	ssyncset.done $0x0  }
0xd9: {  	s29 =	sadd.s32 $0x1480, s26;
	[sflag:s19] =	ssyncadd.s32 $0xFFFFFF80  }
0xda: {  	[spmem:s1] =	stream.indirect.scatter.add.f32 [tilespmem:s16], [sflag:$0x3], $0x80, s29, s13, $0xb8;
	[tilespmem:$0x1EB80] =	vst v63  }
0xdb: {  	_ =	swait.ge [sflag:s11], $0x4000  }
0xdc: {  	[sflag:s11] =	ssyncset.done $0x0  }
0xdd: {  	[sflag:s11] =	ssyncadd.s32 $0xFFFFC000  }
0xde: {  	[spmem:s2] =	stream.indirect.scatter.add.f32 [tilespmem:s17], [sflag:$0x3], $0x1, s29, s13, $0xb8;
	[tilespmem:$0x1EB80] =	vst v63  }
0xdf: {  	_ =	swait.ge [sflag:s11], $0x80  }
0xe0: {  	[sflag:s11] =	ssyncset.done $0x0  }
0xe1: {  	[sflag:s11] =	ssyncadd.s32 $0xFFFFFF80  }
0xe2: {  	[tilespmem:s16], [sflag:$0x2] =	stream.indirect.gather [hbm4b:s5+s13], $0x80, s20, s13, $0xb8;
	[tilespmem:$0x1EB80] =	vst v63  }
0xe3: {  	_ = 	snop  }
0xe4: {  	[tilespmem:s17], [sflag:$0x2] =	stream.indirect.gather [hbm4b:s6+s13], $0x1, s20, s13, $0xb8;
	[tilespmem:$0x1EB80] =	vst v63  }
0xe5: {  	_ =	swait.ge [sflag:s18], $0x4000  }
0xe6: {  	[sflag:s18] =	ssyncset.done $0x0  }
0xe7: {  	[sflag:s18] =	ssyncadd.s32 $0xFFFFC000  }
0xe8: {  	_ =	swait.ge [sflag:s18], $0x80  }
0xe9: {  	[sflag:s18] =	ssyncset.done $0x0  }
0xea: {  	[sflag:s18] =	ssyncadd.s32 $0xFFFFFF80  }
0xeb: {  	[spmem:s1] =	stream.indirect.scatter.add.f32 [tilespmem:s14], [sflag:$0x3], $0x80, s21, s13, $0xb8;
	[tilespmem:$0x1EB80] =	vst v63  }
0xec: {  	_ =	swait.ge [sflag:s11], $0x4000  }
0xed: {  	[sflag:s11] =	ssyncset.done $0x0  }
0xee: {  	[sflag:s11] =	ssyncadd.s32 $0xFFFFC000  }
0xef: {  	[spmem:s2] =	stream.indirect.scatter.add.f32 [tilespmem:s15], [sflag:$0x3], $0x1, s21, s13, $0xb8;
	[tilespmem:$0x1EB80] =	vst v63  }
0xf0: {  	_ =	swait.ge [sflag:s11], $0x80  }
0xf1: {  	[sflag:s11] =	ssyncset.done $0x0  }
0xf2: {  	[sflag:s11] =	ssyncadd.s32 $0xFFFFFF80  }
0xf3: {  	_ =	swait.ge [sflag:s19], $0x4000  }
0xf4: {  	[sflag:s19] =	ssyncset.done $0x0  }
0xf5: {  	[sflag:s19] =	ssyncadd.s32 $0xFFFFC000  }
0xf6: {  	_ =	swait.ge [sflag:s19], $0x80  }
0xf7: {  	[sflag:s19] =	ssyncset.done $0x0  }
0xf8: {  	[sflag:s19] =	ssyncadd.s32 $0xFFFFFF80  }
0xf9: {  	[spmem:s1] =	stream.indirect.scatter.add.f32 [tilespmem:s16], [sflag:$0x3], $0x80, s22, s13, $0xb8;
	[tilespmem:$0x1EB80] =	vst v63  }
0xfa: {  	_ =	swait.ge [sflag:s11], $0x4000  }
0xfb: {  	[sflag:s11] =	ssyncset.done $0x0  }
0xfc: {  	[sflag:s11] =	ssyncadd.s32 $0xFFFFC000  }
0xfd: {  	[spmem:s2] =	stream.indirect.scatter.add.f32 [tilespmem:s17], [sflag:$0x3], $0x1, s22, s13, $0xb8;
	[tilespmem:$0x1EB80] =	vst v63  }
0xfe: {  	_ =	swait.ge [sflag:s11], $0x80  }
0xff: {  	[sflag:s11] =	ssyncset.done $0x0  }
0x100: {  	s26 =	simm.s32 $0x0;
	s31 =	rddreg [dreg:$0x7];
	[sflag:s11] =	ssyncadd.s32 $0xFFFFFF80  }
0x101: {  	[tilespmem:s26], [sflag:$0x3] =	stream.linear.gather [hbm4b:s31+s26], $0x1400, $0x38;
	[tilespmem:$0x1EB80] =	vst v63  }
0x102: {  	_ =	swait.ge [sflag:s11], $0x1400  }
0x103: {  	[sflag:s11] =	ssyncset.done $0x0  }
0x104: {  	s29 =	rddreg [dreg:$0x8];
	[sflag:s11] =	ssyncadd.s32 $0xFFFFEC00  }
0x105: {  	[tilespmem:s12], [sflag:$0x3] =	stream.linear.gather [hbm4b:s29+s26], $0x1400, $0x38;
	[tilespmem:$0x1EB80] =	vst v63  }
0x106: {  	_ =	swait.ge [sflag:s11], $0x1400  }
0x107: {  	[sflag:s11] =	ssyncset.done $0x0  }
0x108: {  	[sflag:s11] =	ssyncadd.s32 $0xFFFFEC00  }
0x109: {  	[tilespmem:s14], [sflag:$0x1] =	stream.indirect.gather [hbm4b:s5+s13], $0x80, s26, s13, $0xb8;
	[tilespmem:$0x1EB80] =	vst v63  }
0x10a: {  	_ = 	snop  }
0x10b: {  	[tilespmem:s15], [sflag:$0x1] =	stream.indirect.gather [hbm4b:s6+s13], $0x1, s26, s13, $0xb8;
	[tilespmem:$0x1EB80] =	vst v63  }
0x10c: {  	s31 =	simm.s32 $0x80  }
0x10d: {  	[tilespmem:s16], [sflag:$0x2] =	stream.indirect.gather [hbm4b:s5+s13], $0x80, s31, s13, $0xb8;
	[tilespmem:$0x1EB80] =	vst v63  }
0x10e: {  	_ = 	snop  }
0x10f: {  	[tilespmem:s17], [sflag:$0x2] =	stream.indirect.gather [hbm4b:s6+s13], $0x1, s31, s13, $0xb8;
	[tilespmem:$0x1EB80] =	vst v63  }
0x110: {  	_ =	swait.ge [sflag:s18], $0x4000  }
0x111: {  	[sflag:s18] =	ssyncset.done $0x0  }
0x112: {  	[sflag:s18] =	ssyncadd.s32 $0xFFFFC000  }
0x113: {  	_ =	swait.ge [sflag:s18], $0x80  }
0x114: {  	[sflag:s18] =	ssyncset.done $0x0  }
0x115: {  	s28 =	simm.s32 $0x1400;
	[sflag:s18] =	ssyncadd.s32 $0xFFFFFF80  }
0x116: {  	[spmem:s1] =	stream.indirect.scatter.add.f32 [tilespmem:s14], [sflag:$0x3], $0x80, s28, s13, $0xb8;
	[tilespmem:$0x1EB80] =	vst v63  }
0x117: {  	_ =	swait.ge [sflag:s11], $0x4000  }
0x118: {  	[sflag:s11] =	ssyncset.done $0x0  }
0x119: {  	[sflag:s11] =	ssyncadd.s32 $0xFFFFC000  }
0x11a: {  	[spmem:s2] =	stream.indirect.scatter.add.f32 [tilespmem:s15], [sflag:$0x3], $0x1, s28, s13, $0xb8;
	[tilespmem:$0x1EB80] =	vst v63  }
0x11b: {  	_ =	swait.ge [sflag:s11], $0x80  }
0x11c: {  	[sflag:s11] =	ssyncset.done $0x0  }
0x11d: {  	s29 =	simm.s32 $0x100;
	[sflag:s11] =	ssyncadd.s32 $0xFFFFFF80  }
0x11e: {  	[tilespmem:s14], [sflag:$0x1] =	stream.indirect.gather [hbm4b:s5+s13], $0x80, s29, s13, $0xb8;
	[tilespmem:$0x1EB80] =	vst v63  }
0x11f: {  	_ = 	snop  }
0x120: {  	[tilespmem:s15], [sflag:$0x1] =	stream.indirect.gather [hbm4b:s6+s13], $0x1, s29, s13, $0xb8;
	[tilespmem:$0x1EB80] =	vst v63  }
0x121: {  	_ =	swait.ge [sflag:s19], $0x4000  }
0x122: {  	[sflag:s19] =	ssyncset.done $0x0  }
0x123: {  	[sflag:s19] =	ssyncadd.s32 $0xFFFFC000  }
0x124: {  	_ =	swait.ge [sflag:s19], $0x80  }
0x125: {  	[sflag:s19] =	ssyncset.done $0x0  }
0x126: {  	s31 =	simm.s32 $0x1480;
	[sflag:s19] =	ssyncadd.s32 $0xFFFFFF80  }
0x127: {  	[spmem:s1] =	stream.indirect.scatter.add.f32 [tilespmem:s16], [sflag:$0x3], $0x80, s31, s13, $0xb8;
	[tilespmem:$0x1EB80] =	vst v63  }
0x128: {  	_ =	swait.ge [sflag:s11], $0x4000  }
0x129: {  	[sflag:s11] =	ssyncset.done $0x0  }
0x12a: {  	[sflag:s11] =	ssyncadd.s32 $0xFFFFC000  }
0x12b: {  	[spmem:s2] =	stream.indirect.scatter.add.f32 [tilespmem:s17], [sflag:$0x3], $0x1, s31, s13, $0xb8;
	[tilespmem:$0x1EB80] =	vst v63  }
0x12c: {  	_ =	swait.ge [sflag:s11], $0x80  }
0x12d: {  	s30 =	simm.s32 $0x800;
	s26 =	simm.s32 $0x100;
	[sflag:s11] =	ssyncset.done $0x0  }
.LBB2_4:
0x12e: {  	s31 =	sadd.s32 $0x80, s26  }
0x12f: {  	[sflag:s11] =	ssyncadd.s32 $0xFFFFFF80;
	s29 =	smov.u32 s30;
	s28 =	sadd.s32 $0x400, s30  }
0x130: {  	[tilespmem:s16], [sflag:$0x2] =	stream.indirect.gather [hbm4b:s5+s13], $0x80, s31, s13, $0xb8;
	[tilespmem:$0x1EB80] =	vst v63  }
0x131: {  	p0 =	sne.s32 s30, $0x4800  }
0x132: {  	[tilespmem:s17], [sflag:$0x2] =	stream.indirect.gather [hbm4b:s6+s13], $0x1, s31, s13, $0xb8;
	[tilespmem:$0x1EB80] =	vst v63  }
0x133: {  	_ =	swait.ge [sflag:s18], $0x4000  }
0x134: {  	[sflag:s18] =	ssyncset.done $0x0  }
0x135: {  	[sflag:s18] =	ssyncadd.s32 $0xFFFFC000  }
0x136: {  	_ =	swait.ge [sflag:s18], $0x80  }
0x137: {  	[sflag:s18] =	ssyncset.done $0x0  }
0x138: {  	s30 =	sadd.s32 $0x1400, s26;
	[sflag:s18] =	ssyncadd.s32 $0xFFFFFF80  }
0x139: {  	[spmem:s1] =	stream.indirect.scatter.add.f32 [tilespmem:s14], [sflag:$0x3], $0x80, s30, s13, $0xb8;
	[tilespmem:$0x1EB80] =	vst v63  }
0x13a: {  	_ =	swait.ge [sflag:s11], $0x4000  }
0x13b: {  	[sflag:s11] =	ssyncset.done $0x0  }
0x13c: {  	[sflag:s11] =	ssyncadd.s32 $0xFFFFC000  }
0x13d: {  	[spmem:s2] =	stream.indirect.scatter.add.f32 [tilespmem:s15], [sflag:$0x3], $0x1, s30, s13, $0xb8;
	[tilespmem:$0x1EB80] =	vst v63  }
0x13e: {  	_ =	swait.ge [sflag:s11], $0x80  }
0x13f: {  	[sflag:s11] =	ssyncset.done $0x0  }
0x140: {  	s30 =	sadd.s32 $0x100, s26;
	[sflag:s11] =	ssyncadd.s32 $0xFFFFFF80  }
0x141: {  	[tilespmem:s14], [sflag:$0x1] =	stream.indirect.gather [hbm4b:s5+s13], $0x80, s30, s13, $0xb8;
	[tilespmem:$0x1EB80] =	vst v63  }
0x142: {  	_ = 	snop  }
0x143: {  	[tilespmem:s15], [sflag:$0x1] =	stream.indirect.gather [hbm4b:s6+s13], $0x1, s30, s13, $0xb8;
	[tilespmem:$0x1EB80] =	vst v63  }
0x144: {  	_ =	swait.ge [sflag:s19], $0x4000  }
0x145: {  	[sflag:s19] =	ssyncset.done $0x0  }
0x146: {  	[sflag:s19] =	ssyncadd.s32 $0xFFFFC000  }
0x147: {  	_ =	swait.ge [sflag:s19], $0x80  }
0x148: {  	[sflag:s19] =	ssyncset.done $0x0  }
0x149: {  	s26 =	sadd.s32 $0x1480, s26;
	[sflag:s19] =	ssyncadd.s32 $0xFFFFFF80  }
0x14a: {  	[spmem:s1] =	stream.indirect.scatter.add.f32 [tilespmem:s16], [sflag:$0x3], $0x80, s26, s13, $0xb8;
	[tilespmem:$0x1EB80] =	vst v63  }
0x14b: {  	_ =	swait.ge [sflag:s11], $0x4000  }
.Ltmp1:
0x14c: {  	[sflag:s11] =	ssyncset.done $0x0;
	(pc) =	sbr.rel @p0 .LBB2_4-.Ltmp1, $4  }
0x14d: {  	[sflag:s11] =	ssyncadd.s32 $0xFFFFC000  }
0x14e: {  	[spmem:s2] =	stream.indirect.scatter.add.f32 [tilespmem:s17], [sflag:$0x3], $0x1, s26, s13, $0xb8;
	[tilespmem:$0x1EB80] =	vst v63  }
0x14f: {  	_ =	swait.ge [sflag:s11], $0x80  }
0x150: {  	s30 =	smov.u32 s28;
	s26 =	sshra.s32 s29, $0x2;
	[sflag:s11] =	ssyncset.done $0x0  }
0x151: {  	s28 =	sadd.s32 $0x80, s26;
	[sflag:s11] =	ssyncadd.s32 $0xFFFFFF80  }
0x152: {  	[tilespmem:s16], [sflag:$0x2] =	stream.indirect.gather [hbm4b:s5+s13], $0x80, s28, s13, $0xb8;
	[tilespmem:$0x1EB80] =	vst v63  }
0x153: {  	_ = 	snop  }
0x154: {  	[tilespmem:s17], [sflag:$0x2] =	stream.indirect.gather [hbm4b:s6+s13], $0x1, s28, s13, $0xb8;
	[tilespmem:$0x1EB80] =	vst v63  }
0x155: {  	_ =	swait.ge [sflag:s18], $0x4000  }
0x156: {  	[sflag:s18] =	ssyncset.done $0x0  }
0x157: {  	[sflag:s18] =	ssyncadd.s32 $0xFFFFC000  }
0x158: {  	_ =	swait.ge [sflag:s18], $0x80  }
0x159: {  	[sflag:s18] =	ssyncset.done $0x0  }
0x15a: {  	s31 =	sadd.s32 $0x1400, s26;
	[sflag:s18] =	ssyncadd.s32 $0xFFFFFF80  }
0x15b: {  	[spmem:s1] =	stream.indirect.scatter.add.f32 [tilespmem:s14], [sflag:$0x3], $0x80, s31, s13, $0xb8;
	[tilespmem:$0x1EB80] =	vst v63  }
0x15c: {  	_ =	swait.ge [sflag:s11], $0x4000  }
0x15d: {  	[sflag:s11] =	ssyncset.done $0x0  }
0x15e: {  	[sflag:s11] =	ssyncadd.s32 $0xFFFFC000  }
0x15f: {  	[spmem:s2] =	stream.indirect.scatter.add.f32 [tilespmem:s15], [sflag:$0x3], $0x1, s31, s13, $0xb8;
	[tilespmem:$0x1EB80] =	vst v63  }
0x160: {  	_ =	swait.ge [sflag:s11], $0x80  }
0x161: {  	[sflag:s11] =	ssyncset.done $0x0  }
0x162: {  	s29 =	sadd.s32 $0x100, s26;
	[sflag:s11] =	ssyncadd.s32 $0xFFFFFF80  }
0x163: {  	[tilespmem:s14], [sflag:$0x1] =	stream.indirect.gather [hbm4b:s5+s13], $0x80, s29, s13, $0xb8;
	[tilespmem:$0x1EB80] =	vst v63  }
0x164: {  	_ = 	snop  }
0x165: {  	[tilespmem:s15], [sflag:$0x1] =	stream.indirect.gather [hbm4b:s6+s13], $0x1, s29, s13, $0xb8;
	[tilespmem:$0x1EB80] =	vst v63  }
0x166: {  	_ =	swait.ge [sflag:s19], $0x4000  }
0x167: {  	[sflag:s19] =	ssyncset.done $0x0  }
0x168: {  	[sflag:s19] =	ssyncadd.s32 $0xFFFFC000  }
0x169: {  	_ =	swait.ge [sflag:s19], $0x80  }
0x16a: {  	[sflag:s19] =	ssyncset.done $0x0  }
0x16b: {  	s30 =	sadd.s32 $0x1480, s26;
	[sflag:s19] =	ssyncadd.s32 $0xFFFFFF80  }
0x16c: {  	[spmem:s1] =	stream.indirect.scatter.add.f32 [tilespmem:s16], [sflag:$0x3], $0x80, s30, s13, $0xb8;
	[tilespmem:$0x1EB80] =	vst v63  }
0x16d: {  	_ =	swait.ge [sflag:s11], $0x4000  }
0x16e: {  	[sflag:s11] =	ssyncset.done $0x0  }
0x16f: {  	[sflag:s11] =	ssyncadd.s32 $0xFFFFC000  }
0x170: {  	[spmem:s2] =	stream.indirect.scatter.add.f32 [tilespmem:s17], [sflag:$0x3], $0x1, s30, s13, $0xb8;
	[tilespmem:$0x1EB80] =	vst v63  }
0x171: {  	_ =	swait.ge [sflag:s11], $0x80  }
0x172: {  	[sflag:s11] =	ssyncset.done $0x0  }
0x173: {  	[sflag:s11] =	ssyncadd.s32 $0xFFFFFF80  }
0x174: {  	[tilespmem:s16], [sflag:$0x2] =	stream.indirect.gather [hbm4b:s5+s13], $0x80, s20, s13, $0xb8;
	[tilespmem:$0x1EB80] =	vst v63  }
0x175: {  	_ = 	snop  }
0x176: {  	[tilespmem:s17], [sflag:$0x2] =	stream.indirect.gather [hbm4b:s6+s13], $0x1, s20, s13, $0xb8;
	[tilespmem:$0x1EB80] =	vst v63  }
0x177: {  	_ =	swait.ge [sflag:s18], $0x4000  }
0x178: {  	[sflag:s18] =	ssyncset.done $0x0  }
0x179: {  	[sflag:s18] =	ssyncadd.s32 $0xFFFFC000  }
0x17a: {  	_ =	swait.ge [sflag:s18], $0x80  }
0x17b: {  	[sflag:s18] =	ssyncset.done $0x0  }
0x17c: {  	[sflag:s18] =	ssyncadd.s32 $0xFFFFFF80  }
0x17d: {  	[spmem:s1] =	stream.indirect.scatter.add.f32 [tilespmem:s14], [sflag:$0x3], $0x80, s21, s13, $0xb8;
	[tilespmem:$0x1EB80] =	vst v63  }
0x17e: {  	_ =	swait.ge [sflag:s11], $0x4000  }
0x17f: {  	[sflag:s11] =	ssyncset.done $0x0  }
0x180: {  	[sflag:s11] =	ssyncadd.s32 $0xFFFFC000  }
0x181: {  	[spmem:s2] =	stream.indirect.scatter.add.f32 [tilespmem:s15], [sflag:$0x3], $0x1, s21, s13, $0xb8;
	[tilespmem:$0x1EB80] =	vst v63  }
0x182: {  	_ =	swait.ge [sflag:s11], $0x80  }
0x183: {  	[sflag:s11] =	ssyncset.done $0x0  }
0x184: {  	[sflag:s11] =	ssyncadd.s32 $0xFFFFFF80  }
0x185: {  	_ =	swait.ge [sflag:s19], $0x4000  }
0x186: {  	[sflag:s19] =	ssyncset.done $0x0  }
0x187: {  	[sflag:s19] =	ssyncadd.s32 $0xFFFFC000  }
0x188: {  	_ =	swait.ge [sflag:s19], $0x80  }
0x189: {  	[sflag:s19] =	ssyncset.done $0x0  }
0x18a: {  	[sflag:s19] =	ssyncadd.s32 $0xFFFFFF80  }
0x18b: {  	[spmem:s1] =	stream.indirect.scatter.add.f32 [tilespmem:s16], [sflag:$0x3], $0x80, s22, s13, $0xb8;
	[tilespmem:$0x1EB80] =	vst v63  }
0x18c: {  	_ =	swait.ge [sflag:s11], $0x4000  }
0x18d: {  	[sflag:s11] =	ssyncset.done $0x0  }
0x18e: {  	[sflag:s11] =	ssyncadd.s32 $0xFFFFC000  }
0x18f: {  	[spmem:s2] =	stream.indirect.scatter.add.f32 [tilespmem:s17], [sflag:$0x3], $0x1, s22, s13, $0xb8;
	[tilespmem:$0x1EB80] =	vst v63  }
0x190: {  	_ =	swait.ge [sflag:s11], $0x80  }
0x191: {  	[sflag:s11] =	ssyncset.done $0x0  }
0x192: {  	[sflag:s11] =	ssyncadd.s32 $0xFFFFFF80  }
0x193: {  	[bflag:$0x0] =	sbarrier.arrive $0xFFFF  }
0x194: {  	s31 =	rddreg [dreg:$0xa]  }
0x195: {  	[hbm:s31], [sflag:s10] =	dma.local [spmem:s24], $0x2800  }
0x196: {  	_ =	swait.ge [sflag:s11], $0x2800  }
0x197: {  	s29 =	simm.s32 $0x20;
	[sflag:s11] =	ssyncset.done $0x0  }
0x198: {  	s30 =	simm.s32 $0x10;
	s26 =	rddreg [dreg:$0xb];
	[sflag:s11] =	ssyncadd.s32 $0xFFFFD800  }
0x199: {  	[hbm:s26@s29], [sflag:s10] =	dma.strided [spmem:s25@s30], $0x50, s18, $0x10   }
0x19a: {  	_ =	swait.ge [sflag:s11], $0x50  }
0x19b: {  	s23 =	sadd.s32 $0x1, s23;
	s31 =	rddreg [dreg:$0xc]  }
0x19c: {  	p0 =	sne.s32 s23, s31  }
.Ltmp2:
0x19d: {  	_ = 	snop;
	(pc) =	sbr.rel @p0 .LBB2_1-.Ltmp2, $3  }
0x19e: {  	_ =	sdelay $0x1  }
0x19f: {  	[sflag:s11] =	ssyncset.done $0x0  }
0x1a0: {  	[sflag:s11] =	ssyncadd.s32 $0xFFFFFFB0  }
0x1a1: {  	_ =	sfence.sel $0x180000  }
0x1a2: {  	[bflag:$0x0] =	sbarrier.arrive $0xFFFF  }
0x1a3: {  	_ =	strace $0x90000047  }
0x1a4: {  	s0 =	stileid.u32;
	[bflag:$0x2] =	sbarrier.arrive $0xFFFF  }
0x1a5: {  	p0 =	sne.s32 s0, $0x0;
	s0 =	rddreg [dreg:$0x3]  }
0x1a6: {  	s0 =	sadd.s32 @!p0 $0x100000, s0  }
0x1a7: {  	[sflag:s0] =	ssyncadd.tile.s32 @!p0 $0x1;
	_ =	shalt  }
.Lfunc_end2:
_tile_overlayer_lowered:
.L_overlay_start_2:
0x1a8: {  	(tag) =	ssettag $0x2  }
0x1a9: {  	s0 =	rddreg [dreg:$0x0];
	s2 =	stileid.u32  }
0x1aa: {  	s1 =	rddreg [dreg:$0x1];
	p0 =	sne.s32 s2, $0x0  }
0x1ab: {  	s3 =	rddreg [dreg:$0x2];
	[bflag:$0x3] =	sbarrier.arrive $0xFFFF;
	s2 =	simm.s32 @!p0 $0x1C03  }
0x1ac: {  	[timem:s3], [sflag:s2] =	dma.local @!p0 [hbm:s0], s1  }
0x1ad: {  	s0 =	simm.s32 @!p0 $0x3  }
0x1ae: {  	_ =	swait.ge @!p0 [sflag:s0], s1  }
0x1af: {  	s1 =	ssub.s32 @!p0 $0x0, s1;
	[sflag:s0] =	ssyncset.done @!p0 $0x0  }
0x1b0: {  	[sflag:s0] =	ssyncadd.s32 @!p0 s1  }
0x1b1: {  	[bflag:$0x3] =	sbarrier.arrive $0xFFFF  }
0x1b2: {  	_ =	shalt  }

</sc_bundles>
